<compile_context>
chip_gen: v7x
topology: tpu7x:2x2x1
jax: 0.10.2.dev20260603
libtpu: 0.0.44.dev20260713+nightly
codegen_flags: <defaults>
</compile_context>

<pallas_src>
import functools

import jax
import jax.numpy as jnp
from jax import lax
from jax.experimental import pallas as pl
from jax.experimental.pallas import tpu as pltpu
from jax.experimental.pallas import tpu_sc as plsc

_SAMPLES = 512
_RADIUS = 0.1
_K = 32
_SB = 512

_NC = 2
_NS = 16
_NW = _NC * _NS


def _fps_body(xyz_ref, cx_ref, cy_ref, cz_ref, dist_ref):
    x = xyz_ref[0]
    y = xyz_ref[1]
    z = xyz_ref[2]
    B, N = x.shape
    lane_n = lax.broadcasted_iota(jnp.int32, (B, N), 1)
    lane_s = lax.broadcasted_iota(jnp.int32, (B, _SAMPLES), 1)
    dist_ref[...] = jnp.full((B, N), 1e10, jnp.float32)

    def body(s, far):
        sel = lane_n == far
        cx = jnp.sum(jnp.where(sel, x, 0.0), axis=1, keepdims=True)
        cy = jnp.sum(jnp.where(sel, y, 0.0), axis=1, keepdims=True)
        cz = jnp.sum(jnp.where(sel, z, 0.0), axis=1, keepdims=True)
        sels = lane_s == s
        cx_ref[...] = jnp.where(sels, cx, cx_ref[...])
        cy_ref[...] = jnp.where(sels, cy, cy_ref[...])
        cz_ref[...] = jnp.where(sels, cz, cz_ref[...])
        d = (x - cx) ** 2 + (y - cy) ** 2 + (z - cz) ** 2
        dist = jnp.minimum(dist_ref[...], d)
        dist_ref[...] = dist
        m = jnp.max(dist, axis=1, keepdims=True)
        cand = jnp.where(dist == m, lane_n, N)
        return jnp.min(cand, axis=1, keepdims=True)

    far0 = jnp.zeros((B, 1), jnp.int32)
    lax.fori_loop(0, _SAMPLES, body, far0)


def _fps(xyz_t):
    _, B, N = xyz_t.shape
    out = jax.ShapeDtypeStruct((B, _SAMPLES), jnp.float32)
    return pl.pallas_call(
        _fps_body,
        out_shape=(out, out, out),
        scratch_shapes=[pltpu.VMEM((B, N), jnp.float32)],
    )(xyz_t)


def _bq_body(xyz_ref, c_ref, wmat_ref, gidx_ref):
    b = pl.program_id(0)
    x = xyz_ref[0, 0:1, :]
    y = xyz_ref[0, 1:2, :]
    z = xyz_ref[0, 2:3, :]
    N = x.shape[1]
    G = N // 16
    c = c_ref[0]
    cx = c[:, 0:1]
    cy = c[:, 1:2]
    cz = c[:, 2:3]
    d = (cx - x) ** 2 + (cy - y) ** 2 + (cz - z) ** 2
    maskf = jnp.where(d <= _RADIUS * _RADIUS, 1.0, 0.0).astype(jnp.bfloat16)
    w = lax.dot_general(
        maskf,
        wmat_ref[...],
        (((1,), (0,)), ((), ())),
        preferred_element_type=jnp.float32,
    ).astype(jnp.int32)
    wpos = lax.broadcasted_iota(jnp.int32, w.shape, 1)
    first = None
    for k in range(_K):
        cw = jnp.min(jnp.where(w != 0, wpos, G), axis=1, keepdims=True)
        hit = wpos == cw
        wv = jnp.sum(jnp.where(hit, w, 0), axis=1, keepdims=True)
        low = wv & (-wv)
        pos = (lax.bitcast_convert_type(low.astype(jnp.float32), jnp.int32) >> 23) - 127
        cur = jnp.where(cw == G, N, cw * 16 + pos)
        if k == 0:
            first = jnp.where(cur == N, 0, cur)
        curp = jnp.where(cur == N, first, cur)
        gidx_ref[0, :, k : k + 1] = curp + b * N
        w = jnp.where(hit, w - low, w)


def _ball_query(xyz_bt, centroids, wmat):
    B, _, N = xyz_bt.shape
    S = centroids.shape[1]
    G = N // 16
    sb = min(_SB, S)
    grid = (B, S // sb)
    return pl.pallas_call(
        _bq_body,
        grid=grid,
        in_specs=[
            pl.BlockSpec((1, 3, N), lambda b, s: (b, 0, 0)),
            pl.BlockSpec((1, sb, 3), lambda b, s: (b, s, 0)),
            pl.BlockSpec((N, G), lambda b, s: (0, 0)),
        ],
        out_specs=pl.BlockSpec((1, sb, _K), lambda b, s: (b, s, 0)),
        out_shape=jax.ShapeDtypeStruct((B, S, _K), jnp.int32),
    )(xyz_bt, centroids, wmat)


def _center_body(xg_ref, c_ref, out_ref):
    out_ref[...] = xg_ref[:, :, :3] - c_ref[...]


def _center(xg, centroids_r):
    BS = xg.shape[0]
    RB = 512
    return pl.pallas_call(
        _center_body,
        grid=(BS // RB,),
        in_specs=[
            pl.BlockSpec((RB, _K, 16), lambda i: (i, 0, 0)),
            pl.BlockSpec((RB, 1, 3), lambda i: (i, 0, 0)),
        ],
        out_specs=pl.BlockSpec((RB, _K, 3), lambda i: (i, 0, 0)),
        out_shape=jax.ShapeDtypeStruct((BS, _K, 3), jnp.float32),
    )(xg, centroids_r)


def _make_sc_gather2(R, DF, DX, chunk):
    per_w = R // _NW
    n_chunks = per_w // chunk
    mesh = plsc.VectorSubcoreMesh(core_axis_name="c", subcore_axis_name="s")

    @functools.partial(
        pl.kernel,
        mesh=mesh,
        compiler_params=pltpu.CompilerParams(use_tc_tiling_on_sc=False),
        out_type=(
            jax.ShapeDtypeStruct((R, DF), jnp.float32),
            jax.ShapeDtypeStruct((R, DX), jnp.float32),
        ),
        scratch_types=[
            pltpu.VMEM((chunk,), jnp.int32),
            pltpu.VMEM((chunk, DF), jnp.float32),
            pltpu.VMEM((chunk, DX), jnp.float32),
            pltpu.SemaphoreType.DMA,
            pltpu.SemaphoreType.DMA,
        ],
    )
    def gather(ftab_hbm, xtab_hbm, idx_hbm, fout_hbm, xout_hbm,
               idx_v, frows_v, xrows_v, fsem, xsem):
        wid = lax.axis_index("s") * _NC + lax.axis_index("c")
        base = wid * per_w
        for c in range(n_chunks):
            off = base + c * chunk
            pltpu.sync_copy(idx_hbm.at[pl.ds(off, chunk)], idx_v)
            fcp = pltpu.async_copy(ftab_hbm.at[idx_v], frows_v, fsem)
            xcp = pltpu.async_copy(xtab_hbm.at[idx_v], xrows_v, xsem)
            fcp.wait()
            xcp.wait()
            pltpu.sync_copy(frows_v, fout_hbm.at[pl.ds(off, chunk)])
            pltpu.sync_copy(xrows_v, xout_hbm.at[pl.ds(off, chunk)])

    return gather


def kernel(xyz, features):
    B, N, _ = xyz.shape
    C = features.shape[-1]
    xyz_t = jnp.transpose(xyz, (2, 0, 1))
    cx, cy, cz = _fps(xyz_t)
    centroids = jnp.stack([cx, cy, cz], axis=-1)
    xyz_bt = jnp.transpose(xyz, (0, 2, 1))
    ar = jnp.arange(N)
    wmat = (
        (ar[:, None] // 16 == jnp.arange(N // 16)[None, :]).astype(jnp.float32)
        * (2.0 ** (ar % 16))[:, None]
    ).astype(jnp.bfloat16)
    gidx = _ball_query(xyz_bt, centroids, wmat)
    R = B * _SAMPLES * _K
    ftab = features.reshape(B * N, C)
    xtab = jnp.pad(xyz.reshape(B * N, 3), ((0, 0), (0, 13)))
    ffl, xfl = _make_sc_gather2(R, C, 16, 1024)(ftab, xtab, gidx.reshape(R))
    g_feat = ffl.reshape(B, _SAMPLES, _K, C)
    cen_r = centroids.reshape(B * _SAMPLES, 1, 3)
    g_xyz = _center(xfl.reshape(B * _SAMPLES, _K, 16), cen_r).reshape(
        B, _SAMPLES, _K, 3
    )
    return (centroids, g_xyz, g_feat)

# --- scband reference (transcript-rebuilt; emitter-appended) ---
"""Pipeline reference for scband-sample-and-group-44324062494987 (READ-ONLY COPY).

The authoritative reference and input builder live on the scoring server;
editing this copy changes nothing except your own understanding.
"""

import jax, jax.numpy as jnp
import numpy as np

SAMPLES = 512
RADIUS = 0.1
MAX_NEIGHBORS = 32


def setup_inputs(seed: int = 0) -> dict:
    key = jax.random.key(seed)
    k1, k2 = jax.random.split(key)
    xyz = jax.random.uniform(k1, (8, 8192, 3), dtype=jnp.float32)
    features = jax.random.normal(k2, (8, 8192, 64), dtype=jnp.float32)
    return {"xyz": xyz, "features": features}


def farthest_point_sample(xyz, n_samples):
    B, N, _ = xyz.shape

    def step(carry, _):
        dist, farthest = carry
        centroid = jnp.take_along_axis(xyz, farthest[:, None, None], axis=1)  # [B,1,3]
        d = jnp.sum((xyz - centroid) ** 2, axis=-1)  # [B,N]
        dist = jnp.minimum(dist, d)
        nxt = jnp.argmax(dist, axis=-1).astype(jnp.int32)
        return (dist, nxt), farthest

    init = (jnp.full((B, N), 1e10, dtype=jnp.float32), jnp.zeros((B,), dtype=jnp.int32))
    _, idxs = jax.lax.scan(step, init, None, length=n_samples)  # idxs: [S,B]
    return jnp.transpose(idxs, (1, 0))  # [B,S]


def ball_query(centroids, xyz, features, radius, k):
    B, S, _ = centroids.shape
    N = xyz.shape[1]
    sqr = jnp.sum((centroids[:, :, None, :] - xyz[:, None, :, :]) ** 2, axis=-1)  # [B,S,N]
    idx = jnp.where(sqr <= radius * radius,
                    jnp.arange(N, dtype=jnp.int32)[None, None, :],
                    jnp.int32(N))
    idx = jnp.sort(idx, axis=-1)[:, :, :k]  # first k in-ball indices, N = sentinel
    first = idx[:, :, :1]
    idx = jnp.where(idx == N, first, idx)  # pad with first valid neighbor
    idx = jnp.where(idx == N, 0, idx)      # no neighbor at all -> index 0
    b = jnp.arange(B)[:, None, None]
    g_xyz = xyz[b, idx] - centroids[:, :, None, :]   # [B,S,K,3] centered on centroid
    g_feat = features[b, idx]                         # [B,S,K,C]
    return g_xyz, g_feat


def reference(xyz, features):
    cidx = farthest_point_sample(xyz, SAMPLES)  # no_grad in original: pure int indices
    centroids = jnp.take_along_axis(xyz, cidx[:, :, None], axis=1)  # [B,S,3]
    g_xyz, g_feat = ball_query(centroids, xyz, features, RADIUS, MAX_NEIGHBORS)
    return (centroids, g_xyz, g_feat)

if __name__ == "__main__":
    import jax
    _d = setup_inputs()
    print(jax.jit(kernel)(*tuple(_d.values())))

</pallas_src>

<mosaic_0001>
#map = affine_map<(d0, d1) -> (0, 0)>
#map1 = affine_map<(d0, d1) -> (0)>
module attributes {stable_mosaic.version = 14 : i64} {
  func.func @gather(%arg0: i32, %arg1: i32, %arg2: memref<65536x64xf32, #tpu.memory_space<hbm>>, %arg3: memref<65536x16xf32, #tpu.memory_space<hbm>>, %arg4: memref<131072xi32, #tpu.memory_space<hbm>>, %arg5: memref<131072x64xf32, #tpu.memory_space<hbm>>, %arg6: memref<131072x16xf32, #tpu.memory_space<hbm>>, %arg7: memref<1024xi32, #tpu.memory_space<vmem>>, %arg8: memref<1024x64xf32, #tpu.memory_space<vmem>>, %arg9: memref<1024x16xf32, #tpu.memory_space<vmem>>, %arg10: memref<!tpu.dma_semaphore, #tpu.memory_space<semaphore_mem>>, %arg11: memref<!tpu.dma_semaphore, #tpu.memory_space<semaphore_mem>>) attributes {dimension_semantics = [#tpu.dimension_semantics<core_parallel>, #tpu.dimension_semantics<subcore_parallel>], iteration_bounds = array<i64: 2, 16>, scalar_prefetch = 0 : i64, scratch_operands = 5 : i64, tpu.core_type = #tpu.core_type<sc_vector_subcore>, window_params = [{transform_indices = #map}, {transform_indices = #map}, {transform_indices = #map1}, {transform_indices = #map}, {transform_indices = #map}]} {
    %mul3A = arith.constant 2 : i32
    %mul3A_0 = arith.muli %arg1, %mul3A : i32
    %add3A = arith.addi %mul3A_0, %arg0 : i32
    %mul3A_1 = arith.constant 4096 : i32
    %mul3A_2 = arith.muli %add3A, %mul3A_1 : i32
    %add3A_3 = arith.constant 0 : i32
    %add3A_4 = arith.addi %mul3A_2, %add3A_3 : i32
    "tpu.region"() ({
      %run_scoped3A = tpu.sem_alloc : memref<!tpu.dma_semaphore, #tpu.memory_space<semaphore_mem>>
      %dma_start3A_57 = tpu.memref_slice %arg4[%add3A_4] : memref<131072xi32, #tpu.memory_space<hbm>> -> memref<1024xi32, #tpu.memory_space<hbm>>
      %dma_start3A_58 = tpu.memref_slice %arg4[%add3A_4] : memref<131072xi32, #tpu.memory_space<hbm>> -> memref<1024xi32, #tpu.memory_space<hbm>>
      tpu.enqueue_dma source(%dma_start3A_58 : memref<1024xi32, #tpu.memory_space<hbm>>) target(%arg7 : memref<1024xi32, #tpu.memory_space<vmem>>) target_semaphore(%run_scoped3A : memref<!tpu.dma_semaphore, #tpu.memory_space<semaphore_mem>>)
      %dma_wait3A_59 = tpu.memref_slice %arg4[%add3A_4] : memref<131072xi32, #tpu.memory_space<hbm>> -> memref<1024xi32, #tpu.memory_space<hbm>>
      %dma_wait3A_60 = tpu.memref_slice %arg4[%add3A_4] : memref<131072xi32, #tpu.memory_space<hbm>> -> memref<1024xi32, #tpu.memory_space<hbm>>
      tpu.wait_dma2 semaphore(%run_scoped3A : memref<!tpu.dma_semaphore, #tpu.memory_space<semaphore_mem>>) src(%dma_wait3A_60 : memref<1024xi32, #tpu.memory_space<hbm>>) dst(%arg7 : memref<1024xi32, #tpu.memory_space<vmem>>)
      tpu.yield
    }) : () -> ()
    %dma_start3A = arith.constant 0 : i32
    %dma_start3A_5 = arith.constant 0 : i32
    %dma_start3A_6 = tpu.memref_slice %arg2[%dma_start3A, %dma_start3A_5] : memref<65536x64xf32, #tpu.memory_space<hbm>> -> memref<65536x64xf32, #tpu.memory_space<hbm>>
    tpu.enqueue_indirect_dma source(%dma_start3A_6 : memref<65536x64xf32, #tpu.memory_space<hbm>>) target(%arg8 : memref<1024x64xf32, #tpu.memory_space<vmem>>) offsets(%arg7 : memref<1024xi32, #tpu.memory_space<vmem>>) semaphore(%arg10 : memref<!tpu.dma_semaphore, #tpu.memory_space<semaphore_mem>>)
    %dma_start3A_7 = arith.constant 0 : i32
    %dma_start3A_8 = arith.constant 0 : i32
    %dma_start3A_9 = tpu.memref_slice %arg3[%dma_start3A_7, %dma_start3A_8] : memref<65536x16xf32, #tpu.memory_space<hbm>> -> memref<65536x16xf32, #tpu.memory_space<hbm>>
    tpu.enqueue_indirect_dma source(%dma_start3A_9 : memref<65536x16xf32, #tpu.memory_space<hbm>>) target(%arg9 : memref<1024x16xf32, #tpu.memory_space<vmem>>) offsets(%arg7 : memref<1024xi32, #tpu.memory_space<vmem>>) semaphore(%arg11 : memref<!tpu.dma_semaphore, #tpu.memory_space<semaphore_mem>>)
    %dma_wait3A = arith.constant 0 : i32
    %dma_wait3A_10 = arith.constant 0 : i32
    %dma_wait3A_11 = tpu.memref_slice %arg2[%dma_wait3A, %dma_wait3A_10] : memref<65536x64xf32, #tpu.memory_space<hbm>> -> memref<65536x64xf32, #tpu.memory_space<hbm>>
    tpu.wait_indirect_dma semaphore(%arg10 : memref<!tpu.dma_semaphore, #tpu.memory_space<semaphore_mem>>) src(%dma_wait3A_11 : memref<65536x64xf32, #tpu.memory_space<hbm>>) dst(%arg8 : memref<1024x64xf32, #tpu.memory_space<vmem>>)
    %dma_wait3A_12 = arith.constant 0 : i32
    %dma_wait3A_13 = arith.constant 0 : i32
    %dma_wait3A_14 = tpu.memref_slice %arg3[%dma_wait3A_12, %dma_wait3A_13] : memref<65536x16xf32, #tpu.memory_space<hbm>> -> memref<65536x16xf32, #tpu.memory_space<hbm>>
    tpu.wait_indirect_dma semaphore(%arg11 : memref<!tpu.dma_semaphore, #tpu.memory_space<semaphore_mem>>) src(%dma_wait3A_14 : memref<65536x16xf32, #tpu.memory_space<hbm>>) dst(%arg9 : memref<1024x16xf32, #tpu.memory_space<vmem>>)
    "tpu.region"() ({
      %run_scoped3A = tpu.sem_alloc : memref<!tpu.dma_semaphore, #tpu.memory_space<semaphore_mem>>
      %dma_start3A_57 = arith.constant 0 : i32
      %dma_start3A_58 = tpu.memref_slice %arg5[%add3A_4, %dma_start3A_57] : memref<131072x64xf32, #tpu.memory_space<hbm>> -> memref<1024x64xf32, #tpu.memory_space<hbm>>
      %dma_start3A_59 = arith.constant 0 : i32
      %dma_start3A_60 = tpu.memref_slice %arg5[%add3A_4, %dma_start3A_59] : memref<131072x64xf32, #tpu.memory_space<hbm>> -> memref<1024x64xf32, #tpu.memory_space<hbm>>
      tpu.enqueue_dma source(%arg8 : memref<1024x64xf32, #tpu.memory_space<vmem>>) target(%dma_start3A_60 : memref<1024x64xf32, #tpu.memory_space<hbm>>) target_semaphore(%run_scoped3A : memref<!tpu.dma_semaphore, #tpu.memory_space<semaphore_mem>>)
      %dma_wait3A_61 = arith.constant 0 : i32
      %dma_wait3A_62 = tpu.memref_slice %arg5[%add3A_4, %dma_wait3A_61] : memref<131072x64xf32, #tpu.memory_space<hbm>> -> memref<1024x64xf32, #tpu.memory_space<hbm>>
      %dma_wait3A_63 = arith.constant 0 : i32
      %dma_wait3A_64 = tpu.memref_slice %arg5[%add3A_4, %dma_wait3A_63] : memref<131072x64xf32, #tpu.memory_space<hbm>> -> memref<1024x64xf32, #tpu.memory_space<hbm>>
      tpu.wait_dma2 semaphore(%run_scoped3A : memref<!tpu.dma_semaphore, #tpu.memory_space<semaphore_mem>>) src(%arg8 : memref<1024x64xf32, #tpu.memory_space<vmem>>) dst(%dma_wait3A_64 : memref<1024x64xf32, #tpu.memory_space<hbm>>)
      tpu.yield
    }) : () -> ()
    "tpu.region"() ({
      %run_scoped3A = tpu.sem_alloc : memref<!tpu.dma_semaphore, #tpu.memory_space<semaphore_mem>>
      %dma_start3A_57 = arith.constant 0 : i32
      %dma_start3A_58 = tpu.memref_slice %arg6[%add3A_4, %dma_start3A_57] : memref<131072x16xf32, #tpu.memory_space<hbm>> -> memref<1024x16xf32, #tpu.memory_space<hbm>>
      %dma_start3A_59 = arith.constant 0 : i32
      %dma_start3A_60 = tpu.memref_slice %arg6[%add3A_4, %dma_start3A_59] : memref<131072x16xf32, #tpu.memory_space<hbm>> -> memref<1024x16xf32, #tpu.memory_space<hbm>>
      tpu.enqueue_dma source(%arg9 : memref<1024x16xf32, #tpu.memory_space<vmem>>) target(%dma_start3A_60 : memref<1024x16xf32, #tpu.memory_space<hbm>>) target_semaphore(%run_scoped3A : memref<!tpu.dma_semaphore, #tpu.memory_space<semaphore_mem>>)
      %dma_wait3A_61 = arith.constant 0 : i32
      %dma_wait3A_62 = tpu.memref_slice %arg6[%add3A_4, %dma_wait3A_61] : memref<131072x16xf32, #tpu.memory_space<hbm>> -> memref<1024x16xf32, #tpu.memory_space<hbm>>
      %dma_wait3A_63 = arith.constant 0 : i32
      %dma_wait3A_64 = tpu.memref_slice %arg6[%add3A_4, %dma_wait3A_63] : memref<131072x16xf32, #tpu.memory_space<hbm>> -> memref<1024x16xf32, #tpu.memory_space<hbm>>
      tpu.wait_dma2 semaphore(%run_scoped3A : memref<!tpu.dma_semaphore, #tpu.memory_space<semaphore_mem>>) src(%arg9 : memref<1024x16xf32, #tpu.memory_space<vmem>>) dst(%dma_wait3A_64 : memref<1024x16xf32, #tpu.memory_space<hbm>>)
      tpu.yield
    }) : () -> ()
    %add3A_15 = arith.constant 1024 : i32
    %add3A_16 = arith.addi %mul3A_2, %add3A_15 : i32
    "tpu.region"() ({
      %run_scoped3A = tpu.sem_alloc : memref<!tpu.dma_semaphore, #tpu.memory_space<semaphore_mem>>
      %dma_start3A_57 = tpu.memref_slice %arg4[%add3A_16] : memref<131072xi32, #tpu.memory_space<hbm>> -> memref<1024xi32, #tpu.memory_space<hbm>>
      %dma_start3A_58 = tpu.memref_slice %arg4[%add3A_16] : memref<131072xi32, #tpu.memory_space<hbm>> -> memref<1024xi32, #tpu.memory_space<hbm>>
      tpu.enqueue_dma source(%dma_start3A_58 : memref<1024xi32, #tpu.memory_space<hbm>>) target(%arg7 : memref<1024xi32, #tpu.memory_space<vmem>>) target_semaphore(%run_scoped3A : memref<!tpu.dma_semaphore, #tpu.memory_space<semaphore_mem>>)
      %dma_wait3A_59 = tpu.memref_slice %arg4[%add3A_16] : memref<131072xi32, #tpu.memory_space<hbm>> -> memref<1024xi32, #tpu.memory_space<hbm>>
      %dma_wait3A_60 = tpu.memref_slice %arg4[%add3A_16] : memref<131072xi32, #tpu.memory_space<hbm>> -> memref<1024xi32, #tpu.memory_space<hbm>>
      tpu.wait_dma2 semaphore(%run_scoped3A : memref<!tpu.dma_semaphore, #tpu.memory_space<semaphore_mem>>) src(%dma_wait3A_60 : memref<1024xi32, #tpu.memory_space<hbm>>) dst(%arg7 : memref<1024xi32, #tpu.memory_space<vmem>>)
      tpu.yield
    }) : () -> ()
    %dma_start3A_17 = arith.constant 0 : i32
    %dma_start3A_18 = arith.constant 0 : i32
    %dma_start3A_19 = tpu.memref_slice %arg2[%dma_start3A_17, %dma_start3A_18] : memref<65536x64xf32, #tpu.memory_space<hbm>> -> memref<65536x64xf32, #tpu.memory_space<hbm>>
    tpu.enqueue_indirect_dma source(%dma_start3A_19 : memref<65536x64xf32, #tpu.memory_space<hbm>>) target(%arg8 : memref<1024x64xf32, #tpu.memory_space<vmem>>) offsets(%arg7 : memref<1024xi32, #tpu.memory_space<vmem>>) semaphore(%arg10 : memref<!tpu.dma_semaphore, #tpu.memory_space<semaphore_mem>>)
    %dma_start3A_20 = arith.constant 0 : i32
    %dma_start3A_21 = arith.constant 0 : i32
    %dma_start3A_22 = tpu.memref_slice %arg3[%dma_start3A_20, %dma_start3A_21] : memref<65536x16xf32, #tpu.memory_space<hbm>> -> memref<65536x16xf32, #tpu.memory_space<hbm>>
    tpu.enqueue_indirect_dma source(%dma_start3A_22 : memref<65536x16xf32, #tpu.memory_space<hbm>>) target(%arg9 : memref<1024x16xf32, #tpu.memory_space<vmem>>) offsets(%arg7 : memref<1024xi32, #tpu.memory_space<vmem>>) semaphore(%arg11 : memref<!tpu.dma_semaphore, #tpu.memory_space<semaphore_mem>>)
    %dma_wait3A_23 = arith.constant 0 : i32
    %dma_wait3A_24 = arith.constant 0 : i32
    %dma_wait3A_25 = tpu.memref_slice %arg2[%dma_wait3A_23, %dma_wait3A_24] : memref<65536x64xf32, #tpu.memory_space<hbm>> -> memref<65536x64xf32, #tpu.memory_space<hbm>>
    tpu.wait_indirect_dma semaphore(%arg10 : memref<!tpu.dma_semaphore, #tpu.memory_space<semaphore_mem>>) src(%dma_wait3A_25 : memref<65536x64xf32, #tpu.memory_space<hbm>>) dst(%arg8 : memref<1024x64xf32, #tpu.memory_space<vmem>>)
    %dma_wait3A_26 = arith.constant 0 : i32
    %dma_wait3A_27 = arith.constant 0 : i32
    %dma_wait3A_28 = tpu.memref_slice %arg3[%dma_wait3A_26, %dma_wait3A_27] : memref<65536x16xf32, #tpu.memory_space<hbm>> -> memref<65536x16xf32, #tpu.memory_space<hbm>>
    tpu.wait_indirect_dma semaphore(%arg11 : memref<!tpu.dma_semaphore, #tpu.memory_space<semaphore_mem>>) src(%dma_wait3A_28 : memref<65536x16xf32, #tpu.memory_space<hbm>>) dst(%arg9 : memref<1024x16xf32, #tpu.memory_space<vmem>>)
    "tpu.region"() ({
      %run_scoped3A = tpu.sem_alloc : memref<!tpu.dma_semaphore, #tpu.memory_space<semaphore_mem>>
      %dma_start3A_57 = arith.constant 0 : i32
      %dma_start3A_58 = tpu.memref_slice %arg5[%add3A_16, %dma_start3A_57] : memref<131072x64xf32, #tpu.memory_space<hbm>> -> memref<1024x64xf32, #tpu.memory_space<hbm>>
      %dma_start3A_59 = arith.constant 0 : i32
      %dma_start3A_60 = tpu.memref_slice %arg5[%add3A_16, %dma_start3A_59] : memref<131072x64xf32, #tpu.memory_space<hbm>> -> memref<1024x64xf32, #tpu.memory_space<hbm>>
      tpu.enqueue_dma source(%arg8 : memref<1024x64xf32, #tpu.memory_space<vmem>>) target(%dma_start3A_60 : memref<1024x64xf32, #tpu.memory_space<hbm>>) target_semaphore(%run_scoped3A : memref<!tpu.dma_semaphore, #tpu.memory_space<semaphore_mem>>)
      %dma_wait3A_61 = arith.constant 0 : i32
      %dma_wait3A_62 = tpu.memref_slice %arg5[%add3A_16, %dma_wait3A_61] : memref<131072x64xf32, #tpu.memory_space<hbm>> -> memref<1024x64xf32, #tpu.memory_space<hbm>>
      %dma_wait3A_63 = arith.constant 0 : i32
      %dma_wait3A_64 = tpu.memref_slice %arg5[%add3A_16, %dma_wait3A_63] : memref<131072x64xf32, #tpu.memory_space<hbm>> -> memref<1024x64xf32, #tpu.memory_space<hbm>>
      tpu.wait_dma2 semaphore(%run_scoped3A : memref<!tpu.dma_semaphore, #tpu.memory_space<semaphore_mem>>) src(%arg8 : memref<1024x64xf32, #tpu.memory_space<vmem>>) dst(%dma_wait3A_64 : memref<1024x64xf32, #tpu.memory_space<hbm>>)
      tpu.yield
    }) : () -> ()
    "tpu.region"() ({
      %run_scoped3A = tpu.sem_alloc : memref<!tpu.dma_semaphore, #tpu.memory_space<semaphore_mem>>
      %dma_start3A_57 = arith.constant 0 : i32
      %dma_start3A_58 = tpu.memref_slice %arg6[%add3A_16, %dma_start3A_57] : memref<131072x16xf32, #tpu.memory_space<hbm>> -> memref<1024x16xf32, #tpu.memory_space<hbm>>
      %dma_start3A_59 = arith.constant 0 : i32
      %dma_start3A_60 = tpu.memref_slice %arg6[%add3A_16, %dma_start3A_59] : memref<131072x16xf32, #tpu.memory_space<hbm>> -> memref<1024x16xf32, #tpu.memory_space<hbm>>
      tpu.enqueue_dma source(%arg9 : memref<1024x16xf32, #tpu.memory_space<vmem>>) target(%dma_start3A_60 : memref<1024x16xf32, #tpu.memory_space<hbm>>) target_semaphore(%run_scoped3A : memref<!tpu.dma_semaphore, #tpu.memory_space<semaphore_mem>>)
      %dma_wait3A_61 = arith.constant 0 : i32
      %dma_wait3A_62 = tpu.memref_slice %arg6[%add3A_16, %dma_wait3A_61] : memref<131072x16xf32, #tpu.memory_space<hbm>> -> memref<1024x16xf32, #tpu.memory_space<hbm>>
      %dma_wait3A_63 = arith.constant 0 : i32
      %dma_wait3A_64 = tpu.memref_slice %arg6[%add3A_16, %dma_wait3A_63] : memref<131072x16xf32, #tpu.memory_space<hbm>> -> memref<1024x16xf32, #tpu.memory_space<hbm>>
      tpu.wait_dma2 semaphore(%run_scoped3A : memref<!tpu.dma_semaphore, #tpu.memory_space<semaphore_mem>>) src(%arg9 : memref<1024x16xf32, #tpu.memory_space<vmem>>) dst(%dma_wait3A_64 : memref<1024x16xf32, #tpu.memory_space<hbm>>)
      tpu.yield
    }) : () -> ()
    %add3A_29 = arith.constant 2048 : i32
    %add3A_30 = arith.addi %mul3A_2, %add3A_29 : i32
    "tpu.region"() ({
      %run_scoped3A = tpu.sem_alloc : memref<!tpu.dma_semaphore, #tpu.memory_space<semaphore_mem>>
      %dma_start3A_57 = tpu.memref_slice %arg4[%add3A_30] : memref<131072xi32, #tpu.memory_space<hbm>> -> memref<1024xi32, #tpu.memory_space<hbm>>
      %dma_start3A_58 = tpu.memref_slice %arg4[%add3A_30] : memref<131072xi32, #tpu.memory_space<hbm>> -> memref<1024xi32, #tpu.memory_space<hbm>>
      tpu.enqueue_dma source(%dma_start3A_58 : memref<1024xi32, #tpu.memory_space<hbm>>) target(%arg7 : memref<1024xi32, #tpu.memory_space<vmem>>) target_semaphore(%run_scoped3A : memref<!tpu.dma_semaphore, #tpu.memory_space<semaphore_mem>>)
      %dma_wait3A_59 = tpu.memref_slice %arg4[%add3A_30] : memref<131072xi32, #tpu.memory_space<hbm>> -> memref<1024xi32, #tpu.memory_space<hbm>>
      %dma_wait3A_60 = tpu.memref_slice %arg4[%add3A_30] : memref<131072xi32, #tpu.memory_space<hbm>> -> memref<1024xi32, #tpu.memory_space<hbm>>
      tpu.wait_dma2 semaphore(%run_scoped3A : memref<!tpu.dma_semaphore, #tpu.memory_space<semaphore_mem>>) src(%dma_wait3A_60 : memref<1024xi32, #tpu.memory_space<hbm>>) dst(%arg7 : memref<1024xi32, #tpu.memory_space<vmem>>)
      tpu.yield
    }) : () -> ()
    %dma_start3A_31 = arith.constant 0 : i32
    %dma_start3A_32 = arith.constant 0 : i32
    %dma_start3A_33 = tpu.memref_slice %arg2[%dma_start3A_31, %dma_start3A_32] : memref<65536x64xf32, #tpu.memory_space<hbm>> -> memref<65536x64xf32, #tpu.memory_space<hbm>>
    tpu.enqueue_indirect_dma source(%dma_start3A_33 : memref<65536x64xf32, #tpu.memory_space<hbm>>) target(%arg8 : memref<1024x64xf32, #tpu.memory_space<vmem>>) offsets(%arg7 : memref<1024xi32, #tpu.memory_space<vmem>>) semaphore(%arg10 : memref<!tpu.dma_semaphore, #tpu.memory_space<semaphore_mem>>)
    %dma_start3A_34 = arith.constant 0 : i32
    %dma_start3A_35 = arith.constant 0 : i32
    %dma_start3A_36 = tpu.memref_slice %arg3[%dma_start3A_34, %dma_start3A_35] : memref<65536x16xf32, #tpu.memory_space<hbm>> -> memref<65536x16xf32, #tpu.memory_space<hbm>>
    tpu.enqueue_indirect_dma source(%dma_start3A_36 : memref<65536x16xf32, #tpu.memory_space<hbm>>) target(%arg9 : memref<1024x16xf32, #tpu.memory_space<vmem>>) offsets(%arg7 : memref<1024xi32, #tpu.memory_space<vmem>>) semaphore(%arg11 : memref<!tpu.dma_semaphore, #tpu.memory_space<semaphore_mem>>)
    %dma_wait3A_37 = arith.constant 0 : i32
    %dma_wait3A_38 = arith.constant 0 : i32
    %dma_wait3A_39 = tpu.memref_slice %arg2[%dma_wait3A_37, %dma_wait3A_38] : memref<65536x64xf32, #tpu.memory_space<hbm>> -> memref<65536x64xf32, #tpu.memory_space<hbm>>
    tpu.wait_indirect_dma semaphore(%arg10 : memref<!tpu.dma_semaphore, #tpu.memory_space<semaphore_mem>>) src(%dma_wait3A_39 : memref<65536x64xf32, #tpu.memory_space<hbm>>) dst(%arg8 : memref<1024x64xf32, #tpu.memory_space<vmem>>)
    %dma_wait3A_40 = arith.constant 0 : i32
    %dma_wait3A_41 = arith.constant 0 : i32
    %dma_wait3A_42 = tpu.memref_slice %arg3[%dma_wait3A_40, %dma_wait3A_41] : memref<65536x16xf32, #tpu.memory_space<hbm>> -> memref<65536x16xf32, #tpu.memory_space<hbm>>
    tpu.wait_indirect_dma semaphore(%arg11 : memref<!tpu.dma_semaphore, #tpu.memory_space<semaphore_mem>>) src(%dma_wait3A_42 : memref<65536x16xf32, #tpu.memory_space<hbm>>) dst(%arg9 : memref<1024x16xf32, #tpu.memory_space<vmem>>)
    "tpu.region"() ({
      %run_scoped3A = tpu.sem_alloc : memref<!tpu.dma_semaphore, #tpu.memory_space<semaphore_mem>>
      %dma_start3A_57 = arith.constant 0 : i32
      %dma_start3A_58 = tpu.memref_slice %arg5[%add3A_30, %dma_start3A_57] : memref<131072x64xf32, #tpu.memory_space<hbm>> -> memref<1024x64xf32, #tpu.memory_space<hbm>>
      %dma_start3A_59 = arith.constant 0 : i32
      %dma_start3A_60 = tpu.memref_slice %arg5[%add3A_30, %dma_start3A_59] : memref<131072x64xf32, #tpu.memory_space<hbm>> -> memref<1024x64xf32, #tpu.memory_space<hbm>>
      tpu.enqueue_dma source(%arg8 : memref<1024x64xf32, #tpu.memory_space<vmem>>) target(%dma_start3A_60 : memref<1024x64xf32, #tpu.memory_space<hbm>>) target_semaphore(%run_scoped3A : memref<!tpu.dma_semaphore, #tpu.memory_space<semaphore_mem>>)
      %dma_wait3A_61 = arith.constant 0 : i32
      %dma_wait3A_62 = tpu.memref_slice %arg5[%add3A_30, %dma_wait3A_61] : memref<131072x64xf32, #tpu.memory_space<hbm>> -> memref<1024x64xf32, #tpu.memory_space<hbm>>
      %dma_wait3A_63 = arith.constant 0 : i32
      %dma_wait3A_64 = tpu.memref_slice %arg5[%add3A_30, %dma_wait3A_63] : memref<131072x64xf32, #tpu.memory_space<hbm>> -> memref<1024x64xf32, #tpu.memory_space<hbm>>
      tpu.wait_dma2 semaphore(%run_scoped3A : memref<!tpu.dma_semaphore, #tpu.memory_space<semaphore_mem>>) src(%arg8 : memref<1024x64xf32, #tpu.memory_space<vmem>>) dst(%dma_wait3A_64 : memref<1024x64xf32, #tpu.memory_space<hbm>>)
      tpu.yield
    }) : () -> ()
    "tpu.region"() ({
      %run_scoped3A = tpu.sem_alloc : memref<!tpu.dma_semaphore, #tpu.memory_space<semaphore_mem>>
      %dma_start3A_57 = arith.constant 0 : i32
      %dma_start3A_58 = tpu.memref_slice %arg6[%add3A_30, %dma_start3A_57] : memref<131072x16xf32, #tpu.memory_space<hbm>> -> memref<1024x16xf32, #tpu.memory_space<hbm>>
      %dma_start3A_59 = arith.constant 0 : i32
      %dma_start3A_60 = tpu.memref_slice %arg6[%add3A_30, %dma_start3A_59] : memref<131072x16xf32, #tpu.memory_space<hbm>> -> memref<1024x16xf32, #tpu.memory_space<hbm>>
      tpu.enqueue_dma source(%arg9 : memref<1024x16xf32, #tpu.memory_space<vmem>>) target(%dma_start3A_60 : memref<1024x16xf32, #tpu.memory_space<hbm>>) target_semaphore(%run_scoped3A : memref<!tpu.dma_semaphore, #tpu.memory_space<semaphore_mem>>)
      %dma_wait3A_61 = arith.constant 0 : i32
      %dma_wait3A_62 = tpu.memref_slice %arg6[%add3A_30, %dma_wait3A_61] : memref<131072x16xf32, #tpu.memory_space<hbm>> -> memref<1024x16xf32, #tpu.memory_space<hbm>>
      %dma_wait3A_63 = arith.constant 0 : i32
      %dma_wait3A_64 = tpu.memref_slice %arg6[%add3A_30, %dma_wait3A_63] : memref<131072x16xf32, #tpu.memory_space<hbm>> -> memref<1024x16xf32, #tpu.memory_space<hbm>>
      tpu.wait_dma2 semaphore(%run_scoped3A : memref<!tpu.dma_semaphore, #tpu.memory_space<semaphore_mem>>) src(%arg9 : memref<1024x16xf32, #tpu.memory_space<vmem>>) dst(%dma_wait3A_64 : memref<1024x16xf32, #tpu.memory_space<hbm>>)
      tpu.yield
    }) : () -> ()
    %add3A_43 = arith.constant 3072 : i32
    %add3A_44 = arith.addi %mul3A_2, %add3A_43 : i32
    "tpu.region"() ({
      %run_scoped3A = tpu.sem_alloc : memref<!tpu.dma_semaphore, #tpu.memory_space<semaphore_mem>>
      %dma_start3A_57 = tpu.memref_slice %arg4[%add3A_44] : memref<131072xi32, #tpu.memory_space<hbm>> -> memref<1024xi32, #tpu.memory_space<hbm>>
      %dma_start3A_58 = tpu.memref_slice %arg4[%add3A_44] : memref<131072xi32, #tpu.memory_space<hbm>> -> memref<1024xi32, #tpu.memory_space<hbm>>
      tpu.enqueue_dma source(%dma_start3A_58 : memref<1024xi32, #tpu.memory_space<hbm>>) target(%arg7 : memref<1024xi32, #tpu.memory_space<vmem>>) target_semaphore(%run_scoped3A : memref<!tpu.dma_semaphore, #tpu.memory_space<semaphore_mem>>)
      %dma_wait3A_59 = tpu.memref_slice %arg4[%add3A_44] : memref<131072xi32, #tpu.memory_space<hbm>> -> memref<1024xi32, #tpu.memory_space<hbm>>
      %dma_wait3A_60 = tpu.memref_slice %arg4[%add3A_44] : memref<131072xi32, #tpu.memory_space<hbm>> -> memref<1024xi32, #tpu.memory_space<hbm>>
      tpu.wait_dma2 semaphore(%run_scoped3A : memref<!tpu.dma_semaphore, #tpu.memory_space<semaphore_mem>>) src(%dma_wait3A_60 : memref<1024xi32, #tpu.memory_space<hbm>>) dst(%arg7 : memref<1024xi32, #tpu.memory_space<vmem>>)
      tpu.yield
    }) : () -> ()
    %dma_start3A_45 = arith.constant 0 : i32
    %dma_start3A_46 = arith.constant 0 : i32
    %dma_start3A_47 = tpu.memref_slice %arg2[%dma_start3A_45, %dma_start3A_46] : memref<65536x64xf32, #tpu.memory_space<hbm>> -> memref<65536x64xf32, #tpu.memory_space<hbm>>
    tpu.enqueue_indirect_dma source(%dma_start3A_47 : memref<65536x64xf32, #tpu.memory_space<hbm>>) target(%arg8 : memref<1024x64xf32, #tpu.memory_space<vmem>>) offsets(%arg7 : memref<1024xi32, #tpu.memory_space<vmem>>) semaphore(%arg10 : memref<!tpu.dma_semaphore, #tpu.memory_space<semaphore_mem>>)
    %dma_start3A_48 = arith.constant 0 : i32
    %dma_start3A_49 = arith.constant 0 : i32
    %dma_start3A_50 = tpu.memref_slice %arg3[%dma_start3A_48, %dma_start3A_49] : memref<65536x16xf32, #tpu.memory_space<hbm>> -> memref<65536x16xf32, #tpu.memory_space<hbm>>
    tpu.enqueue_indirect_dma source(%dma_start3A_50 : memref<65536x16xf32, #tpu.memory_space<hbm>>) target(%arg9 : memref<1024x16xf32, #tpu.memory_space<vmem>>) offsets(%arg7 : memref<1024xi32, #tpu.memory_space<vmem>>) semaphore(%arg11 : memref<!tpu.dma_semaphore, #tpu.memory_space<semaphore_mem>>)
    %dma_wait3A_51 = arith.constant 0 : i32
    %dma_wait3A_52 = arith.constant 0 : i32
    %dma_wait3A_53 = tpu.memref_slice %arg2[%dma_wait3A_51, %dma_wait3A_52] : memref<65536x64xf32, #tpu.memory_space<hbm>> -> memref<65536x64xf32, #tpu.memory_space<hbm>>
    tpu.wait_indirect_dma semaphore(%arg10 : memref<!tpu.dma_semaphore, #tpu.memory_space<semaphore_mem>>) src(%dma_wait3A_53 : memref<65536x64xf32, #tpu.memory_space<hbm>>) dst(%arg8 : memref<1024x64xf32, #tpu.memory_space<vmem>>)
    %dma_wait3A_54 = arith.constant 0 : i32
    %dma_wait3A_55 = arith.constant 0 : i32
    %dma_wait3A_56 = tpu.memref_slice %arg3[%dma_wait3A_54, %dma_wait3A_55] : memref<65536x16xf32, #tpu.memory_space<hbm>> -> memref<65536x16xf32, #tpu.memory_space<hbm>>
    tpu.wait_indirect_dma semaphore(%arg11 : memref<!tpu.dma_semaphore, #tpu.memory_space<semaphore_mem>>) src(%dma_wait3A_56 : memref<65536x16xf32, #tpu.memory_space<hbm>>) dst(%arg9 : memref<1024x16xf32, #tpu.memory_space<vmem>>)
    "tpu.region"() ({
      %run_scoped3A = tpu.sem_alloc : memref<!tpu.dma_semaphore, #tpu.memory_space<semaphore_mem>>
      %dma_start3A_57 = arith.constant 0 : i32
      %dma_start3A_58 = tpu.memref_slice %arg5[%add3A_44, %dma_start3A_57] : memref<131072x64xf32, #tpu.memory_space<hbm>> -> memref<1024x64xf32, #tpu.memory_space<hbm>>
      %dma_start3A_59 = arith.constant 0 : i32
      %dma_start3A_60 = tpu.memref_slice %arg5[%add3A_44, %dma_start3A_59] : memref<131072x64xf32, #tpu.memory_space<hbm>> -> memref<1024x64xf32, #tpu.memory_space<hbm>>
      tpu.enqueue_dma source(%arg8 : memref<1024x64xf32, #tpu.memory_space<vmem>>) target(%dma_start3A_60 : memref<1024x64xf32, #tpu.memory_space<hbm>>) target_semaphore(%run_scoped3A : memref<!tpu.dma_semaphore, #tpu.memory_space<semaphore_mem>>)
      %dma_wait3A_61 = arith.constant 0 : i32
      %dma_wait3A_62 = tpu.memref_slice %arg5[%add3A_44, %dma_wait3A_61] : memref<131072x64xf32, #tpu.memory_space<hbm>> -> memref<1024x64xf32, #tpu.memory_space<hbm>>
      %dma_wait3A_63 = arith.constant 0 : i32
      %dma_wait3A_64 = tpu.memref_slice %arg5[%add3A_44, %dma_wait3A_63] : memref<131072x64xf32, #tpu.memory_space<hbm>> -> memref<1024x64xf32, #tpu.memory_space<hbm>>
      tpu.wait_dma2 semaphore(%run_scoped3A : memref<!tpu.dma_semaphore, #tpu.memory_space<semaphore_mem>>) src(%arg8 : memref<1024x64xf32, #tpu.memory_space<vmem>>) dst(%dma_wait3A_64 : memref<1024x64xf32, #tpu.memory_space<hbm>>)
      tpu.yield
    }) : () -> ()
    "tpu.region"() ({
      %run_scoped3A = tpu.sem_alloc : memref<!tpu.dma_semaphore, #tpu.memory_space<semaphore_mem>>
      %dma_start3A_57 = arith.constant 0 : i32
      %dma_start3A_58 = tpu.memref_slice %arg6[%add3A_44, %dma_start3A_57] : memref<131072x16xf32, #tpu.memory_space<hbm>> -> memref<1024x16xf32, #tpu.memory_space<hbm>>
      %dma_start3A_59 = arith.constant 0 : i32
      %dma_start3A_60 = tpu.memref_slice %arg6[%add3A_44, %dma_start3A_59] : memref<131072x16xf32, #tpu.memory_space<hbm>> -> memref<1024x16xf32, #tpu.memory_space<hbm>>
      tpu.enqueue_dma source(%arg9 : memref<1024x16xf32, #tpu.memory_space<vmem>>) target(%dma_start3A_60 : memref<1024x16xf32, #tpu.memory_space<hbm>>) target_semaphore(%run_scoped3A : memref<!tpu.dma_semaphore, #tpu.memory_space<semaphore_mem>>)
      %dma_wait3A_61 = arith.constant 0 : i32
      %dma_wait3A_62 = tpu.memref_slice %arg6[%add3A_44, %dma_wait3A_61] : memref<131072x16xf32, #tpu.memory_space<hbm>> -> memref<1024x16xf32, #tpu.memory_space<hbm>>
      %dma_wait3A_63 = arith.constant 0 : i32
      %dma_wait3A_64 = tpu.memref_slice %arg6[%add3A_44, %dma_wait3A_63] : memref<131072x16xf32, #tpu.memory_space<hbm>> -> memref<1024x16xf32, #tpu.memory_space<hbm>>
      tpu.wait_dma2 semaphore(%run_scoped3A : memref<!tpu.dma_semaphore, #tpu.memory_space<semaphore_mem>>) src(%arg9 : memref<1024x16xf32, #tpu.memory_space<vmem>>) dst(%dma_wait3A_64 : memref<1024x16xf32, #tpu.memory_space<hbm>>)
      tpu.yield
    }) : () -> ()
    return
  }
}

module attributes {stable_mosaic.version = 14 : i64} {
  func.func @_fps_body(%arg0: memref<3x8x8192xf32, #tpu.memory_space<vmem>>, %arg1: memref<8x512xf32, #tpu.memory_space<vmem>>, %arg2: memref<8x512xf32, #tpu.memory_space<vmem>>, %arg3: memref<8x512xf32, #tpu.memory_space<vmem>>, %arg4: memref<8x8192xf32, #tpu.memory_space<vmem>>) attributes {dimension_semantics = [], scalar_prefetch = 0 : i64, scratch_operands = 1 : i64, tpu.core_type = #tpu.core_type<tc>} {
    %get3A = arith.constant 0 : index
    %get3A_0 = arith.constant 0 : index
    %get3A_1 = arith.constant 0 : index
    %get3A_2 = vector.load %arg0[%get3A, %get3A_0, %get3A_1] : memref<3x8x8192xf32, #tpu.memory_space<vmem>>, vector<1x8x8192xf32>
    %get3A_3 = vector.shape_cast %get3A_2 : vector<1x8x8192xf32> to vector<8x8192xf32>
    %get3A_4 = arith.constant 1 : index
    %get3A_5 = arith.constant 0 : index
    %get3A_6 = arith.constant 0 : index
    %get3A_7 = vector.load %arg0[%get3A_4, %get3A_5, %get3A_6] : memref<3x8x8192xf32, #tpu.memory_space<vmem>>, vector<1x8x8192xf32>
    %get3A_8 = vector.shape_cast %get3A_7 : vector<1x8x8192xf32> to vector<8x8192xf32>
    %get3A_9 = arith.constant 2 : index
    %get3A_10 = arith.constant 0 : index
    %get3A_11 = arith.constant 0 : index
    %get3A_12 = vector.load %arg0[%get3A_9, %get3A_10, %get3A_11] : memref<3x8x8192xf32, #tpu.memory_space<vmem>>, vector<1x8x8192xf32>
    %get3A_13 = vector.shape_cast %get3A_12 : vector<1x8x8192xf32> to vector<8x8192xf32>
    %iota3A = tpu.iota {dimensions = array<i32: 1>} : vector<8x8192xi32>
    %iota3A_14 = tpu.iota {dimensions = array<i32: 1>} : vector<8x512xi32>
    %broadcast_in_dim3A = arith.constant 1.000000e+10 : f32
    %broadcast_in_dim3A_15 = vector.broadcast %broadcast_in_dim3A : f32 to vector<8x8192xf32>
    %swap3A = arith.constant 0 : index
    %swap3A_16 = arith.constant 0 : index
    %swap3A_17 = vector.load %arg4[%swap3A, %swap3A_16] : memref<8x8192xf32, #tpu.memory_space<vmem>>, vector<8x8192xf32>
    tpu.vector_store %arg4[%swap3A, %swap3A_16], %broadcast_in_dim3A_15 {strides = array<i32>} : memref<8x8192xf32, #tpu.memory_space<vmem>>, vector<8x8192xf32>,
    %broadcast_in_dim3A_18 = arith.constant 0 : i32
    %broadcast_in_dim3A_19 = vector.broadcast %broadcast_in_dim3A_18 : i32 to vector<8x1xi32>
    %scan3A = arith.constant 0 : i32
    %scan3A_20 = arith.constant 512 : i32
    %scan3A_21 = arith.addi %scan3A, %scan3A_20 : i32
    %scan3A_22 = arith.constant 1 : i32
    %scan3A_23 = scf.for %scan3A_25 = %scan3A to %scan3A_21 step %scan3A_22 iter_args(%scan3A_26 = %broadcast_in_dim3A_19) -> (vector<8x1xi32>)  : i32 {
      %eq3A = vector.broadcast %scan3A_26 : vector<8x1xi32> to vector<8x8192xi32>
      %eq3A_27 = arith.cmpi eq, %iota3A, %eq3A : vector<8x8192xi32>
      %jit3A = arith.constant 0.000000e+00 : f32
      %broadcast_in_dim3A_28 = vector.broadcast %jit3A : f32 to vector<8x8192xf32>
      %select_n3A = arith.select %eq3A_27, %get3A_3, %broadcast_in_dim3A_28 : vector<8x8192xi1>, vector<8x8192xf32>
      %reduce_sum3A = arith.constant dense<0.000000e+00> : vector<8xf32>
      %reduce_sum3A_29 = vector.multi_reduction <add>, %select_n3A, %reduce_sum3A [1] : vector<8x8192xf32> to vector<8xf32>
      %broadcast_in_dim3A_30 = vector.shape_cast %reduce_sum3A_29 : vector<8xf32> to vector<8x1xf32>
      %jit3A_31 = arith.constant 0.000000e+00 : f32
      %broadcast_in_dim3A_32 = vector.broadcast %jit3A_31 : f32 to vector<8x8192xf32>
      %select_n3A_33 = arith.select %eq3A_27, %get3A_8, %broadcast_in_dim3A_32 : vector<8x8192xi1>, vector<8x8192xf32>
      %reduce_sum3A_34 = arith.constant dense<0.000000e+00> : vector<8xf32>
      %reduce_sum3A_35 = vector.multi_reduction <add>, %select_n3A_33, %reduce_sum3A_34 [1] : vector<8x8192xf32> to vector<8xf32>
      %broadcast_in_dim3A_36 = vector.shape_cast %reduce_sum3A_35 : vector<8xf32> to vector<8x1xf32>
      %jit3A_37 = arith.constant 0.000000e+00 : f32
      %broadcast_in_dim3A_38 = vector.broadcast %jit3A_37 : f32 to vector<8x8192xf32>
      %select_n3A_39 = arith.select %eq3A_27, %get3A_13, %broadcast_in_dim3A_38 : vector<8x8192xi1>, vector<8x8192xf32>
      %reduce_sum3A_40 = arith.constant dense<0.000000e+00> : vector<8xf32>
      %reduce_sum3A_41 = vector.multi_reduction <add>, %select_n3A_39, %reduce_sum3A_40 [1] : vector<8x8192xf32> to vector<8xf32>
      %broadcast_in_dim3A_42 = vector.shape_cast %reduce_sum3A_41 : vector<8xf32> to vector<8x1xf32>
      %eq3A_43 = vector.broadcast %scan3A_25 : i32 to vector<8x512xi32>
      %eq3A_44 = arith.cmpi eq, %iota3A_14, %eq3A_43 : vector<8x512xi32>
      %get3A_45 = arith.constant 0 : index
      %get3A_46 = arith.constant 0 : index
      %get3A_47 = vector.load %arg1[%get3A_45, %get3A_46] : memref<8x512xf32, #tpu.memory_space<vmem>>, vector<8x512xf32>
      %broadcast_in_dim3A_48 = vector.shape_cast %broadcast_in_dim3A_30 : vector<8x1xf32> to vector<8x1xf32>
      %broadcast_in_dim3A_49 = vector.broadcast %broadcast_in_dim3A_48 : vector<8x1xf32> to vector<8x512xf32>
      %select_n3A_50 = arith.select %eq3A_44, %broadcast_in_dim3A_49, %get3A_47 : vector<8x512xi1>, vector<8x512xf32>
      %swap3A_51 = arith.constant 0 : index
      %swap3A_52 = arith.constant 0 : index
      %swap3A_53 = vector.load %arg1[%swap3A_51, %swap3A_52] : memref<8x512xf32, #tpu.memory_space<vmem>>, vector<8x512xf32>
      tpu.vector_store %arg1[%swap3A_51, %swap3A_52], %select_n3A_50 {strides = array<i32>} : memref<8x512xf32, #tpu.memory_space<vmem>>, vector<8x512xf32>,
      %get3A_54 = arith.constant 0 : index
      %get3A_55 = arith.constant 0 : index
      %get3A_56 = vector.load %arg2[%get3A_54, %get3A_55] : memref<8x512xf32, #tpu.memory_space<vmem>>, vector<8x512xf32>
      %broadcast_in_dim3A_57 = vector.shape_cast %broadcast_in_dim3A_36 : vector<8x1xf32> to vector<8x1xf32>
      %broadcast_in_dim3A_58 = vector.broadcast %broadcast_in_dim3A_57 : vector<8x1xf32> to vector<8x512xf32>
      %select_n3A_59 = arith.select %eq3A_44, %broadcast_in_dim3A_58, %get3A_56 : vector<8x512xi1>, vector<8x512xf32>
      %swap3A_60 = arith.constant 0 : index
      %swap3A_61 = arith.constant 0 : index
      %swap3A_62 = vector.load %arg2[%swap3A_60, %swap3A_61] : memref<8x512xf32, #tpu.memory_space<vmem>>, vector<8x512xf32>
      tpu.vector_store %arg2[%swap3A_60, %swap3A_61], %select_n3A_59 {strides = array<i32>} : memref<8x512xf32, #tpu.memory_space<vmem>>, vector<8x512xf32>,
      %get3A_63 = arith.constant 0 : index
      %get3A_64 = arith.constant 0 : index
      %get3A_65 = vector.load %arg3[%get3A_63, %get3A_64] : memref<8x512xf32, #tpu.memory_space<vmem>>, vector<8x512xf32>
      %broadcast_in_dim3A_66 = vector.shape_cast %broadcast_in_dim3A_42 : vector<8x1xf32> to vector<8x1xf32>
      %broadcast_in_dim3A_67 = vector.broadcast %broadcast_in_dim3A_66 : vector<8x1xf32> to vector<8x512xf32>
      %select_n3A_68 = arith.select %eq3A_44, %broadcast_in_dim3A_67, %get3A_65 : vector<8x512xi1>, vector<8x512xf32>
      %swap3A_69 = arith.constant 0 : index
      %swap3A_70 = arith.constant 0 : index
      %swap3A_71 = vector.load %arg3[%swap3A_69, %swap3A_70] : memref<8x512xf32, #tpu.memory_space<vmem>>, vector<8x512xf32>
      tpu.vector_store %arg3[%swap3A_69, %swap3A_70], %select_n3A_68 {strides = array<i32>} : memref<8x512xf32, #tpu.memory_space<vmem>>, vector<8x512xf32>,
      %sub3A = vector.broadcast %broadcast_in_dim3A_30 : vector<8x1xf32> to vector<8x8192xf32>
      %sub3A_72 = arith.subf %get3A_3, %sub3A : vector<8x8192xf32>
      %integer_pow3A = arith.mulf %sub3A_72, %sub3A_72 : vector<8x8192xf32>
      %sub3A_73 = vector.broadcast %broadcast_in_dim3A_36 : vector<8x1xf32> to vector<8x8192xf32>
      %sub3A_74 = arith.subf %get3A_8, %sub3A_73 : vector<8x8192xf32>
      %integer_pow3A_75 = arith.mulf %sub3A_74, %sub3A_74 : vector<8x8192xf32>
      %add3A = arith.addf %integer_pow3A, %integer_pow3A_75 : vector<8x8192xf32>
      %sub3A_76 = vector.broadcast %broadcast_in_dim3A_42 : vector<8x1xf32> to vector<8x8192xf32>
      %sub3A_77 = arith.subf %get3A_13, %sub3A_76 : vector<8x8192xf32>
      %integer_pow3A_78 = arith.mulf %sub3A_77, %sub3A_77 : vector<8x8192xf32>
      %add3A_79 = arith.addf %add3A, %integer_pow3A_78 : vector<8x8192xf32>
      %get3A_80 = arith.constant 0 : index
      %get3A_81 = arith.constant 0 : index
      %get3A_82 = vector.load %arg4[%get3A_80, %get3A_81] : memref<8x8192xf32, #tpu.memory_space<vmem>>, vector<8x8192xf32>
      %min3A = arith.minimumf %get3A_82, %add3A_79 : vector<8x8192xf32>
      %swap3A_83 = arith.constant 0 : index
      %swap3A_84 = arith.constant 0 : index
      %swap3A_85 = vector.load %arg4[%swap3A_83, %swap3A_84] : memref<8x8192xf32, #tpu.memory_space<vmem>>, vector<8x8192xf32>
      tpu.vector_store %arg4[%swap3A_83, %swap3A_84], %min3A {strides = array<i32>} : memref<8x8192xf32, #tpu.memory_space<vmem>>, vector<8x8192xf32>,
      %reduce_max3A = arith.constant dense<0xFF800000> : vector<8xf32>
      %reduce_max3A_86 = vector.multi_reduction <maximumf>, %min3A, %reduce_max3A [1] : vector<8x8192xf32> to vector<8xf32>
      %broadcast_in_dim3A_87 = vector.shape_cast %reduce_max3A_86 : vector<8xf32> to vector<8x1xf32>
      %eq3A_88 = vector.broadcast %broadcast_in_dim3A_87 : vector<8x1xf32> to vector<8x8192xf32>
      %eq3A_89 = arith.cmpf oeq, %min3A, %eq3A_88 : vector<8x8192xf32>
      %jit3A_90 = arith.constant 8192 : i32
      %broadcast_in_dim3A_91 = vector.broadcast %jit3A_90 : i32 to vector<8x8192xi32>
      %select_n3A_92 = arith.select %eq3A_89, %iota3A, %broadcast_in_dim3A_91 : vector<8x8192xi1>, vector<8x8192xi32>
      %reduce_min3A = arith.constant dense<2147483647> : vector<8xi32>
      %reduce_min3A_93 = vector.multi_reduction <minsi>, %select_n3A_92, %reduce_min3A [1] : vector<8x8192xi32> to vector<8xi32>
      %broadcast_in_dim3A_94 = vector.shape_cast %reduce_min3A_93 : vector<8xi32> to vector<8x1xi32>
      scf.yield %broadcast_in_dim3A_94 : vector<8x1xi32>
    }
    %scan3A_24 = arith.constant 512 : i32
    return
  }
}

module attributes {stable_mosaic.version = 14 : i64} {
  func.func @_bq_body(%arg0: i32, %arg1: i32, %arg2: memref<1x3x8192xf32, #tpu.memory_space<vmem>>, %arg3: memref<1x512x3xf32, #tpu.memory_space<vmem>>, %arg4: memref<8192x512xbf16, #tpu.memory_space<vmem>>, %arg5: memref<1x512x32xi32, #tpu.memory_space<vmem>>) attributes {dimension_semantics = [#tpu.dimension_semantics<arbitrary>, #tpu.dimension_semantics<arbitrary>], iteration_bounds = array<i64: 8, 1>, scalar_prefetch = 0 : i64, scratch_operands = 0 : i64, tpu.core_type = #tpu.core_type<tc>, window_params = [{transform_indices = @transform_0, window_bounds = array<i64: 1, 3, 8192>}, {transform_indices = @transform_1, window_bounds = array<i64: 1, 512, 3>}, {pipeline_mode = #tpu.pipeline_mode<synchronous>, transform_indices = @transform_2, window_bounds = array<i64: 8192, 512>}, {transform_indices = @transform_3, window_bounds = array<i64: 1, 512, 32>}]} {
    %get3A = arith.constant 0 : index
    %get3A_0 = arith.constant 0 : index
    %get3A_1 = arith.constant 0 : index
    %get3A_2 = vector.load %arg2[%get3A, %get3A_0, %get3A_1] : memref<1x3x8192xf32, #tpu.memory_space<vmem>>, vector<1x1x8192xf32>
    %get3A_3 = vector.shape_cast %get3A_2 : vector<1x1x8192xf32> to vector<1x8192xf32>
    %get3A_4 = arith.constant 0 : index
    %get3A_5 = arith.constant 1 : index
    %get3A_6 = arith.constant 0 : index
    %get3A_7 = vector.load %arg2[%get3A_4, %get3A_5, %get3A_6] : memref<1x3x8192xf32, #tpu.memory_space<vmem>>, vector<1x1x8192xf32>
    %get3A_8 = vector.shape_cast %get3A_7 : vector<1x1x8192xf32> to vector<1x8192xf32>
    %get3A_9 = arith.constant 0 : index
    %get3A_10 = arith.constant 2 : index
    %get3A_11 = arith.constant 0 : index
    %get3A_12 = vector.load %arg2[%get3A_9, %get3A_10, %get3A_11] : memref<1x3x8192xf32, #tpu.memory_space<vmem>>, vector<1x1x8192xf32>
    %get3A_13 = vector.shape_cast %get3A_12 : vector<1x1x8192xf32> to vector<1x8192xf32>
    %get3A_14 = arith.constant 0 : index
    %get3A_15 = arith.constant 0 : index
    %get3A_16 = arith.constant 0 : index
    %get3A_17 = vector.load %arg3[%get3A_14, %get3A_15, %get3A_16] : memref<1x512x3xf32, #tpu.memory_space<vmem>>, vector<1x512x3xf32>
    %get3A_18 = vector.shape_cast %get3A_17 : vector<1x512x3xf32> to vector<512x3xf32>
    %slice3A = vector.extract_strided_slice %get3A_18 {offsets = [0, 0], sizes = [512, 1], strides = [1, 1]} : vector<512x3xf32> to vector<512x1xf32>
    %slice3A_19 = vector.extract_strided_slice %get3A_18 {offsets = [0, 1], sizes = [512, 1], strides = [1, 1]} : vector<512x3xf32> to vector<512x1xf32>
    %slice3A_20 = vector.extract_strided_slice %get3A_18 {offsets = [0, 2], sizes = [512, 1], strides = [1, 1]} : vector<512x3xf32> to vector<512x1xf32>
    %sub3A = vector.broadcast %slice3A : vector<512x1xf32> to vector<512x8192xf32>
    %sub3A_21 = vector.broadcast %get3A_3 : vector<1x8192xf32> to vector<512x8192xf32>
    %sub3A_22 = arith.subf %sub3A, %sub3A_21 : vector<512x8192xf32>
    %integer_pow3A = arith.mulf %sub3A_22, %sub3A_22 : vector<512x8192xf32>
    %sub3A_23 = vector.broadcast %slice3A_19 : vector<512x1xf32> to vector<512x8192xf32>
    %sub3A_24 = vector.broadcast %get3A_8 : vector<1x8192xf32> to vector<512x8192xf32>
    %sub3A_25 = arith.subf %sub3A_23, %sub3A_24 : vector<512x8192xf32>
    %integer_pow3A_26 = arith.mulf %sub3A_25, %sub3A_25 : vector<512x8192xf32>
    %add3A = arith.addf %integer_pow3A, %integer_pow3A_26 : vector<512x8192xf32>
    %sub3A_27 = vector.broadcast %slice3A_20 : vector<512x1xf32> to vector<512x8192xf32>
    %sub3A_28 = vector.broadcast %get3A_13 : vector<1x8192xf32> to vector<512x8192xf32>
    %sub3A_29 = arith.subf %sub3A_27, %sub3A_28 : vector<512x8192xf32>
    %integer_pow3A_30 = arith.mulf %sub3A_29, %sub3A_29 : vector<512x8192xf32>
    %add3A_31 = arith.addf %add3A, %integer_pow3A_30 : vector<512x8192xf32>
    %le3A = arith.constant 0.00999999977 : f32
    %le3A_32 = vector.broadcast %le3A : f32 to vector<512x8192xf32>
    %le3A_33 = arith.cmpf ole, %add3A_31, %le3A_32 : vector<512x8192xf32>
    %jit3A = arith.constant 1.000000e+00 : f32
    %jit3A_34 = arith.constant 0.000000e+00 : f32
    %broadcast_in_dim3A = vector.broadcast %jit3A : f32 to vector<512x8192xf32>
    %broadcast_in_dim3A_35 = vector.broadcast %jit3A_34 : f32 to vector<512x8192xf32>
    %select_n3A = arith.select %le3A_33, %broadcast_in_dim3A, %broadcast_in_dim3A_35 : vector<512x8192xi1>, vector<512x8192xf32>
    %convert_element_type3A = arith.truncf %select_n3A : vector<512x8192xf32> to vector<512x8192xbf16>
    %get3A_36 = arith.constant 0 : index
    %get3A_37 = arith.constant 0 : index
    %get3A_38 = vector.load %arg4[%get3A_36, %get3A_37] : memref<8192x512xbf16, #tpu.memory_space<vmem>>, vector<8192x512xbf16>
    %dot_general3A = arith.constant dense<0.000000e+00> : vector<512x512xf32>
    %dot_general3A_39 = tpu.matmul %convert_element_type3A, %get3A_38, %dot_general3A {dimension_numbers = #tpu.dot_dimension_numbers<[1], [0], [0], [1], [0, 0, 1, 1], [], []>, transpose_lhs_hint = false} : vector<512x8192xbf16>, vector<8192x512xbf16>, vector<512x512xf32> -> vector<512x512xf32>
    %convert_element_type3A_40 = arith.fptosi %dot_general3A_39 : vector<512x512xf32> to vector<512x512xi32>
    %iota3A = tpu.iota {dimensions = array<i32: 1>} : vector<512x512xi32>
    %ne3A = arith.constant 0 : i32
    %ne3A_41 = vector.broadcast %ne3A : i32 to vector<512x512xi32>
    %ne3A_42 = arith.cmpi ne, %convert_element_type3A_40, %ne3A_41 : vector<512x512xi32>
    %jit3A_43 = arith.constant 512 : i32
    %broadcast_in_dim3A_44 = vector.broadcast %jit3A_43 : i32 to vector<512x512xi32>
    %select_n3A_45 = arith.select %ne3A_42, %iota3A, %broadcast_in_dim3A_44 : vector<512x512xi1>, vector<512x512xi32>
    %reduce_min3A = arith.constant dense<2147483647> : vector<512xi32>
    %reduce_min3A_46 = vector.multi_reduction <minsi>, %select_n3A_45, %reduce_min3A [1] : vector<512x512xi32> to vector<512xi32>
    %broadcast_in_dim3A_47 = vector.shape_cast %reduce_min3A_46 : vector<512xi32> to vector<512x1xi32>
    %eq3A = vector.broadcast %broadcast_in_dim3A_47 : vector<512x1xi32> to vector<512x512xi32>
    %eq3A_48 = arith.cmpi eq, %iota3A, %eq3A : vector<512x512xi32>
    %jit3A_49 = arith.constant 0 : i32
    %broadcast_in_dim3A_50 = vector.broadcast %jit3A_49 : i32 to vector<512x512xi32>
    %select_n3A_51 = arith.select %eq3A_48, %convert_element_type3A_40, %broadcast_in_dim3A_50 : vector<512x512xi1>, vector<512x512xi32>
    %reduce_sum3A = arith.constant dense<0> : vector<512xi32>
    %reduce_sum3A_52 = vector.multi_reduction <add>, %select_n3A_51, %reduce_sum3A [1] : vector<512x512xi32> to vector<512xi32>
    %broadcast_in_dim3A_53 = vector.shape_cast %reduce_sum3A_52 : vector<512xi32> to vector<512x1xi32>
    %neg3A = arith.constant 0 : i32
    %neg3A_54 = vector.broadcast %neg3A : i32 to vector<512x1xi32>
    %neg3A_55 = arith.subi %neg3A_54, %broadcast_in_dim3A_53 : vector<512x1xi32>
    %and3A = arith.andi %broadcast_in_dim3A_53, %neg3A_55 : vector<512x1xi32>
    %convert_element_type3A_56 = arith.sitofp %and3A : vector<512x1xi32> to vector<512x1xf32>
    %bitcast_convert_type3A = tpu.bitcast %convert_element_type3A_56 : vector<512x1xf32> -> vector<512x1xi32>
    %shift_right_arithmetic3A = arith.constant 23 : i32
    %shift_right_arithmetic3A_57 = vector.broadcast %shift_right_arithmetic3A : i32 to vector<512x1xi32>
    %shift_right_arithmetic3A_58 = arith.shrsi %bitcast_convert_type3A, %shift_right_arithmetic3A_57 : vector<512x1xi32>
    %sub3A_59 = arith.constant 127 : i32
    %sub3A_60 = vector.broadcast %sub3A_59 : i32 to vector<512x1xi32>
    %sub3A_61 = arith.subi %shift_right_arithmetic3A_58, %sub3A_60 : vector<512x1xi32>
    %eq3A_62 = arith.constant 512 : i32
    %eq3A_63 = vector.broadcast %eq3A_62 : i32 to vector<512x1xi32>
    %eq3A_64 = arith.cmpi eq, %broadcast_in_dim3A_47, %eq3A_63 : vector<512x1xi32>
    %mul3A = arith.constant 16 : i32
    %mul3A_65 = vector.broadcast %mul3A : i32 to vector<512x1xi32>
    %mul3A_66 = arith.muli %broadcast_in_dim3A_47, %mul3A_65 : vector<512x1xi32>
    %add3A_67 = arith.addi %mul3A_66, %sub3A_61 : vector<512x1xi32>
    %jit3A_68 = arith.constant 8192 : i32
    %broadcast_in_dim3A_69 = vector.broadcast %jit3A_68 : i32 to vector<512x1xi32>
    %select_n3A_70 = arith.select %eq3A_64, %broadcast_in_dim3A_69, %add3A_67 : vector<512x1xi1>, vector<512x1xi32>
    %eq3A_71 = arith.constant 8192 : i32
    %eq3A_72 = vector.broadcast %eq3A_71 : i32 to vector<512x1xi32>
    %eq3A_73 = arith.cmpi eq, %select_n3A_70, %eq3A_72 : vector<512x1xi32>
    %jit3A_74 = arith.constant 0 : i32
    %broadcast_in_dim3A_75 = vector.broadcast %jit3A_74 : i32 to vector<512x1xi32>
    %select_n3A_76 = arith.select %eq3A_73, %broadcast_in_dim3A_75, %select_n3A_70 : vector<512x1xi1>, vector<512x1xi32>
    %eq3A_77 = arith.constant 8192 : i32
    %eq3A_78 = vector.broadcast %eq3A_77 : i32 to vector<512x1xi32>
    %eq3A_79 = arith.cmpi eq, %select_n3A_70, %eq3A_78 : vector<512x1xi32>
    %select_n3A_80 = arith.select %eq3A_79, %select_n3A_76, %select_n3A_70 : vector<512x1xi1>, vector<512x1xi32>
    %mul3A_81 = arith.constant 8192 : i32
    %mul3A_82 = arith.muli %arg0, %mul3A_81 : i32
    %add3A_83 = vector.broadcast %mul3A_82 : i32 to vector<512x1xi32>
    %add3A_84 = arith.addi %select_n3A_80, %add3A_83 : vector<512x1xi32>
    %swap3A = arith.constant 0 : index
    %swap3A_85 = arith.constant 0 : index
    %swap3A_86 = arith.constant 0 : index
    %swap3A_87 = vector.load %arg5[%swap3A, %swap3A_85, %swap3A_86] : memref<1x512x32xi32, #tpu.memory_space<vmem>>, vector<1x512x1xi32>
    %swap3A_88 = vector.shape_cast %swap3A_87 : vector<1x512x1xi32> to vector<512x1xi32>
    %swap3A_89 = vector.shape_cast %add3A_84 : vector<512x1xi32> to vector<1x512x1xi32>
    tpu.vector_store %arg5[%swap3A, %swap3A_85, %swap3A_86], %swap3A_89 {strides = array<i32>} : memref<1x512x32xi32, #tpu.memory_space<vmem>>, vector<1x512x1xi32>,
    %sub3A_90 = vector.broadcast %and3A : vector<512x1xi32> to vector<512x512xi32>
    %sub3A_91 = arith.subi %convert_element_type3A_40, %sub3A_90 : vector<512x512xi32>
    %select_n3A_92 = arith.select %eq3A_48, %sub3A_91, %convert_element_type3A_40 : vector<512x512xi1>, vector<512x512xi32>
    %ne3A_93 = arith.constant 0 : i32
    %ne3A_94 = vector.broadcast %ne3A_93 : i32 to vector<512x512xi32>
    %ne3A_95 = arith.cmpi ne, %select_n3A_92, %ne3A_94 : vector<512x512xi32>
    %jit3A_96 = arith.constant 512 : i32
    %broadcast_in_dim3A_97 = vector.broadcast %jit3A_96 : i32 to vector<512x512xi32>
    %select_n3A_98 = arith.select %ne3A_95, %iota3A, %broadcast_in_dim3A_97 : vector<512x512xi1>, vector<512x512xi32>
    %reduce_min3A_99 = arith.constant dense<2147483647> : vector<512xi32>
    %reduce_min3A_100 = vector.multi_reduction <minsi>, %select_n3A_98, %reduce_min3A_99 [1] : vector<512x512xi32> to vector<512xi32>
    %broadcast_in_dim3A_101 = vector.shape_cast %reduce_min3A_100 : vector<512xi32> to vector<512x1xi32>
    %eq3A_102 = vector.broadcast %broadcast_in_dim3A_101 : vector<512x1xi32> to vector<512x512xi32>
    %eq3A_103 = arith.cmpi eq, %iota3A, %eq3A_102 : vector<512x512xi32>
    %jit3A_104 = arith.constant 0 : i32
    %broadcast_in_dim3A_105 = vector.broadcast %jit3A_104 : i32 to vector<512x512xi32>
    %select_n3A_106 = arith.select %eq3A_103, %select_n3A_92, %broadcast_in_dim3A_105 : vector<512x512xi1>, vector<512x512xi32>
    %reduce_sum3A_107 = arith.constant dense<0> : vector<512xi32>
    %reduce_sum3A_108 = vector.multi_reduction <add>, %select_n3A_106, %reduce_sum3A_107 [1] : vector<512x512xi32> to vector<512xi32>
    %broadcast_in_dim3A_109 = vector.shape_cast %reduce_sum3A_108 : vector<512xi32> to vector<512x1xi32>
    %neg3A_110 = arith.constant 0 : i32
    %neg3A_111 = vector.broadcast %neg3A_110 : i32 to vector<512x1xi32>
    %neg3A_112 = arith.subi %neg3A_111, %broadcast_in_dim3A_109 : vector<512x1xi32>
    %and3A_113 = arith.andi %broadcast_in_dim3A_109, %neg3A_112 : vector<512x1xi32>
    %convert_element_type3A_114 = arith.sitofp %and3A_113 : vector<512x1xi32> to vector<512x1xf32>
    %bitcast_convert_type3A_115 = tpu.bitcast %convert_element_type3A_114 : vector<512x1xf32> -> vector<512x1xi32>
    %shift_right_arithmetic3A_116 = arith.constant 23 : i32
    %shift_right_arithmetic3A_117 = vector.broadcast %shift_right_arithmetic3A_116 : i32 to vector<512x1xi32>
    %shift_right_arithmetic3A_118 = arith.shrsi %bitcast_convert_type3A_115, %shift_right_arithmetic3A_117 : vector<512x1xi32>
    %sub3A_119 = arith.constant 127 : i32
    %sub3A_120 = vector.broadcast %sub3A_119 : i32 to vector<512x1xi32>
    %sub3A_121 = arith.subi %shift_right_arithmetic3A_118, %sub3A_120 : vector<512x1xi32>
    %eq3A_122 = arith.constant 512 : i32
    %eq3A_123 = vector.broadcast %eq3A_122 : i32 to vector<512x1xi32>
    %eq3A_124 = arith.cmpi eq, %broadcast_in_dim3A_101, %eq3A_123 : vector<512x1xi32>
    %mul3A_125 = arith.constant 16 : i32
    %mul3A_126 = vector.broadcast %mul3A_125 : i32 to vector<512x1xi32>
    %mul3A_127 = arith.muli %broadcast_in_dim3A_101, %mul3A_126 : vector<512x1xi32>
    %add3A_128 = arith.addi %mul3A_127, %sub3A_121 : vector<512x1xi32>
    %jit3A_129 = arith.constant 8192 : i32
    %broadcast_in_dim3A_130 = vector.broadcast %jit3A_129 : i32 to vector<512x1xi32>
    %select_n3A_131 = arith.select %eq3A_124, %broadcast_in_dim3A_130, %add3A_128 : vector<512x1xi1>, vector<512x1xi32>
    %eq3A_132 = arith.constant 8192 : i32
    %eq3A_133 = vector.broadcast %eq3A_132 : i32 to vector<512x1xi32>
    %eq3A_134 = arith.cmpi eq, %select_n3A_131, %eq3A_133 : vector<512x1xi32>
    %select_n3A_135 = arith.select %eq3A_134, %select_n3A_76, %select_n3A_131 : vector<512x1xi1>, vector<512x1xi32>
    %mul3A_136 = arith.constant 8192 : i32
    %mul3A_137 = arith.muli %arg0, %mul3A_136 : i32
    %add3A_138 = vector.broadcast %mul3A_137 : i32 to vector<512x1xi32>
    %add3A_139 = arith.addi %select_n3A_135, %add3A_138 : vector<512x1xi32>
    %swap3A_140 = arith.constant 0 : index
    %swap3A_141 = arith.constant 0 : index
    %swap3A_142 = arith.constant 1 : index
    %swap3A_143 = vector.load %arg5[%swap3A_140, %swap3A_141, %swap3A_142] : memref<1x512x32xi32, #tpu.memory_space<vmem>>, vector<1x512x1xi32>
    %swap3A_144 = vector.shape_cast %swap3A_143 : vector<1x512x1xi32> to vector<512x1xi32>
    %swap3A_145 = vector.shape_cast %add3A_139 : vector<512x1xi32> to vector<1x512x1xi32>
    tpu.vector_store %arg5[%swap3A_140, %swap3A_141, %swap3A_142], %swap3A_145 {strides = array<i32>} : memref<1x512x32xi32, #tpu.memory_space<vmem>>, vector<1x512x1xi32>,
    %sub3A_146 = vector.broadcast %and3A_113 : vector<512x1xi32> to vector<512x512xi32>
    %sub3A_147 = arith.subi %select_n3A_92, %sub3A_146 : vector<512x512xi32>
    %select_n3A_148 = arith.select %eq3A_103, %sub3A_147, %select_n3A_92 : vector<512x512xi1>, vector<512x512xi32>
    %ne3A_149 = arith.constant 0 : i32
    %ne3A_150 = vector.broadcast %ne3A_149 : i32 to vector<512x512xi32>
    %ne3A_151 = arith.cmpi ne, %select_n3A_148, %ne3A_150 : vector<512x512xi32>
    %jit3A_152 = arith.constant 512 : i32
    %broadcast_in_dim3A_153 = vector.broadcast %jit3A_152 : i32 to vector<512x512xi32>
    %select_n3A_154 = arith.select %ne3A_151, %iota3A, %broadcast_in_dim3A_153 : vector<512x512xi1>, vector<512x512xi32>
    %reduce_min3A_155 = arith.constant dense<2147483647> : vector<512xi32>
    %reduce_min3A_156 = vector.multi_reduction <minsi>, %select_n3A_154, %reduce_min3A_155 [1] : vector<512x512xi32> to vector<512xi32>
    %broadcast_in_dim3A_157 = vector.shape_cast %reduce_min3A_156 : vector<512xi32> to vector<512x1xi32>
    %eq3A_158 = vector.broadcast %broadcast_in_dim3A_157 : vector<512x1xi32> to vector<512x512xi32>
    %eq3A_159 = arith.cmpi eq, %iota3A, %eq3A_158 : vector<512x512xi32>
    %jit3A_160 = arith.constant 0 : i32
    %broadcast_in_dim3A_161 = vector.broadcast %jit3A_160 : i32 to vector<512x512xi32>
    %select_n3A_162 = arith.select %eq3A_159, %select_n3A_148, %broadcast_in_dim3A_161 : vector<512x512xi1>, vector<512x512xi32>
    %reduce_sum3A_163 = arith.constant dense<0> : vector<512xi32>
    %reduce_sum3A_164 = vector.multi_reduction <add>, %select_n3A_162, %reduce_sum3A_163 [1] : vector<512x512xi32> to vector<512xi32>
    %broadcast_in_dim3A_165 = vector.shape_cast %reduce_sum3A_164 : vector<512xi32> to vector<512x1xi32>
    %neg3A_166 = arith.constant 0 : i32
    %neg3A_167 = vector.broadcast %neg3A_166 : i32 to vector<512x1xi32>
    %neg3A_168 = arith.subi %neg3A_167, %broadcast_in_dim3A_165 : vector<512x1xi32>
    %and3A_169 = arith.andi %broadcast_in_dim3A_165, %neg3A_168 : vector<512x1xi32>
    %convert_element_type3A_170 = arith.sitofp %and3A_169 : vector<512x1xi32> to vector<512x1xf32>
    %bitcast_convert_type3A_171 = tpu.bitcast %convert_element_type3A_170 : vector<512x1xf32> -> vector<512x1xi32>
    %shift_right_arithmetic3A_172 = arith.constant 23 : i32
    %shift_right_arithmetic3A_173 = vector.broadcast %shift_right_arithmetic3A_172 : i32 to vector<512x1xi32>
    %shift_right_arithmetic3A_174 = arith.shrsi %bitcast_convert_type3A_171, %shift_right_arithmetic3A_173 : vector<512x1xi32>
    %sub3A_175 = arith.constant 127 : i32
    %sub3A_176 = vector.broadcast %sub3A_175 : i32 to vector<512x1xi32>
    %sub3A_177 = arith.subi %shift_right_arithmetic3A_174, %sub3A_176 : vector<512x1xi32>
    %eq3A_178 = arith.constant 512 : i32
    %eq3A_179 = vector.broadcast %eq3A_178 : i32 to vector<512x1xi32>
    %eq3A_180 = arith.cmpi eq, %broadcast_in_dim3A_157, %eq3A_179 : vector<512x1xi32>
    %mul3A_181 = arith.constant 16 : i32
    %mul3A_182 = vector.broadcast %mul3A_181 : i32 to vector<512x1xi32>
    %mul3A_183 = arith.muli %broadcast_in_dim3A_157, %mul3A_182 : vector<512x1xi32>
    %add3A_184 = arith.addi %mul3A_183, %sub3A_177 : vector<512x1xi32>
    %jit3A_185 = arith.constant 8192 : i32
    %broadcast_in_dim3A_186 = vector.broadcast %jit3A_185 : i32 to vector<512x1xi32>
    %select_n3A_187 = arith.select %eq3A_180, %broadcast_in_dim3A_186, %add3A_184 : vector<512x1xi1>, vector<512x1xi32>
    %eq3A_188 = arith.constant 8192 : i32
    %eq3A_189 = vector.broadcast %eq3A_188 : i32 to vector<512x1xi32>
    %eq3A_190 = arith.cmpi eq, %select_n3A_187, %eq3A_189 : vector<512x1xi32>
    %select_n3A_191 = arith.select %eq3A_190, %select_n3A_76, %select_n3A_187 : vector<512x1xi1>, vector<512x1xi32>
    %mul3A_192 = arith.constant 8192 : i32
    %mul3A_193 = arith.muli %arg0, %mul3A_192 : i32
    %add3A_194 = vector.broadcast %mul3A_193 : i32 to vector<512x1xi32>
    %add3A_195 = arith.addi %select_n3A_191, %add3A_194 : vector<512x1xi32>
    %swap3A_196 = arith.constant 0 : index
    %swap3A_197 = arith.constant 0 : index
    %swap3A_198 = arith.constant 2 : index
    %swap3A_199 = vector.load %arg5[%swap3A_196, %swap3A_197, %swap3A_198] : memref<1x512x32xi32, #tpu.memory_space<vmem>>, vector<1x512x1xi32>
    %swap3A_200 = vector.shape_cast %swap3A_199 : vector<1x512x1xi32> to vector<512x1xi32>
    %swap3A_201 = vector.shape_cast %add3A_195 : vector<512x1xi32> to vector<1x512x1xi32>
    tpu.vector_store %arg5[%swap3A_196, %swap3A_197, %swap3A_198], %swap3A_201 {strides = array<i32>} : memref<1x512x32xi32, #tpu.memory_space<vmem>>, vector<1x512x1xi32>,
    %sub3A_202 = vector.broadcast %and3A_169 : vector<512x1xi32> to vector<512x512xi32>
    %sub3A_203 = arith.subi %select_n3A_148, %sub3A_202 : vector<512x512xi32>
    %select_n3A_204 = arith.select %eq3A_159, %sub3A_203, %select_n3A_148 : vector<512x512xi1>, vector<512x512xi32>
    %ne3A_205 = arith.constant 0 : i32
    %ne3A_206 = vector.broadcast %ne3A_205 : i32 to vector<512x512xi32>
    %ne3A_207 = arith.cmpi ne, %select_n3A_204, %ne3A_206 : vector<512x512xi32>
    %jit3A_208 = arith.constant 512 : i32
    %broadcast_in_dim3A_209 = vector.broadcast %jit3A_208 : i32 to vector<512x512xi32>
    %select_n3A_210 = arith.select %ne3A_207, %iota3A, %broadcast_in_dim3A_209 : vector<512x512xi1>, vector<512x512xi32>
    %reduce_min3A_211 = arith.constant dense<2147483647> : vector<512xi32>
    %reduce_min3A_212 = vector.multi_reduction <minsi>, %select_n3A_210, %reduce_min3A_211 [1] : vector<512x512xi32> to vector<512xi32>
    %broadcast_in_dim3A_213 = vector.shape_cast %reduce_min3A_212 : vector<512xi32> to vector<512x1xi32>
    %eq3A_214 = vector.broadcast %broadcast_in_dim3A_213 : vector<512x1xi32> to vector<512x512xi32>
    %eq3A_215 = arith.cmpi eq, %iota3A, %eq3A_214 : vector<512x512xi32>
    %jit3A_216 = arith.constant 0 : i32
    %broadcast_in_dim3A_217 = vector.broadcast %jit3A_216 : i32 to vector<512x512xi32>
    %select_n3A_218 = arith.select %eq3A_215, %select_n3A_204, %broadcast_in_dim3A_217 : vector<512x512xi1>, vector<512x512xi32>
    %reduce_sum3A_219 = arith.constant dense<0> : vector<512xi32>
    %reduce_sum3A_220 = vector.multi_reduction <add>, %select_n3A_218, %reduce_sum3A_219 [1] : vector<512x512xi32> to vector<512xi32>
    %broadcast_in_dim3A_221 = vector.shape_cast %reduce_sum3A_220 : vector<512xi32> to vector<512x1xi32>
    %neg3A_222 = arith.constant 0 : i32
    %neg3A_223 = vector.broadcast %neg3A_222 : i32 to vector<512x1xi32>
    %neg3A_224 = arith.subi %neg3A_223, %broadcast_in_dim3A_221 : vector<512x1xi32>
    %and3A_225 = arith.andi %broadcast_in_dim3A_221, %neg3A_224 : vector<512x1xi32>
    %convert_element_type3A_226 = arith.sitofp %and3A_225 : vector<512x1xi32> to vector<512x1xf32>
    %bitcast_convert_type3A_227 = tpu.bitcast %convert_element_type3A_226 : vector<512x1xf32> -> vector<512x1xi32>
    %shift_right_arithmetic3A_228 = arith.constant 23 : i32
    %shift_right_arithmetic3A_229 = vector.broadcast %shift_right_arithmetic3A_228 : i32 to vector<512x1xi32>
    %shift_right_arithmetic3A_230 = arith.shrsi %bitcast_convert_type3A_227, %shift_right_arithmetic3A_229 : vector<512x1xi32>
    %sub3A_231 = arith.constant 127 : i32
    %sub3A_232 = vector.broadcast %sub3A_231 : i32 to vector<512x1xi32>
    %sub3A_233 = arith.subi %shift_right_arithmetic3A_230, %sub3A_232 : vector<512x1xi32>
    %eq3A_234 = arith.constant 512 : i32
    %eq3A_235 = vector.broadcast %eq3A_234 : i32 to vector<512x1xi32>
    %eq3A_236 = arith.cmpi eq, %broadcast_in_dim3A_213, %eq3A_235 : vector<512x1xi32>
    %mul3A_237 = arith.constant 16 : i32
    %mul3A_238 = vector.broadcast %mul3A_237 : i32 to vector<512x1xi32>
    %mul3A_239 = arith.muli %broadcast_in_dim3A_213, %mul3A_238 : vector<512x1xi32>
    %add3A_240 = arith.addi %mul3A_239, %sub3A_233 : vector<512x1xi32>
    %jit3A_241 = arith.constant 8192 : i32
    %broadcast_in_dim3A_242 = vector.broadcast %jit3A_241 : i32 to vector<512x1xi32>
    %select_n3A_243 = arith.select %eq3A_236, %broadcast_in_dim3A_242, %add3A_240 : vector<512x1xi1>, vector<512x1xi32>
    %eq3A_244 = arith.constant 8192 : i32
    %eq3A_245 = vector.broadcast %eq3A_244 : i32 to vector<512x1xi32>
    %eq3A_246 = arith.cmpi eq, %select_n3A_243, %eq3A_245 : vector<512x1xi32>
    %select_n3A_247 = arith.select %eq3A_246, %select_n3A_76, %select_n3A_243 : vector<512x1xi1>, vector<512x1xi32>
    %mul3A_248 = arith.constant 8192 : i32
    %mul3A_249 = arith.muli %arg0, %mul3A_248 : i32
    %add3A_250 = vector.broadcast %mul3A_249 : i32 to vector<512x1xi32>
    %add3A_251 = arith.addi %select_n3A_247, %add3A_250 : vector<512x1xi32>
    %swap3A_252 = arith.constant 0 : index
    %swap3A_253 = arith.constant 0 : index
    %swap3A_254 = arith.constant 3 : index
    %swap3A_255 = vector.load %arg5[%swap3A_252, %swap3A_253, %swap3A_254] : memref<1x512x32xi32, #tpu.memory_space<vmem>>, vector<1x512x1xi32>
    %swap3A_256 = vector.shape_cast %swap3A_255 : vector<1x512x1xi32> to vector<512x1xi32>
    %swap3A_257 = vector.shape_cast %add3A_251 : vector<512x1xi32> to vector<1x512x1xi32>
    tpu.vector_store %arg5[%swap3A_252, %swap3A_253, %swap3A_254], %swap3A_257 {strides = array<i32>} : memref<1x512x32xi32, #tpu.memory_space<vmem>>, vector<1x512x1xi32>,
    %sub3A_258 = vector.broadcast %and3A_225 : vector<512x1xi32> to vector<512x512xi32>
    %sub3A_259 = arith.subi %select_n3A_204, %sub3A_258 : vector<512x512xi32>
    %select_n3A_260 = arith.select %eq3A_215, %sub3A_259, %select_n3A_204 : vector<512x512xi1>, vector<512x512xi32>
    %ne3A_261 = arith.constant 0 : i32
    %ne3A_262 = vector.broadcast %ne3A_261 : i32 to vector<512x512xi32>
    %ne3A_263 = arith.cmpi ne, %select_n3A_260, %ne3A_262 : vector<512x512xi32>
    %jit3A_264 = arith.constant 512 : i32
    %broadcast_in_dim3A_265 = vector.broadcast %jit3A_264 : i32 to vector<512x512xi32>
    %select_n3A_266 = arith.select %ne3A_263, %iota3A, %broadcast_in_dim3A_265 : vector<512x512xi1>, vector<512x512xi32>
    %reduce_min3A_267 = arith.constant dense<2147483647> : vector<512xi32>
    %reduce_min3A_268 = vector.multi_reduction <minsi>, %select_n3A_266, %reduce_min3A_267 [1] : vector<512x512xi32> to vector<512xi32>
    %broadcast_in_dim3A_269 = vector.shape_cast %reduce_min3A_268 : vector<512xi32> to vector<512x1xi32>
    %eq3A_270 = vector.broadcast %broadcast_in_dim3A_269 : vector<512x1xi32> to vector<512x512xi32>
    %eq3A_271 = arith.cmpi eq, %iota3A, %eq3A_270 : vector<512x512xi32>
    %jit3A_272 = arith.constant 0 : i32
    %broadcast_in_dim3A_273 = vector.broadcast %jit3A_272 : i32 to vector<512x512xi32>
    %select_n3A_274 = arith.select %eq3A_271, %select_n3A_260, %broadcast_in_dim3A_273 : vector<512x512xi1>, vector<512x512xi32>
    %reduce_sum3A_275 = arith.constant dense<0> : vector<512xi32>
    %reduce_sum3A_276 = vector.multi_reduction <add>, %select_n3A_274, %reduce_sum3A_275 [1] : vector<512x512xi32> to vector<512xi32>
    %broadcast_in_dim3A_277 = vector.shape_cast %reduce_sum3A_276 : vector<512xi32> to vector<512x1xi32>
    %neg3A_278 = arith.constant 0 : i32
    %neg3A_279 = vector.broadcast %neg3A_278 : i32 to vector<512x1xi32>
    %neg3A_280 = arith.subi %neg3A_279, %broadcast_in_dim3A_277 : vector<512x1xi32>
    %and3A_281 = arith.andi %broadcast_in_dim3A_277, %neg3A_280 : vector<512x1xi32>
    %convert_element_type3A_282 = arith.sitofp %and3A_281 : vector<512x1xi32> to vector<512x1xf32>
    %bitcast_convert_type3A_283 = tpu.bitcast %convert_element_type3A_282 : vector<512x1xf32> -> vector<512x1xi32>
    %shift_right_arithmetic3A_284 = arith.constant 23 : i32
    %shift_right_arithmetic3A_285 = vector.broadcast %shift_right_arithmetic3A_284 : i32 to vector<512x1xi32>
    %shift_right_arithmetic3A_286 = arith.shrsi %bitcast_convert_type3A_283, %shift_right_arithmetic3A_285 : vector<512x1xi32>
    %sub3A_287 = arith.constant 127 : i32
    %sub3A_288 = vector.broadcast %sub3A_287 : i32 to vector<512x1xi32>
    %sub3A_289 = arith.subi %shift_right_arithmetic3A_286, %sub3A_288 : vector<512x1xi32>
    %eq3A_290 = arith.constant 512 : i32
    %eq3A_291 = vector.broadcast %eq3A_290 : i32 to vector<512x1xi32>
    %eq3A_292 = arith.cmpi eq, %broadcast_in_dim3A_269, %eq3A_291 : vector<512x1xi32>
    %mul3A_293 = arith.constant 16 : i32
    %mul3A_294 = vector.broadcast %mul3A_293 : i32 to vector<512x1xi32>
    %mul3A_295 = arith.muli %broadcast_in_dim3A_269, %mul3A_294 : vector<512x1xi32>
    %add3A_296 = arith.addi %mul3A_295, %sub3A_289 : vector<512x1xi32>
    %jit3A_297 = arith.constant 8192 : i32
    %broadcast_in_dim3A_298 = vector.broadcast %jit3A_297 : i32 to vector<512x1xi32>
    %select_n3A_299 = arith.select %eq3A_292, %broadcast_in_dim3A_298, %add3A_296 : vector<512x1xi1>, vector<512x1xi32>
    %eq3A_300 = arith.constant 8192 : i32
    %eq3A_301 = vector.broadcast %eq3A_300 : i32 to vector<512x1xi32>
    %eq3A_302 = arith.cmpi eq, %select_n3A_299, %eq3A_301 : vector<512x1xi32>
    %select_n3A_303 = arith.select %eq3A_302, %select_n3A_76, %select_n3A_299 : vector<512x1xi1>, vector<512x1xi32>
    %mul3A_304 = arith.constant 8192 : i32
    %mul3A_305 = arith.muli %arg0, %mul3A_304 : i32
    %add3A_306 = vector.broadcast %mul3A_305 : i32 to vector<512x1xi32>
    %add3A_307 = arith.addi %select_n3A_303, %add3A_306 : vector<512x1xi32>
    %swap3A_308 = arith.constant 0 : index
    %swap3A_309 = arith.constant 0 : index
    %swap3A_310 = arith.constant 4 : index
    %swap3A_311 = vector.load %arg5[%swap3A_308, %swap3A_309, %swap3A_310] : memref<1x512x32xi32, #tpu.memory_space<vmem>>, vector<1x512x1xi32>
    %swap3A_312 = vector.shape_cast %swap3A_311 : vector<1x512x1xi32> to vector<512x1xi32>
    %swap3A_313 = vector.shape_cast %add3A_307 : vector<512x1xi32> to vector<1x512x1xi32>
    tpu.vector_store %arg5[%swap3A_308, %swap3A_309, %swap3A_310], %swap3A_313 {strides = array<i32>} : memref<1x512x32xi32, #tpu.memory_space<vmem>>, vector<1x512x1xi32>,
    %sub3A_314 = vector.broadcast %and3A_281 : vector<512x1xi32> to vector<512x512xi32>
    %sub3A_315 = arith.subi %select_n3A_260, %sub3A_314 : vector<512x512xi32>
    %select_n3A_316 = arith.select %eq3A_271, %sub3A_315, %select_n3A_260 : vector<512x512xi1>, vector<512x512xi32>
    %ne3A_317 = arith.constant 0 : i32
    %ne3A_318 = vector.broadcast %ne3A_317 : i32 to vector<512x512xi32>
    %ne3A_319 = arith.cmpi ne, %select_n3A_316, %ne3A_318 : vector<512x512xi32>
    %jit3A_320 = arith.constant 512 : i32
    %broadcast_in_dim3A_321 = vector.broadcast %jit3A_320 : i32 to vector<512x512xi32>
    %select_n3A_322 = arith.select %ne3A_319, %iota3A, %broadcast_in_dim3A_321 : vector<512x512xi1>, vector<512x512xi32>
    %reduce_min3A_323 = arith.constant dense<2147483647> : vector<512xi32>
    %reduce_min3A_324 = vector.multi_reduction <minsi>, %select_n3A_322, %reduce_min3A_323 [1] : vector<512x512xi32> to vector<512xi32>
    %broadcast_in_dim3A_325 = vector.shape_cast %reduce_min3A_324 : vector<512xi32> to vector<512x1xi32>
    %eq3A_326 = vector.broadcast %broadcast_in_dim3A_325 : vector<512x1xi32> to vector<512x512xi32>
    %eq3A_327 = arith.cmpi eq, %iota3A, %eq3A_326 : vector<512x512xi32>
    %jit3A_328 = arith.constant 0 : i32
    %broadcast_in_dim3A_329 = vector.broadcast %jit3A_328 : i32 to vector<512x512xi32>
    %select_n3A_330 = arith.select %eq3A_327, %select_n3A_316, %broadcast_in_dim3A_329 : vector<512x512xi1>, vector<512x512xi32>
    %reduce_sum3A_331 = arith.constant dense<0> : vector<512xi32>
    %reduce_sum3A_332 = vector.multi_reduction <add>, %select_n3A_330, %reduce_sum3A_331 [1] : vector<512x512xi32> to vector<512xi32>
    %broadcast_in_dim3A_333 = vector.shape_cast %reduce_sum3A_332 : vector<512xi32> to vector<512x1xi32>
    %neg3A_334 = arith.constant 0 : i32
    %neg3A_335 = vector.broadcast %neg3A_334 : i32 to vector<512x1xi32>
    %neg3A_336 = arith.subi %neg3A_335, %broadcast_in_dim3A_333 : vector<512x1xi32>
    %and3A_337 = arith.andi %broadcast_in_dim3A_333, %neg3A_336 : vector<512x1xi32>
    %convert_element_type3A_338 = arith.sitofp %and3A_337 : vector<512x1xi32> to vector<512x1xf32>
    %bitcast_convert_type3A_339 = tpu.bitcast %convert_element_type3A_338 : vector<512x1xf32> -> vector<512x1xi32>
    %shift_right_arithmetic3A_340 = arith.constant 23 : i32
    %shift_right_arithmetic3A_341 = vector.broadcast %shift_right_arithmetic3A_340 : i32 to vector<512x1xi32>
    %shift_right_arithmetic3A_342 = arith.shrsi %bitcast_convert_type3A_339, %shift_right_arithmetic3A_341 : vector<512x1xi32>
    %sub3A_343 = arith.constant 127 : i32
    %sub3A_344 = vector.broadcast %sub3A_343 : i32 to vector<512x1xi32>
    %sub3A_345 = arith.subi %shift_right_arithmetic3A_342, %sub3A_344 : vector<512x1xi32>
    %eq3A_346 = arith.constant 512 : i32
    %eq3A_347 = vector.broadcast %eq3A_346 : i32 to vector<512x1xi32>
    %eq3A_348 = arith.cmpi eq, %broadcast_in_dim3A_325, %eq3A_347 : vector<512x1xi32>
    %mul3A_349 = arith.constant 16 : i32
    %mul3A_350 = vector.broadcast %mul3A_349 : i32 to vector<512x1xi32>
    %mul3A_351 = arith.muli %broadcast_in_dim3A_325, %mul3A_350 : vector<512x1xi32>
    %add3A_352 = arith.addi %mul3A_351, %sub3A_345 : vector<512x1xi32>
    %jit3A_353 = arith.constant 8192 : i32
    %broadcast_in_dim3A_354 = vector.broadcast %jit3A_353 : i32 to vector<512x1xi32>
    %select_n3A_355 = arith.select %eq3A_348, %broadcast_in_dim3A_354, %add3A_352 : vector<512x1xi1>, vector<512x1xi32>
    %eq3A_356 = arith.constant 8192 : i32
    %eq3A_357 = vector.broadcast %eq3A_356 : i32 to vector<512x1xi32>
    %eq3A_358 = arith.cmpi eq, %select_n3A_355, %eq3A_357 : vector<512x1xi32>
    %select_n3A_359 = arith.select %eq3A_358, %select_n3A_76, %select_n3A_355 : vector<512x1xi1>, vector<512x1xi32>
    %mul3A_360 = arith.constant 8192 : i32
    %mul3A_361 = arith.muli %arg0, %mul3A_360 : i32
    %add3A_362 = vector.broadcast %mul3A_361 : i32 to vector<512x1xi32>
    %add3A_363 = arith.addi %select_n3A_359, %add3A_362 : vector<512x1xi32>
    %swap3A_364 = arith.constant 0 : index
    %swap3A_365 = arith.constant 0 : index
    %swap3A_366 = arith.constant 5 : index
    %swap3A_367 = vector.load %arg5[%swap3A_364, %swap3A_365, %swap3A_366] : memref<1x512x32xi32, #tpu.memory_space<vmem>>, vector<1x512x1xi32>
    %swap3A_368 = vector.shape_cast %swap3A_367 : vector<1x512x1xi32> to vector<512x1xi32>
    %swap3A_369 = vector.shape_cast %add3A_363 : vector<512x1xi32> to vector<1x512x1xi32>
    tpu.vector_store %arg5[%swap3A_364, %swap3A_365, %swap3A_366], %swap3A_369 {strides = array<i32>} : memref<1x512x32xi32, #tpu.memory_space<vmem>>, vector<1x512x1xi32>,
    %sub3A_370 = vector.broadcast %and3A_337 : vector<512x1xi32> to vector<512x512xi32>
    %sub3A_371 = arith.subi %select_n3A_316, %sub3A_370 : vector<512x512xi32>
    %select_n3A_372 = arith.select %eq3A_327, %sub3A_371, %select_n3A_316 : vector<512x512xi1>, vector<512x512xi32>
    %ne3A_373 = arith.constant 0 : i32
    %ne3A_374 = vector.broadcast %ne3A_373 : i32 to vector<512x512xi32>
    %ne3A_375 = arith.cmpi ne, %select_n3A_372, %ne3A_374 : vector<512x512xi32>
    %jit3A_376 = arith.constant 512 : i32
    %broadcast_in_dim3A_377 = vector.broadcast %jit3A_376 : i32 to vector<512x512xi32>
    %select_n3A_378 = arith.select %ne3A_375, %iota3A, %broadcast_in_dim3A_377 : vector<512x512xi1>, vector<512x512xi32>
    %reduce_min3A_379 = arith.constant dense<2147483647> : vector<512xi32>
    %reduce_min3A_380 = vector.multi_reduction <minsi>, %select_n3A_378, %reduce_min3A_379 [1] : vector<512x512xi32> to vector<512xi32>
    %broadcast_in_dim3A_381 = vector.shape_cast %reduce_min3A_380 : vector<512xi32> to vector<512x1xi32>
    %eq3A_382 = vector.broadcast %broadcast_in_dim3A_381 : vector<512x1xi32> to vector<512x512xi32>
    %eq3A_383 = arith.cmpi eq, %iota3A, %eq3A_382 : vector<512x512xi32>
    %jit3A_384 = arith.constant 0 : i32
    %broadcast_in_dim3A_385 = vector.broadcast %jit3A_384 : i32 to vector<512x512xi32>
    %select_n3A_386 = arith.select %eq3A_383, %select_n3A_372, %broadcast_in_dim3A_385 : vector<512x512xi1>, vector<512x512xi32>
    %reduce_sum3A_387 = arith.constant dense<0> : vector<512xi32>
    %reduce_sum3A_388 = vector.multi_reduction <add>, %select_n3A_386, %reduce_sum3A_387 [1] : vector<512x512xi32> to vector<512xi32>
    %broadcast_in_dim3A_389 = vector.shape_cast %reduce_sum3A_388 : vector<512xi32> to vector<512x1xi32>
    %neg3A_390 = arith.constant 0 : i32
    %neg3A_391 = vector.broadcast %neg3A_390 : i32 to vector<512x1xi32>
    %neg3A_392 = arith.subi %neg3A_391, %broadcast_in_dim3A_389 : vector<512x1xi32>
    %and3A_393 = arith.andi %broadcast_in_dim3A_389, %neg3A_392 : vector<512x1xi32>
    %convert_element_type3A_394 = arith.sitofp %and3A_393 : vector<512x1xi32> to vector<512x1xf32>
    %bitcast_convert_type3A_395 = tpu.bitcast %convert_element_type3A_394 : vector<512x1xf32> -> vector<512x1xi32>
    %shift_right_arithmetic3A_396 = arith.constant 23 : i32
    %shift_right_arithmetic3A_397 = vector.broadcast %shift_right_arithmetic3A_396 : i32 to vector<512x1xi32>
    %shift_right_arithmetic3A_398 = arith.shrsi %bitcast_convert_type3A_395, %shift_right_arithmetic3A_397 : vector<512x1xi32>
    %sub3A_399 = arith.constant 127 : i32
    %sub3A_400 = vector.broadcast %sub3A_399 : i32 to vector<512x1xi32>
    %sub3A_401 = arith.subi %shift_right_arithmetic3A_398, %sub3A_400 : vector<512x1xi32>
    %eq3A_402 = arith.constant 512 : i32
    %eq3A_403 = vector.broadcast %eq3A_402 : i32 to vector<512x1xi32>
    %eq3A_404 = arith.cmpi eq, %broadcast_in_dim3A_381, %eq3A_403 : vector<512x1xi32>
    %mul3A_405 = arith.constant 16 : i32
    %mul3A_406 = vector.broadcast %mul3A_405 : i32 to vector<512x1xi32>
    %mul3A_407 = arith.muli %broadcast_in_dim3A_381, %mul3A_406 : vector<512x1xi32>
    %add3A_408 = arith.addi %mul3A_407, %sub3A_401 : vector<512x1xi32>
    %jit3A_409 = arith.constant 8192 : i32
    %broadcast_in_dim3A_410 = vector.broadcast %jit3A_409 : i32 to vector<512x1xi32>
    %select_n3A_411 = arith.select %eq3A_404, %broadcast_in_dim3A_410, %add3A_408 : vector<512x1xi1>, vector<512x1xi32>
    %eq3A_412 = arith.constant 8192 : i32
    %eq3A_413 = vector.broadcast %eq3A_412 : i32 to vector<512x1xi32>
    %eq3A_414 = arith.cmpi eq, %select_n3A_411, %eq3A_413 : vector<512x1xi32>
    %select_n3A_415 = arith.select %eq3A_414, %select_n3A_76, %select_n3A_411 : vector<512x1xi1>, vector<512x1xi32>
    %mul3A_416 = arith.constant 8192 : i32
    %mul3A_417 = arith.muli %arg0, %mul3A_416 : i32
    %add3A_418 = vector.broadcast %mul3A_417 : i32 to vector<512x1xi32>
    %add3A_419 = arith.addi %select_n3A_415, %add3A_418 : vector<512x1xi32>
    %swap3A_420 = arith.constant 0 : index
    %swap3A_421 = arith.constant 0 : index
    %swap3A_422 = arith.constant 6 : index
    %swap3A_423 = vector.load %arg5[%swap3A_420, %swap3A_421, %swap3A_422] : memref<1x512x32xi32, #tpu.memory_space<vmem>>, vector<1x512x1xi32>
    %swap3A_424 = vector.shape_cast %swap3A_423 : vector<1x512x1xi32> to vector<512x1xi32>
    %swap3A_425 = vector.shape_cast %add3A_419 : vector<512x1xi32> to vector<1x512x1xi32>
    tpu.vector_store %arg5[%swap3A_420, %swap3A_421, %swap3A_422], %swap3A_425 {strides = array<i32>} : memref<1x512x32xi32, #tpu.memory_space<vmem>>, vector<1x512x1xi32>,
    %sub3A_426 = vector.broadcast %and3A_393 : vector<512x1xi32> to vector<512x512xi32>
    %sub3A_427 = arith.subi %select_n3A_372, %sub3A_426 : vector<512x512xi32>
    %select_n3A_428 = arith.select %eq3A_383, %sub3A_427, %select_n3A_372 : vector<512x512xi1>, vector<512x512xi32>
    %ne3A_429 = arith.constant 0 : i32
    %ne3A_430 = vector.broadcast %ne3A_429 : i32 to vector<512x512xi32>
    %ne3A_431 = arith.cmpi ne, %select_n3A_428, %ne3A_430 : vector<512x512xi32>
    %jit3A_432 = arith.constant 512 : i32
    %broadcast_in_dim3A_433 = vector.broadcast %jit3A_432 : i32 to vector<512x512xi32>
    %select_n3A_434 = arith.select %ne3A_431, %iota3A, %broadcast_in_dim3A_433 : vector<512x512xi1>, vector<512x512xi32>
    %reduce_min3A_435 = arith.constant dense<2147483647> : vector<512xi32>
    %reduce_min3A_436 = vector.multi_reduction <minsi>, %select_n3A_434, %reduce_min3A_435 [1] : vector<512x512xi32> to vector<512xi32>
    %broadcast_in_dim3A_437 = vector.shape_cast %reduce_min3A_436 : vector<512xi32> to vector<512x1xi32>
    %eq3A_438 = vector.broadcast %broadcast_in_dim3A_437 : vector<512x1xi32> to vector<512x512xi32>
    %eq3A_439 = arith.cmpi eq, %iota3A, %eq3A_438 : vector<512x512xi32>
    %jit3A_440 = arith.constant 0 : i32
    %broadcast_in_dim3A_441 = vector.broadcast %jit3A_440 : i32 to vector<512x512xi32>
    %select_n3A_442 = arith.select %eq3A_439, %select_n3A_428, %broadcast_in_dim3A_441 : vector<512x512xi1>, vector<512x512xi32>
    %reduce_sum3A_443 = arith.constant dense<0> : vector<512xi32>
    %reduce_sum3A_444 = vector.multi_reduction <add>, %select_n3A_442, %reduce_sum3A_443 [1] : vector<512x512xi32> to vector<512xi32>
    %broadcast_in_dim3A_445 = vector.shape_cast %reduce_sum3A_444 : vector<512xi32> to vector<512x1xi32>
    %neg3A_446 = arith.constant 0 : i32
    %neg3A_447 = vector.broadcast %neg3A_446 : i32 to vector<512x1xi32>
    %neg3A_448 = arith.subi %neg3A_447, %broadcast_in_dim3A_445 : vector<512x1xi32>
    %and3A_449 = arith.andi %broadcast_in_dim3A_445, %neg3A_448 : vector<512x1xi32>
    %convert_element_type3A_450 = arith.sitofp %and3A_449 : vector<512x1xi32> to vector<512x1xf32>
    %bitcast_convert_type3A_451 = tpu.bitcast %convert_element_type3A_450 : vector<512x1xf32> -> vector<512x1xi32>
    %shift_right_arithmetic3A_452 = arith.constant 23 : i32
    %shift_right_arithmetic3A_453 = vector.broadcast %shift_right_arithmetic3A_452 : i32 to vector<512x1xi32>
    %shift_right_arithmetic3A_454 = arith.shrsi %bitcast_convert_type3A_451, %shift_right_arithmetic3A_453 : vector<512x1xi32>
    %sub3A_455 = arith.constant 127 : i32
    %sub3A_456 = vector.broadcast %sub3A_455 : i32 to vector<512x1xi32>
    %sub3A_457 = arith.subi %shift_right_arithmetic3A_454, %sub3A_456 : vector<512x1xi32>
    %eq3A_458 = arith.constant 512 : i32
    %eq3A_459 = vector.broadcast %eq3A_458 : i32 to vector<512x1xi32>
    %eq3A_460 = arith.cmpi eq, %broadcast_in_dim3A_437, %eq3A_459 : vector<512x1xi32>
    %mul3A_461 = arith.constant 16 : i32
    %mul3A_462 = vector.broadcast %mul3A_461 : i32 to vector<512x1xi32>
    %mul3A_463 = arith.muli %broadcast_in_dim3A_437, %mul3A_462 : vector<512x1xi32>
    %add3A_464 = arith.addi %mul3A_463, %sub3A_457 : vector<512x1xi32>
    %jit3A_465 = arith.constant 8192 : i32
    %broadcast_in_dim3A_466 = vector.broadcast %jit3A_465 : i32 to vector<512x1xi32>
    %select_n3A_467 = arith.select %eq3A_460, %broadcast_in_dim3A_466, %add3A_464 : vector<512x1xi1>, vector<512x1xi32>
    %eq3A_468 = arith.constant 8192 : i32
    %eq3A_469 = vector.broadcast %eq3A_468 : i32 to vector<512x1xi32>
    %eq3A_470 = arith.cmpi eq, %select_n3A_467, %eq3A_469 : vector<512x1xi32>
    %select_n3A_471 = arith.select %eq3A_470, %select_n3A_76, %select_n3A_467 : vector<512x1xi1>, vector<512x1xi32>
    %mul3A_472 = arith.constant 8192 : i32
    %mul3A_473 = arith.muli %arg0, %mul3A_472 : i32
    %add3A_474 = vector.broadcast %mul3A_473 : i32 to vector<512x1xi32>
    %add3A_475 = arith.addi %select_n3A_471, %add3A_474 : vector<512x1xi32>
    %swap3A_476 = arith.constant 0 : index
    %swap3A_477 = arith.constant 0 : index
    %swap3A_478 = arith.constant 7 : index
    %swap3A_479 = vector.load %arg5[%swap3A_476, %swap3A_477, %swap3A_478] : memref<1x512x32xi32, #tpu.memory_space<vmem>>, vector<1x512x1xi32>
    %swap3A_480 = vector.shape_cast %swap3A_479 : vector<1x512x1xi32> to vector<512x1xi32>
    %swap3A_481 = vector.shape_cast %add3A_475 : vector<512x1xi32> to vector<1x512x1xi32>
    tpu.vector_store %arg5[%swap3A_476, %swap3A_477, %swap3A_478], %swap3A_481 {strides = array<i32>} : memref<1x512x32xi32, #tpu.memory_space<vmem>>, vector<1x512x1xi32>,
    %sub3A_482 = vector.broadcast %and3A_449 : vector<512x1xi32> to vector<512x512xi32>
    %sub3A_483 = arith.subi %select_n3A_428, %sub3A_482 : vector<512x512xi32>
    %select_n3A_484 = arith.select %eq3A_439, %sub3A_483, %select_n3A_428 : vector<512x512xi1>, vector<512x512xi32>
    %ne3A_485 = arith.constant 0 : i32
    %ne3A_486 = vector.broadcast %ne3A_485 : i32 to vector<512x512xi32>
    %ne3A_487 = arith.cmpi ne, %select_n3A_484, %ne3A_486 : vector<512x512xi32>
    %jit3A_488 = arith.constant 512 : i32
    %broadcast_in_dim3A_489 = vector.broadcast %jit3A_488 : i32 to vector<512x512xi32>
    %select_n3A_490 = arith.select %ne3A_487, %iota3A, %broadcast_in_dim3A_489 : vector<512x512xi1>, vector<512x512xi32>
    %reduce_min3A_491 = arith.constant dense<2147483647> : vector<512xi32>
    %reduce_min3A_492 = vector.multi_reduction <minsi>, %select_n3A_490, %reduce_min3A_491 [1] : vector<512x512xi32> to vector<512xi32>
    %broadcast_in_dim3A_493 = vector.shape_cast %reduce_min3A_492 : vector<512xi32> to vector<512x1xi32>
    %eq3A_494 = vector.broadcast %broadcast_in_dim3A_493 : vector<512x1xi32> to vector<512x512xi32>
    %eq3A_495 = arith.cmpi eq, %iota3A, %eq3A_494 : vector<512x512xi32>
    %jit3A_496 = arith.constant 0 : i32
    %broadcast_in_dim3A_497 = vector.broadcast %jit3A_496 : i32 to vector<512x512xi32>
    %select_n3A_498 = arith.select %eq3A_495, %select_n3A_484, %broadcast_in_dim3A_497 : vector<512x512xi1>, vector<512x512xi32>
    %reduce_sum3A_499 = arith.constant dense<0> : vector<512xi32>
    %reduce_sum3A_500 = vector.multi_reduction <add>, %select_n3A_498, %reduce_sum3A_499 [1] : vector<512x512xi32> to vector<512xi32>
    %broadcast_in_dim3A_501 = vector.shape_cast %reduce_sum3A_500 : vector<512xi32> to vector<512x1xi32>
    %neg3A_502 = arith.constant 0 : i32
    %neg3A_503 = vector.broadcast %neg3A_502 : i32 to vector<512x1xi32>
    %neg3A_504 = arith.subi %neg3A_503, %broadcast_in_dim3A_501 : vector<512x1xi32>
    %and3A_505 = arith.andi %broadcast_in_dim3A_501, %neg3A_504 : vector<512x1xi32>
    %convert_element_type3A_506 = arith.sitofp %and3A_505 : vector<512x1xi32> to vector<512x1xf32>
    %bitcast_convert_type3A_507 = tpu.bitcast %convert_element_type3A_506 : vector<512x1xf32> -> vector<512x1xi32>
    %shift_right_arithmetic3A_508 = arith.constant 23 : i32
    %shift_right_arithmetic3A_509 = vector.broadcast %shift_right_arithmetic3A_508 : i32 to vector<512x1xi32>
    %shift_right_arithmetic3A_510 = arith.shrsi %bitcast_convert_type3A_507, %shift_right_arithmetic3A_509 : vector<512x1xi32>
    %sub3A_511 = arith.constant 127 : i32
    %sub3A_512 = vector.broadcast %sub3A_511 : i32 to vector<512x1xi32>
    %sub3A_513 = arith.subi %shift_right_arithmetic3A_510, %sub3A_512 : vector<512x1xi32>
    %eq3A_514 = arith.constant 512 : i32
    %eq3A_515 = vector.broadcast %eq3A_514 : i32 to vector<512x1xi32>
    %eq3A_516 = arith.cmpi eq, %broadcast_in_dim3A_493, %eq3A_515 : vector<512x1xi32>
    %mul3A_517 = arith.constant 16 : i32
    %mul3A_518 = vector.broadcast %mul3A_517 : i32 to vector<512x1xi32>
    %mul3A_519 = arith.muli %broadcast_in_dim3A_493, %mul3A_518 : vector<512x1xi32>
    %add3A_520 = arith.addi %mul3A_519, %sub3A_513 : vector<512x1xi32>
    %jit3A_521 = arith.constant 8192 : i32
    %broadcast_in_dim3A_522 = vector.broadcast %jit3A_521 : i32 to vector<512x1xi32>
    %select_n3A_523 = arith.select %eq3A_516, %broadcast_in_dim3A_522, %add3A_520 : vector<512x1xi1>, vector<512x1xi32>
    %eq3A_524 = arith.constant 8192 : i32
    %eq3A_525 = vector.broadcast %eq3A_524 : i32 to vector<512x1xi32>
    %eq3A_526 = arith.cmpi eq, %select_n3A_523, %eq3A_525 : vector<512x1xi32>
    %select_n3A_527 = arith.select %eq3A_526, %select_n3A_76, %select_n3A_523 : vector<512x1xi1>, vector<512x1xi32>
    %mul3A_528 = arith.constant 8192 : i32
    %mul3A_529 = arith.muli %arg0, %mul3A_528 : i32
    %add3A_530 = vector.broadcast %mul3A_529 : i32 to vector<512x1xi32>
    %add3A_531 = arith.addi %select_n3A_527, %add3A_530 : vector<512x1xi32>
    %swap3A_532 = arith.constant 0 : index
    %swap3A_533 = arith.constant 0 : index
    %swap3A_534 = arith.constant 8 : index
    %swap3A_535 = vector.load %arg5[%swap3A_532, %swap3A_533, %swap3A_534] : memref<1x512x32xi32, #tpu.memory_space<vmem>>, vector<1x512x1xi32>
    %swap3A_536 = vector.shape_cast %swap3A_535 : vector<1x512x1xi32> to vector<512x1xi32>
    %swap3A_537 = vector.shape_cast %add3A_531 : vector<512x1xi32> to vector<1x512x1xi32>
    tpu.vector_store %arg5[%swap3A_532, %swap3A_533, %swap3A_534], %swap3A_537 {strides = array<i32>} : memref<1x512x32xi32, #tpu.memory_space<vmem>>, vector<1x512x1xi32>,
    %sub3A_538 = vector.broadcast %and3A_505 : vector<512x1xi32> to vector<512x512xi32>
    %sub3A_539 = arith.subi %select_n3A_484, %sub3A_538 : vector<512x512xi32>
    %select_n3A_540 = arith.select %eq3A_495, %sub3A_539, %select_n3A_484 : vector<512x512xi1>, vector<512x512xi32>
    %ne3A_541 = arith.constant 0 : i32
    %ne3A_542 = vector.broadcast %ne3A_541 : i32 to vector<512x512xi32>
    %ne3A_543 = arith.cmpi ne, %select_n3A_540, %ne3A_542 : vector<512x512xi32>
    %jit3A_544 = arith.constant 512 : i32
    %broadcast_in_dim3A_545 = vector.broadcast %jit3A_544 : i32 to vector<512x512xi32>
    %select_n3A_546 = arith.select %ne3A_543, %iota3A, %broadcast_in_dim3A_545 : vector<512x512xi1>, vector<512x512xi32>
    %reduce_min3A_547 = arith.constant dense<2147483647> : vector<512xi32>
    %reduce_min3A_548 = vector.multi_reduction <minsi>, %select_n3A_546, %reduce_min3A_547 [1] : vector<512x512xi32> to vector<512xi32>
    %broadcast_in_dim3A_549 = vector.shape_cast %reduce_min3A_548 : vector<512xi32> to vector<512x1xi32>
    %eq3A_550 = vector.broadcast %broadcast_in_dim3A_549 : vector<512x1xi32> to vector<512x512xi32>
    %eq3A_551 = arith.cmpi eq, %iota3A, %eq3A_550 : vector<512x512xi32>
    %jit3A_552 = arith.constant 0 : i32
    %broadcast_in_dim3A_553 = vector.broadcast %jit3A_552 : i32 to vector<512x512xi32>
    %select_n3A_554 = arith.select %eq3A_551, %select_n3A_540, %broadcast_in_dim3A_553 : vector<512x512xi1>, vector<512x512xi32>
    %reduce_sum3A_555 = arith.constant dense<0> : vector<512xi32>
    %reduce_sum3A_556 = vector.multi_reduction <add>, %select_n3A_554, %reduce_sum3A_555 [1] : vector<512x512xi32> to vector<512xi32>
    %broadcast_in_dim3A_557 = vector.shape_cast %reduce_sum3A_556 : vector<512xi32> to vector<512x1xi32>
    %neg3A_558 = arith.constant 0 : i32
    %neg3A_559 = vector.broadcast %neg3A_558 : i32 to vector<512x1xi32>
    %neg3A_560 = arith.subi %neg3A_559, %broadcast_in_dim3A_557 : vector<512x1xi32>
    %and3A_561 = arith.andi %broadcast_in_dim3A_557, %neg3A_560 : vector<512x1xi32>
    %convert_element_type3A_562 = arith.sitofp %and3A_561 : vector<512x1xi32> to vector<512x1xf32>
    %bitcast_convert_type3A_563 = tpu.bitcast %convert_element_type3A_562 : vector<512x1xf32> -> vector<512x1xi32>
    %shift_right_arithmetic3A_564 = arith.constant 23 : i32
    %shift_right_arithmetic3A_565 = vector.broadcast %shift_right_arithmetic3A_564 : i32 to vector<512x1xi32>
    %shift_right_arithmetic3A_566 = arith.shrsi %bitcast_convert_type3A_563, %shift_right_arithmetic3A_565 : vector<512x1xi32>
    %sub3A_567 = arith.constant 127 : i32
    %sub3A_568 = vector.broadcast %sub3A_567 : i32 to vector<512x1xi32>
    %sub3A_569 = arith.subi %shift_right_arithmetic3A_566, %sub3A_568 : vector<512x1xi32>
    %eq3A_570 = arith.constant 512 : i32
    %eq3A_571 = vector.broadcast %eq3A_570 : i32 to vector<512x1xi32>
    %eq3A_572 = arith.cmpi eq, %broadcast_in_dim3A_549, %eq3A_571 : vector<512x1xi32>
    %mul3A_573 = arith.constant 16 : i32
    %mul3A_574 = vector.broadcast %mul3A_573 : i32 to vector<512x1xi32>
    %mul3A_575 = arith.muli %broadcast_in_dim3A_549, %mul3A_574 : vector<512x1xi32>
    %add3A_576 = arith.addi %mul3A_575, %sub3A_569 : vector<512x1xi32>
    %jit3A_577 = arith.constant 8192 : i32
    %broadcast_in_dim3A_578 = vector.broadcast %jit3A_577 : i32 to vector<512x1xi32>
    %select_n3A_579 = arith.select %eq3A_572, %broadcast_in_dim3A_578, %add3A_576 : vector<512x1xi1>, vector<512x1xi32>
    %eq3A_580 = arith.constant 8192 : i32
    %eq3A_581 = vector.broadcast %eq3A_580 : i32 to vector<512x1xi32>
    %eq3A_582 = arith.cmpi eq, %select_n3A_579, %eq3A_581 : vector<512x1xi32>
    %select_n3A_583 = arith.select %eq3A_582, %select_n3A_76, %select_n3A_579 : vector<512x1xi1>, vector<512x1xi32>
    %mul3A_584 = arith.constant 8192 : i32
    %mul3A_585 = arith.muli %arg0, %mul3A_584 : i32
    %add3A_586 = vector.broadcast %mul3A_585 : i32 to vector<512x1xi32>
    %add3A_587 = arith.addi %select_n3A_583, %add3A_586 : vector<512x1xi32>
    %swap3A_588 = arith.constant 0 : index
    %swap3A_589 = arith.constant 0 : index
    %swap3A_590 = arith.constant 9 : index
    %swap3A_591 = vector.load %arg5[%swap3A_588, %swap3A_589, %swap3A_590] : memref<1x512x32xi32, #tpu.memory_space<vmem>>, vector<1x512x1xi32>
    %swap3A_592 = vector.shape_cast %swap3A_591 : vector<1x512x1xi32> to vector<512x1xi32>
    %swap3A_593 = vector.shape_cast %add3A_587 : vector<512x1xi32> to vector<1x512x1xi32>
    tpu.vector_store %arg5[%swap3A_588, %swap3A_589, %swap3A_590], %swap3A_593 {strides = array<i32>} : memref<1x512x32xi32, #tpu.memory_space<vmem>>, vector<1x512x1xi32>,
    %sub3A_594 = vector.broadcast %and3A_561 : vector<512x1xi32> to vector<512x512xi32>
    %sub3A_595 = arith.subi %select_n3A_540, %sub3A_594 : vector<512x512xi32>
    %select_n3A_596 = arith.select %eq3A_551, %sub3A_595, %select_n3A_540 : vector<512x512xi1>, vector<512x512xi32>
    %ne3A_597 = arith.constant 0 : i32
    %ne3A_598 = vector.broadcast %ne3A_597 : i32 to vector<512x512xi32>
    %ne3A_599 = arith.cmpi ne, %select_n3A_596, %ne3A_598 : vector<512x512xi32>
    %jit3A_600 = arith.constant 512 : i32
    %broadcast_in_dim3A_601 = vector.broadcast %jit3A_600 : i32 to vector<512x512xi32>
    %select_n3A_602 = arith.select %ne3A_599, %iota3A, %broadcast_in_dim3A_601 : vector<512x512xi1>, vector<512x512xi32>
    %reduce_min3A_603 = arith.constant dense<2147483647> : vector<512xi32>
    %reduce_min3A_604 = vector.multi_reduction <minsi>, %select_n3A_602, %reduce_min3A_603 [1] : vector<512x512xi32> to vector<512xi32>
    %broadcast_in_dim3A_605 = vector.shape_cast %reduce_min3A_604 : vector<512xi32> to vector<512x1xi32>
    %eq3A_606 = vector.broadcast %broadcast_in_dim3A_605 : vector<512x1xi32> to vector<512x512xi32>
    %eq3A_607 = arith.cmpi eq, %iota3A, %eq3A_606 : vector<512x512xi32>
    %jit3A_608 = arith.constant 0 : i32
    %broadcast_in_dim3A_609 = vector.broadcast %jit3A_608 : i32 to vector<512x512xi32>
    %select_n3A_610 = arith.select %eq3A_607, %select_n3A_596, %broadcast_in_dim3A_609 : vector<512x512xi1>, vector<512x512xi32>
    %reduce_sum3A_611 = arith.constant dense<0> : vector<512xi32>
    %reduce_sum3A_612 = vector.multi_reduction <add>, %select_n3A_610, %reduce_sum3A_611 [1] : vector<512x512xi32> to vector<512xi32>
    %broadcast_in_dim3A_613 = vector.shape_cast %reduce_sum3A_612 : vector<512xi32> to vector<512x1xi32>
    %neg3A_614 = arith.constant 0 : i32
    %neg3A_615 = vector.broadcast %neg3A_614 : i32 to vector<512x1xi32>
    %neg3A_616 = arith.subi %neg3A_615, %broadcast_in_dim3A_613 : vector<512x1xi32>
    %and3A_617 = arith.andi %broadcast_in_dim3A_613, %neg3A_616 : vector<512x1xi32>
    %convert_element_type3A_618 = arith.sitofp %and3A_617 : vector<512x1xi32> to vector<512x1xf32>
    %bitcast_convert_type3A_619 = tpu.bitcast %convert_element_type3A_618 : vector<512x1xf32> -> vector<512x1xi32>
    %shift_right_arithmetic3A_620 = arith.constant 23 : i32
    %shift_right_arithmetic3A_621 = vector.broadcast %shift_right_arithmetic3A_620 : i32 to vector<512x1xi32>
    %shift_right_arithmetic3A_622 = arith.shrsi %bitcast_convert_type3A_619, %shift_right_arithmetic3A_621 : vector<512x1xi32>
    %sub3A_623 = arith.constant 127 : i32
    %sub3A_624 = vector.broadcast %sub3A_623 : i32 to vector<512x1xi32>
    %sub3A_625 = arith.subi %shift_right_arithmetic3A_622, %sub3A_624 : vector<512x1xi32>
    %eq3A_626 = arith.constant 512 : i32
    %eq3A_627 = vector.broadcast %eq3A_626 : i32 to vector<512x1xi32>
    %eq3A_628 = arith.cmpi eq, %broadcast_in_dim3A_605, %eq3A_627 : vector<512x1xi32>
    %mul3A_629 = arith.constant 16 : i32
    %mul3A_630 = vector.broadcast %mul3A_629 : i32 to vector<512x1xi32>
    %mul3A_631 = arith.muli %broadcast_in_dim3A_605, %mul3A_630 : vector<512x1xi32>
    %add3A_632 = arith.addi %mul3A_631, %sub3A_625 : vector<512x1xi32>
    %jit3A_633 = arith.constant 8192 : i32
    %broadcast_in_dim3A_634 = vector.broadcast %jit3A_633 : i32 to vector<512x1xi32>
    %select_n3A_635 = arith.select %eq3A_628, %broadcast_in_dim3A_634, %add3A_632 : vector<512x1xi1>, vector<512x1xi32>
    %eq3A_636 = arith.constant 8192 : i32
    %eq3A_637 = vector.broadcast %eq3A_636 : i32 to vector<512x1xi32>
    %eq3A_638 = arith.cmpi eq, %select_n3A_635, %eq3A_637 : vector<512x1xi32>
    %select_n3A_639 = arith.select %eq3A_638, %select_n3A_76, %select_n3A_635 : vector<512x1xi1>, vector<512x1xi32>
    %mul3A_640 = arith.constant 8192 : i32
    %mul3A_641 = arith.muli %arg0, %mul3A_640 : i32
    %add3A_642 = vector.broadcast %mul3A_641 : i32 to vector<512x1xi32>
    %add3A_643 = arith.addi %select_n3A_639, %add3A_642 : vector<512x1xi32>
    %swap3A_644 = arith.constant 0 : index
    %swap3A_645 = arith.constant 0 : index
    %swap3A_646 = arith.constant 10 : index
    %swap3A_647 = vector.load %arg5[%swap3A_644, %swap3A_645, %swap3A_646] : memref<1x512x32xi32, #tpu.memory_space<vmem>>, vector<1x512x1xi32>
    %swap3A_648 = vector.shape_cast %swap3A_647 : vector<1x512x1xi32> to vector<512x1xi32>
    %swap3A_649 = vector.shape_cast %add3A_643 : vector<512x1xi32> to vector<1x512x1xi32>
    tpu.vector_store %arg5[%swap3A_644, %swap3A_645, %swap3A_646], %swap3A_649 {strides = array<i32>} : memref<1x512x32xi32, #tpu.memory_space<vmem>>, vector<1x512x1xi32>,
    %sub3A_650 = vector.broadcast %and3A_617 : vector<512x1xi32> to vector<512x512xi32>
    %sub3A_651 = arith.subi %select_n3A_596, %sub3A_650 : vector<512x512xi32>
    %select_n3A_652 = arith.select %eq3A_607, %sub3A_651, %select_n3A_596 : vector<512x512xi1>, vector<512x512xi32>
    %ne3A_653 = arith.constant 0 : i32
    %ne3A_654 = vector.broadcast %ne3A_653 : i32 to vector<512x512xi32>
    %ne3A_655 = arith.cmpi ne, %select_n3A_652, %ne3A_654 : vector<512x512xi32>
    %jit3A_656 = arith.constant 512 : i32
    %broadcast_in_dim3A_657 = vector.broadcast %jit3A_656 : i32 to vector<512x512xi32>
    %select_n3A_658 = arith.select %ne3A_655, %iota3A, %broadcast_in_dim3A_657 : vector<512x512xi1>, vector<512x512xi32>
    %reduce_min3A_659 = arith.constant dense<2147483647> : vector<512xi32>
    %reduce_min3A_660 = vector.multi_reduction <minsi>, %select_n3A_658, %reduce_min3A_659 [1] : vector<512x512xi32> to vector<512xi32>
    %broadcast_in_dim3A_661 = vector.shape_cast %reduce_min3A_660 : vector<512xi32> to vector<512x1xi32>
    %eq3A_662 = vector.broadcast %broadcast_in_dim3A_661 : vector<512x1xi32> to vector<512x512xi32>
    %eq3A_663 = arith.cmpi eq, %iota3A, %eq3A_662 : vector<512x512xi32>
    %jit3A_664 = arith.constant 0 : i32
    %broadcast_in_dim3A_665 = vector.broadcast %jit3A_664 : i32 to vector<512x512xi32>
    %select_n3A_666 = arith.select %eq3A_663, %select_n3A_652, %broadcast_in_dim3A_665 : vector<512x512xi1>, vector<512x512xi32>
    %reduce_sum3A_667 = arith.constant dense<0> : vector<512xi32>
    %reduce_sum3A_668 = vector.multi_reduction <add>, %select_n3A_666, %reduce_sum3A_667 [1] : vector<512x512xi32> to vector<512xi32>
    %broadcast_in_dim3A_669 = vector.shape_cast %reduce_sum3A_668 : vector<512xi32> to vector<512x1xi32>
    %neg3A_670 = arith.constant 0 : i32
    %neg3A_671 = vector.broadcast %neg3A_670 : i32 to vector<512x1xi32>
    %neg3A_672 = arith.subi %neg3A_671, %broadcast_in_dim3A_669 : vector<512x1xi32>
    %and3A_673 = arith.andi %broadcast_in_dim3A_669, %neg3A_672 : vector<512x1xi32>
    %convert_element_type3A_674 = arith.sitofp %and3A_673 : vector<512x1xi32> to vector<512x1xf32>
    %bitcast_convert_type3A_675 = tpu.bitcast %convert_element_type3A_674 : vector<512x1xf32> -> vector<512x1xi32>
    %shift_right_arithmetic3A_676 = arith.constant 23 : i32
    %shift_right_arithmetic3A_677 = vector.broadcast %shift_right_arithmetic3A_676 : i32 to vector<512x1xi32>
    %shift_right_arithmetic3A_678 = arith.shrsi %bitcast_convert_type3A_675, %shift_right_arithmetic3A_677 : vector<512x1xi32>
    %sub3A_679 = arith.constant 127 : i32
    %sub3A_680 = vector.broadcast %sub3A_679 : i32 to vector<512x1xi32>
    %sub3A_681 = arith.subi %shift_right_arithmetic3A_678, %sub3A_680 : vector<512x1xi32>
    %eq3A_682 = arith.constant 512 : i32
    %eq3A_683 = vector.broadcast %eq3A_682 : i32 to vector<512x1xi32>
    %eq3A_684 = arith.cmpi eq, %broadcast_in_dim3A_661, %eq3A_683 : vector<512x1xi32>
    %mul3A_685 = arith.constant 16 : i32
    %mul3A_686 = vector.broadcast %mul3A_685 : i32 to vector<512x1xi32>
    %mul3A_687 = arith.muli %broadcast_in_dim3A_661, %mul3A_686 : vector<512x1xi32>
    %add3A_688 = arith.addi %mul3A_687, %sub3A_681 : vector<512x1xi32>
    %jit3A_689 = arith.constant 8192 : i32
    %broadcast_in_dim3A_690 = vector.broadcast %jit3A_689 : i32 to vector<512x1xi32>
    %select_n3A_691 = arith.select %eq3A_684, %broadcast_in_dim3A_690, %add3A_688 : vector<512x1xi1>, vector<512x1xi32>
    %eq3A_692 = arith.constant 8192 : i32
    %eq3A_693 = vector.broadcast %eq3A_692 : i32 to vector<512x1xi32>
    %eq3A_694 = arith.cmpi eq, %select_n3A_691, %eq3A_693 : vector<512x1xi32>
    %select_n3A_695 = arith.select %eq3A_694, %select_n3A_76, %select_n3A_691 : vector<512x1xi1>, vector<512x1xi32>
    %mul3A_696 = arith.constant 8192 : i32
    %mul3A_697 = arith.muli %arg0, %mul3A_696 : i32
    %add3A_698 = vector.broadcast %mul3A_697 : i32 to vector<512x1xi32>
    %add3A_699 = arith.addi %select_n3A_695, %add3A_698 : vector<512x1xi32>
    %swap3A_700 = arith.constant 0 : index
    %swap3A_701 = arith.constant 0 : index
    %swap3A_702 = arith.constant 11 : index
    %swap3A_703 = vector.load %arg5[%swap3A_700, %swap3A_701, %swap3A_702] : memref<1x512x32xi32, #tpu.memory_space<vmem>>, vector<1x512x1xi32>
    %swap3A_704 = vector.shape_cast %swap3A_703 : vector<1x512x1xi32> to vector<512x1xi32>
    %swap3A_705 = vector.shape_cast %add3A_699 : vector<512x1xi32> to vector<1x512x1xi32>
    tpu.vector_store %arg5[%swap3A_700, %swap3A_701, %swap3A_702], %swap3A_705 {strides = array<i32>} : memref<1x512x32xi32, #tpu.memory_space<vmem>>, vector<1x512x1xi32>,
    %sub3A_706 = vector.broadcast %and3A_673 : vector<512x1xi32> to vector<512x512xi32>
    %sub3A_707 = arith.subi %select_n3A_652, %sub3A_706 : vector<512x512xi32>
    %select_n3A_708 = arith.select %eq3A_663, %sub3A_707, %select_n3A_652 : vector<512x512xi1>, vector<512x512xi32>
    %ne3A_709 = arith.constant 0 : i32
    %ne3A_710 = vector.broadcast %ne3A_709 : i32 to vector<512x512xi32>
    %ne3A_711 = arith.cmpi ne, %select_n3A_708, %ne3A_710 : vector<512x512xi32>
    %jit3A_712 = arith.constant 512 : i32
    %broadcast_in_dim3A_713 = vector.broadcast %jit3A_712 : i32 to vector<512x512xi32>
    %select_n3A_714 = arith.select %ne3A_711, %iota3A, %broadcast_in_dim3A_713 : vector<512x512xi1>, vector<512x512xi32>
    %reduce_min3A_715 = arith.constant dense<2147483647> : vector<512xi32>
    %reduce_min3A_716 = vector.multi_reduction <minsi>, %select_n3A_714, %reduce_min3A_715 [1] : vector<512x512xi32> to vector<512xi32>
    %broadcast_in_dim3A_717 = vector.shape_cast %reduce_min3A_716 : vector<512xi32> to vector<512x1xi32>
    %eq3A_718 = vector.broadcast %broadcast_in_dim3A_717 : vector<512x1xi32> to vector<512x512xi32>
    %eq3A_719 = arith.cmpi eq, %iota3A, %eq3A_718 : vector<512x512xi32>
    %jit3A_720 = arith.constant 0 : i32
    %broadcast_in_dim3A_721 = vector.broadcast %jit3A_720 : i32 to vector<512x512xi32>
    %select_n3A_722 = arith.select %eq3A_719, %select_n3A_708, %broadcast_in_dim3A_721 : vector<512x512xi1>, vector<512x512xi32>
    %reduce_sum3A_723 = arith.constant dense<0> : vector<512xi32>
    %reduce_sum3A_724 = vector.multi_reduction <add>, %select_n3A_722, %reduce_sum3A_723 [1] : vector<512x512xi32> to vector<512xi32>
    %broadcast_in_dim3A_725 = vector.shape_cast %reduce_sum3A_724 : vector<512xi32> to vector<512x1xi32>
    %neg3A_726 = arith.constant 0 : i32
    %neg3A_727 = vector.broadcast %neg3A_726 : i32 to vector<512x1xi32>
    %neg3A_728 = arith.subi %neg3A_727, %broadcast_in_dim3A_725 : vector<512x1xi32>
    %and3A_729 = arith.andi %broadcast_in_dim3A_725, %neg3A_728 : vector<512x1xi32>
    %convert_element_type3A_730 = arith.sitofp %and3A_729 : vector<512x1xi32> to vector<512x1xf32>
    %bitcast_convert_type3A_731 = tpu.bitcast %convert_element_type3A_730 : vector<512x1xf32> -> vector<512x1xi32>
    %shift_right_arithmetic3A_732 = arith.constant 23 : i32
    %shift_right_arithmetic3A_733 = vector.broadcast %shift_right_arithmetic3A_732 : i32 to vector<512x1xi32>
    %shift_right_arithmetic3A_734 = arith.shrsi %bitcast_convert_type3A_731, %shift_right_arithmetic3A_733 : vector<512x1xi32>
    %sub3A_735 = arith.constant 127 : i32
    %sub3A_736 = vector.broadcast %sub3A_735 : i32 to vector<512x1xi32>
    %sub3A_737 = arith.subi %shift_right_arithmetic3A_734, %sub3A_736 : vector<512x1xi32>
    %eq3A_738 = arith.constant 512 : i32
    %eq3A_739 = vector.broadcast %eq3A_738 : i32 to vector<512x1xi32>
    %eq3A_740 = arith.cmpi eq, %broadcast_in_dim3A_717, %eq3A_739 : vector<512x1xi32>
    %mul3A_741 = arith.constant 16 : i32
    %mul3A_742 = vector.broadcast %mul3A_741 : i32 to vector<512x1xi32>
    %mul3A_743 = arith.muli %broadcast_in_dim3A_717, %mul3A_742 : vector<512x1xi32>
    %add3A_744 = arith.addi %mul3A_743, %sub3A_737 : vector<512x1xi32>
    %jit3A_745 = arith.constant 8192 : i32
    %broadcast_in_dim3A_746 = vector.broadcast %jit3A_745 : i32 to vector<512x1xi32>
    %select_n3A_747 = arith.select %eq3A_740, %broadcast_in_dim3A_746, %add3A_744 : vector<512x1xi1>, vector<512x1xi32>
    %eq3A_748 = arith.constant 8192 : i32
    %eq3A_749 = vector.broadcast %eq3A_748 : i32 to vector<512x1xi32>
    %eq3A_750 = arith.cmpi eq, %select_n3A_747, %eq3A_749 : vector<512x1xi32>
    %select_n3A_751 = arith.select %eq3A_750, %select_n3A_76, %select_n3A_747 : vector<512x1xi1>, vector<512x1xi32>
    %mul3A_752 = arith.constant 8192 : i32
    %mul3A_753 = arith.muli %arg0, %mul3A_752 : i32
    %add3A_754 = vector.broadcast %mul3A_753 : i32 to vector<512x1xi32>
    %add3A_755 = arith.addi %select_n3A_751, %add3A_754 : vector<512x1xi32>
    %swap3A_756 = arith.constant 0 : index
    %swap3A_757 = arith.constant 0 : index
    %swap3A_758 = arith.constant 12 : index
    %swap3A_759 = vector.load %arg5[%swap3A_756, %swap3A_757, %swap3A_758] : memref<1x512x32xi32, #tpu.memory_space<vmem>>, vector<1x512x1xi32>
    %swap3A_760 = vector.shape_cast %swap3A_759 : vector<1x512x1xi32> to vector<512x1xi32>
    %swap3A_761 = vector.shape_cast %add3A_755 : vector<512x1xi32> to vector<1x512x1xi32>
    tpu.vector_store %arg5[%swap3A_756, %swap3A_757, %swap3A_758], %swap3A_761 {strides = array<i32>} : memref<1x512x32xi32, #tpu.memory_space<vmem>>, vector<1x512x1xi32>,
    %sub3A_762 = vector.broadcast %and3A_729 : vector<512x1xi32> to vector<512x512xi32>
    %sub3A_763 = arith.subi %select_n3A_708, %sub3A_762 : vector<512x512xi32>
    %select_n3A_764 = arith.select %eq3A_719, %sub3A_763, %select_n3A_708 : vector<512x512xi1>, vector<512x512xi32>
    %ne3A_765 = arith.constant 0 : i32
    %ne3A_766 = vector.broadcast %ne3A_765 : i32 to vector<512x512xi32>
    %ne3A_767 = arith.cmpi ne, %select_n3A_764, %ne3A_766 : vector<512x512xi32>
    %jit3A_768 = arith.constant 512 : i32
    %broadcast_in_dim3A_769 = vector.broadcast %jit3A_768 : i32 to vector<512x512xi32>
    %select_n3A_770 = arith.select %ne3A_767, %iota3A, %broadcast_in_dim3A_769 : vector<512x512xi1>, vector<512x512xi32>
    %reduce_min3A_771 = arith.constant dense<2147483647> : vector<512xi32>
    %reduce_min3A_772 = vector.multi_reduction <minsi>, %select_n3A_770, %reduce_min3A_771 [1] : vector<512x512xi32> to vector<512xi32>
    %broadcast_in_dim3A_773 = vector.shape_cast %reduce_min3A_772 : vector<512xi32> to vector<512x1xi32>
    %eq3A_774 = vector.broadcast %broadcast_in_dim3A_773 : vector<512x1xi32> to vector<512x512xi32>
    %eq3A_775 = arith.cmpi eq, %iota3A, %eq3A_774 : vector<512x512xi32>
    %jit3A_776 = arith.constant 0 : i32
    %broadcast_in_dim3A_777 = vector.broadcast %jit3A_776 : i32 to vector<512x512xi32>
    %select_n3A_778 = arith.select %eq3A_775, %select_n3A_764, %broadcast_in_dim3A_777 : vector<512x512xi1>, vector<512x512xi32>
    %reduce_sum3A_779 = arith.constant dense<0> : vector<512xi32>
    %reduce_sum3A_780 = vector.multi_reduction <add>, %select_n3A_778, %reduce_sum3A_779 [1] : vector<512x512xi32> to vector<512xi32>
    %broadcast_in_dim3A_781 = vector.shape_cast %reduce_sum3A_780 : vector<512xi32> to vector<512x1xi32>
    %neg3A_782 = arith.constant 0 : i32
    %neg3A_783 = vector.broadcast %neg3A_782 : i32 to vector<512x1xi32>
    %neg3A_784 = arith.subi %neg3A_783, %broadcast_in_dim3A_781 : vector<512x1xi32>
    %and3A_785 = arith.andi %broadcast_in_dim3A_781, %neg3A_784 : vector<512x1xi32>
    %convert_element_type3A_786 = arith.sitofp %and3A_785 : vector<512x1xi32> to vector<512x1xf32>
    %bitcast_convert_type3A_787 = tpu.bitcast %convert_element_type3A_786 : vector<512x1xf32> -> vector<512x1xi32>
    %shift_right_arithmetic3A_788 = arith.constant 23 : i32
    %shift_right_arithmetic3A_789 = vector.broadcast %shift_right_arithmetic3A_788 : i32 to vector<512x1xi32>
    %shift_right_arithmetic3A_790 = arith.shrsi %bitcast_convert_type3A_787, %shift_right_arithmetic3A_789 : vector<512x1xi32>
    %sub3A_791 = arith.constant 127 : i32
    %sub3A_792 = vector.broadcast %sub3A_791 : i32 to vector<512x1xi32>
    %sub3A_793 = arith.subi %shift_right_arithmetic3A_790, %sub3A_792 : vector<512x1xi32>
    %eq3A_794 = arith.constant 512 : i32
    %eq3A_795 = vector.broadcast %eq3A_794 : i32 to vector<512x1xi32>
    %eq3A_796 = arith.cmpi eq, %broadcast_in_dim3A_773, %eq3A_795 : vector<512x1xi32>
    %mul3A_797 = arith.constant 16 : i32
    %mul3A_798 = vector.broadcast %mul3A_797 : i32 to vector<512x1xi32>
    %mul3A_799 = arith.muli %broadcast_in_dim3A_773, %mul3A_798 : vector<512x1xi32>
    %add3A_800 = arith.addi %mul3A_799, %sub3A_793 : vector<512x1xi32>
    %jit3A_801 = arith.constant 8192 : i32
    %broadcast_in_dim3A_802 = vector.broadcast %jit3A_801 : i32 to vector<512x1xi32>
    %select_n3A_803 = arith.select %eq3A_796, %broadcast_in_dim3A_802, %add3A_800 : vector<512x1xi1>, vector<512x1xi32>
    %eq3A_804 = arith.constant 8192 : i32
    %eq3A_805 = vector.broadcast %eq3A_804 : i32 to vector<512x1xi32>
    %eq3A_806 = arith.cmpi eq, %select_n3A_803, %eq3A_805 : vector<512x1xi32>
    %select_n3A_807 = arith.select %eq3A_806, %select_n3A_76, %select_n3A_803 : vector<512x1xi1>, vector<512x1xi32>
    %mul3A_808 = arith.constant 8192 : i32
    %mul3A_809 = arith.muli %arg0, %mul3A_808 : i32
    %add3A_810 = vector.broadcast %mul3A_809 : i32 to vector<512x1xi32>
    %add3A_811 = arith.addi %select_n3A_807, %add3A_810 : vector<512x1xi32>
    %swap3A_812 = arith.constant 0 : index
    %swap3A_813 = arith.constant 0 : index
    %swap3A_814 = arith.constant 13 : index
    %swap3A_815 = vector.load %arg5[%swap3A_812, %swap3A_813, %swap3A_814] : memref<1x512x32xi32, #tpu.memory_space<vmem>>, vector<1x512x1xi32>
    %swap3A_816 = vector.shape_cast %swap3A_815 : vector<1x512x1xi32> to vector<512x1xi32>
    %swap3A_817 = vector.shape_cast %add3A_811 : vector<512x1xi32> to vector<1x512x1xi32>
    tpu.vector_store %arg5[%swap3A_812, %swap3A_813, %swap3A_814], %swap3A_817 {strides = array<i32>} : memref<1x512x32xi32, #tpu.memory_space<vmem>>, vector<1x512x1xi32>,
    %sub3A_818 = vector.broadcast %and3A_785 : vector<512x1xi32> to vector<512x512xi32>
    %sub3A_819 = arith.subi %select_n3A_764, %sub3A_818 : vector<512x512xi32>
    %select_n3A_820 = arith.select %eq3A_775, %sub3A_819, %select_n3A_764 : vector<512x512xi1>, vector<512x512xi32>
    %ne3A_821 = arith.constant 0 : i32
    %ne3A_822 = vector.broadcast %ne3A_821 : i32 to vector<512x512xi32>
    %ne3A_823 = arith.cmpi ne, %select_n3A_820, %ne3A_822 : vector<512x512xi32>
    %jit3A_824 = arith.constant 512 : i32
    %broadcast_in_dim3A_825 = vector.broadcast %jit3A_824 : i32 to vector<512x512xi32>
    %select_n3A_826 = arith.select %ne3A_823, %iota3A, %broadcast_in_dim3A_825 : vector<512x512xi1>, vector<512x512xi32>
    %reduce_min3A_827 = arith.constant dense<2147483647> : vector<512xi32>
    %reduce_min3A_828 = vector.multi_reduction <minsi>, %select_n3A_826, %reduce_min3A_827 [1] : vector<512x512xi32> to vector<512xi32>
    %broadcast_in_dim3A_829 = vector.shape_cast %reduce_min3A_828 : vector<512xi32> to vector<512x1xi32>
    %eq3A_830 = vector.broadcast %broadcast_in_dim3A_829 : vector<512x1xi32> to vector<512x512xi32>
    %eq3A_831 = arith.cmpi eq, %iota3A, %eq3A_830 : vector<512x512xi32>
    %jit3A_832 = arith.constant 0 : i32
    %broadcast_in_dim3A_833 = vector.broadcast %jit3A_832 : i32 to vector<512x512xi32>
    %select_n3A_834 = arith.select %eq3A_831, %select_n3A_820, %broadcast_in_dim3A_833 : vector<512x512xi1>, vector<512x512xi32>
    %reduce_sum3A_835 = arith.constant dense<0> : vector<512xi32>
    %reduce_sum3A_836 = vector.multi_reduction <add>, %select_n3A_834, %reduce_sum3A_835 [1] : vector<512x512xi32> to vector<512xi32>
    %broadcast_in_dim3A_837 = vector.shape_cast %reduce_sum3A_836 : vector<512xi32> to vector<512x1xi32>
    %neg3A_838 = arith.constant 0 : i32
    %neg3A_839 = vector.broadcast %neg3A_838 : i32 to vector<512x1xi32>
    %neg3A_840 = arith.subi %neg3A_839, %broadcast_in_dim3A_837 : vector<512x1xi32>
    %and3A_841 = arith.andi %broadcast_in_dim3A_837, %neg3A_840 : vector<512x1xi32>
    %convert_element_type3A_842 = arith.sitofp %and3A_841 : vector<512x1xi32> to vector<512x1xf32>
    %bitcast_convert_type3A_843 = tpu.bitcast %convert_element_type3A_842 : vector<512x1xf32> -> vector<512x1xi32>
    %shift_right_arithmetic3A_844 = arith.constant 23 : i32
    %shift_right_arithmetic3A_845 = vector.broadcast %shift_right_arithmetic3A_844 : i32 to vector<512x1xi32>
    %shift_right_arithmetic3A_846 = arith.shrsi %bitcast_convert_type3A_843, %shift_right_arithmetic3A_845 : vector<512x1xi32>
    %sub3A_847 = arith.constant 127 : i32
    %sub3A_848 = vector.broadcast %sub3A_847 : i32 to vector<512x1xi32>
    %sub3A_849 = arith.subi %shift_right_arithmetic3A_846, %sub3A_848 : vector<512x1xi32>
    %eq3A_850 = arith.constant 512 : i32
    %eq3A_851 = vector.broadcast %eq3A_850 : i32 to vector<512x1xi32>
    %eq3A_852 = arith.cmpi eq, %broadcast_in_dim3A_829, %eq3A_851 : vector<512x1xi32>
    %mul3A_853 = arith.constant 16 : i32
    %mul3A_854 = vector.broadcast %mul3A_853 : i32 to vector<512x1xi32>
    %mul3A_855 = arith.muli %broadcast_in_dim3A_829, %mul3A_854 : vector<512x1xi32>
    %add3A_856 = arith.addi %mul3A_855, %sub3A_849 : vector<512x1xi32>
    %jit3A_857 = arith.constant 8192 : i32
    %broadcast_in_dim3A_858 = vector.broadcast %jit3A_857 : i32 to vector<512x1xi32>
    %select_n3A_859 = arith.select %eq3A_852, %broadcast_in_dim3A_858, %add3A_856 : vector<512x1xi1>, vector<512x1xi32>
    %eq3A_860 = arith.constant 8192 : i32
    %eq3A_861 = vector.broadcast %eq3A_860 : i32 to vector<512x1xi32>
    %eq3A_862 = arith.cmpi eq, %select_n3A_859, %eq3A_861 : vector<512x1xi32>
    %select_n3A_863 = arith.select %eq3A_862, %select_n3A_76, %select_n3A_859 : vector<512x1xi1>, vector<512x1xi32>
    %mul3A_864 = arith.constant 8192 : i32
    %mul3A_865 = arith.muli %arg0, %mul3A_864 : i32
    %add3A_866 = vector.broadcast %mul3A_865 : i32 to vector<512x1xi32>
    %add3A_867 = arith.addi %select_n3A_863, %add3A_866 : vector<512x1xi32>
    %swap3A_868 = arith.constant 0 : index
    %swap3A_869 = arith.constant 0 : index
    %swap3A_870 = arith.constant 14 : index
    %swap3A_871 = vector.load %arg5[%swap3A_868, %swap3A_869, %swap3A_870] : memref<1x512x32xi32, #tpu.memory_space<vmem>>, vector<1x512x1xi32>
    %swap3A_872 = vector.shape_cast %swap3A_871 : vector<1x512x1xi32> to vector<512x1xi32>
    %swap3A_873 = vector.shape_cast %add3A_867 : vector<512x1xi32> to vector<1x512x1xi32>
    tpu.vector_store %arg5[%swap3A_868, %swap3A_869, %swap3A_870], %swap3A_873 {strides = array<i32>} : memref<1x512x32xi32, #tpu.memory_space<vmem>>, vector<1x512x1xi32>,
    %sub3A_874 = vector.broadcast %and3A_841 : vector<512x1xi32> to vector<512x512xi32>
    %sub3A_875 = arith.subi %select_n3A_820, %sub3A_874 : vector<512x512xi32>
    %select_n3A_876 = arith.select %eq3A_831, %sub3A_875, %select_n3A_820 : vector<512x512xi1>, vector<512x512xi32>
    %ne3A_877 = arith.constant 0 : i32
    %ne3A_878 = vector.broadcast %ne3A_877 : i32 to vector<512x512xi32>
    %ne3A_879 = arith.cmpi ne, %select_n3A_876, %ne3A_878 : vector<512x512xi32>
    %jit3A_880 = arith.constant 512 : i32
    %broadcast_in_dim3A_881 = vector.broadcast %jit3A_880 : i32 to vector<512x512xi32>
    %select_n3A_882 = arith.select %ne3A_879, %iota3A, %broadcast_in_dim3A_881 : vector<512x512xi1>, vector<512x512xi32>
    %reduce_min3A_883 = arith.constant dense<2147483647> : vector<512xi32>
    %reduce_min3A_884 = vector.multi_reduction <minsi>, %select_n3A_882, %reduce_min3A_883 [1] : vector<512x512xi32> to vector<512xi32>
    %broadcast_in_dim3A_885 = vector.shape_cast %reduce_min3A_884 : vector<512xi32> to vector<512x1xi32>
    %eq3A_886 = vector.broadcast %broadcast_in_dim3A_885 : vector<512x1xi32> to vector<512x512xi32>
    %eq3A_887 = arith.cmpi eq, %iota3A, %eq3A_886 : vector<512x512xi32>
    %jit3A_888 = arith.constant 0 : i32
    %broadcast_in_dim3A_889 = vector.broadcast %jit3A_888 : i32 to vector<512x512xi32>
    %select_n3A_890 = arith.select %eq3A_887, %select_n3A_876, %broadcast_in_dim3A_889 : vector<512x512xi1>, vector<512x512xi32>
    %reduce_sum3A_891 = arith.constant dense<0> : vector<512xi32>
    %reduce_sum3A_892 = vector.multi_reduction <add>, %select_n3A_890, %reduce_sum3A_891 [1] : vector<512x512xi32> to vector<512xi32>
    %broadcast_in_dim3A_893 = vector.shape_cast %reduce_sum3A_892 : vector<512xi32> to vector<512x1xi32>
    %neg3A_894 = arith.constant 0 : i32
    %neg3A_895 = vector.broadcast %neg3A_894 : i32 to vector<512x1xi32>
    %neg3A_896 = arith.subi %neg3A_895, %broadcast_in_dim3A_893 : vector<512x1xi32>
    %and3A_897 = arith.andi %broadcast_in_dim3A_893, %neg3A_896 : vector<512x1xi32>
    %convert_element_type3A_898 = arith.sitofp %and3A_897 : vector<512x1xi32> to vector<512x1xf32>
    %bitcast_convert_type3A_899 = tpu.bitcast %convert_element_type3A_898 : vector<512x1xf32> -> vector<512x1xi32>
    %shift_right_arithmetic3A_900 = arith.constant 23 : i32
    %shift_right_arithmetic3A_901 = vector.broadcast %shift_right_arithmetic3A_900 : i32 to vector<512x1xi32>
    %shift_right_arithmetic3A_902 = arith.shrsi %bitcast_convert_type3A_899, %shift_right_arithmetic3A_901 : vector<512x1xi32>
    %sub3A_903 = arith.constant 127 : i32
    %sub3A_904 = vector.broadcast %sub3A_903 : i32 to vector<512x1xi32>
    %sub3A_905 = arith.subi %shift_right_arithmetic3A_902, %sub3A_904 : vector<512x1xi32>
    %eq3A_906 = arith.constant 512 : i32
    %eq3A_907 = vector.broadcast %eq3A_906 : i32 to vector<512x1xi32>
    %eq3A_908 = arith.cmpi eq, %broadcast_in_dim3A_885, %eq3A_907 : vector<512x1xi32>
    %mul3A_909 = arith.constant 16 : i32
    %mul3A_910 = vector.broadcast %mul3A_909 : i32 to vector<512x1xi32>
    %mul3A_911 = arith.muli %broadcast_in_dim3A_885, %mul3A_910 : vector<512x1xi32>
    %add3A_912 = arith.addi %mul3A_911, %sub3A_905 : vector<512x1xi32>
    %jit3A_913 = arith.constant 8192 : i32
    %broadcast_in_dim3A_914 = vector.broadcast %jit3A_913 : i32 to vector<512x1xi32>
    %select_n3A_915 = arith.select %eq3A_908, %broadcast_in_dim3A_914, %add3A_912 : vector<512x1xi1>, vector<512x1xi32>
    %eq3A_916 = arith.constant 8192 : i32
    %eq3A_917 = vector.broadcast %eq3A_916 : i32 to vector<512x1xi32>
    %eq3A_918 = arith.cmpi eq, %select_n3A_915, %eq3A_917 : vector<512x1xi32>
    %select_n3A_919 = arith.select %eq3A_918, %select_n3A_76, %select_n3A_915 : vector<512x1xi1>, vector<512x1xi32>
    %mul3A_920 = arith.constant 8192 : i32
    %mul3A_921 = arith.muli %arg0, %mul3A_920 : i32
    %add3A_922 = vector.broadcast %mul3A_921 : i32 to vector<512x1xi32>
    %add3A_923 = arith.addi %select_n3A_919, %add3A_922 : vector<512x1xi32>
    %swap3A_924 = arith.constant 0 : index
    %swap3A_925 = arith.constant 0 : index
    %swap3A_926 = arith.constant 15 : index
    %swap3A_927 = vector.load %arg5[%swap3A_924, %swap3A_925, %swap3A_926] : memref<1x512x32xi32, #tpu.memory_space<vmem>>, vector<1x512x1xi32>
    %swap3A_928 = vector.shape_cast %swap3A_927 : vector<1x512x1xi32> to vector<512x1xi32>
    %swap3A_929 = vector.shape_cast %add3A_923 : vector<512x1xi32> to vector<1x512x1xi32>
    tpu.vector_store %arg5[%swap3A_924, %swap3A_925, %swap3A_926], %swap3A_929 {strides = array<i32>} : memref<1x512x32xi32, #tpu.memory_space<vmem>>, vector<1x512x1xi32>,
    %sub3A_930 = vector.broadcast %and3A_897 : vector<512x1xi32> to vector<512x512xi32>
    %sub3A_931 = arith.subi %select_n3A_876, %sub3A_930 : vector<512x512xi32>
    %select_n3A_932 = arith.select %eq3A_887, %sub3A_931, %select_n3A_876 : vector<512x512xi1>, vector<512x512xi32>
    %ne3A_933 = arith.constant 0 : i32
    %ne3A_934 = vector.broadcast %ne3A_933 : i32 to vector<512x512xi32>
    %ne3A_935 = arith.cmpi ne, %select_n3A_932, %ne3A_934 : vector<512x512xi32>
    %jit3A_936 = arith.constant 512 : i32
    %broadcast_in_dim3A_937 = vector.broadcast %jit3A_936 : i32 to vector<512x512xi32>
    %select_n3A_938 = arith.select %ne3A_935, %iota3A, %broadcast_in_dim3A_937 : vector<512x512xi1>, vector<512x512xi32>
    %reduce_min3A_939 = arith.constant dense<2147483647> : vector<512xi32>
    %reduce_min3A_940 = vector.multi_reduction <minsi>, %select_n3A_938, %reduce_min3A_939 [1] : vector<512x512xi32> to vector<512xi32>
    %broadcast_in_dim3A_941 = vector.shape_cast %reduce_min3A_940 : vector<512xi32> to vector<512x1xi32>
    %eq3A_942 = vector.broadcast %broadcast_in_dim3A_941 : vector<512x1xi32> to vector<512x512xi32>
    %eq3A_943 = arith.cmpi eq, %iota3A, %eq3A_942 : vector<512x512xi32>
    %jit3A_944 = arith.constant 0 : i32
    %broadcast_in_dim3A_945 = vector.broadcast %jit3A_944 : i32 to vector<512x512xi32>
    %select_n3A_946 = arith.select %eq3A_943, %select_n3A_932, %broadcast_in_dim3A_945 : vector<512x512xi1>, vector<512x512xi32>
    %reduce_sum3A_947 = arith.constant dense<0> : vector<512xi32>
    %reduce_sum3A_948 = vector.multi_reduction <add>, %select_n3A_946, %reduce_sum3A_947 [1] : vector<512x512xi32> to vector<512xi32>
    %broadcast_in_dim3A_949 = vector.shape_cast %reduce_sum3A_948 : vector<512xi32> to vector<512x1xi32>
    %neg3A_950 = arith.constant 0 : i32
    %neg3A_951 = vector.broadcast %neg3A_950 : i32 to vector<512x1xi32>
    %neg3A_952 = arith.subi %neg3A_951, %broadcast_in_dim3A_949 : vector<512x1xi32>
    %and3A_953 = arith.andi %broadcast_in_dim3A_949, %neg3A_952 : vector<512x1xi32>
    %convert_element_type3A_954 = arith.sitofp %and3A_953 : vector<512x1xi32> to vector<512x1xf32>
    %bitcast_convert_type3A_955 = tpu.bitcast %convert_element_type3A_954 : vector<512x1xf32> -> vector<512x1xi32>
    %shift_right_arithmetic3A_956 = arith.constant 23 : i32
    %shift_right_arithmetic3A_957 = vector.broadcast %shift_right_arithmetic3A_956 : i32 to vector<512x1xi32>
    %shift_right_arithmetic3A_958 = arith.shrsi %bitcast_convert_type3A_955, %shift_right_arithmetic3A_957 : vector<512x1xi32>
    %sub3A_959 = arith.constant 127 : i32
    %sub3A_960 = vector.broadcast %sub3A_959 : i32 to vector<512x1xi32>
    %sub3A_961 = arith.subi %shift_right_arithmetic3A_958, %sub3A_960 : vector<512x1xi32>
    %eq3A_962 = arith.constant 512 : i32
    %eq3A_963 = vector.broadcast %eq3A_962 : i32 to vector<512x1xi32>
    %eq3A_964 = arith.cmpi eq, %broadcast_in_dim3A_941, %eq3A_963 : vector<512x1xi32>
    %mul3A_965 = arith.constant 16 : i32
    %mul3A_966 = vector.broadcast %mul3A_965 : i32 to vector<512x1xi32>
    %mul3A_967 = arith.muli %broadcast_in_dim3A_941, %mul3A_966 : vector<512x1xi32>
    %add3A_968 = arith.addi %mul3A_967, %sub3A_961 : vector<512x1xi32>
    %jit3A_969 = arith.constant 8192 : i32
    %broadcast_in_dim3A_970 = vector.broadcast %jit3A_969 : i32 to vector<512x1xi32>
    %select_n3A_971 = arith.select %eq3A_964, %broadcast_in_dim3A_970, %add3A_968 : vector<512x1xi1>, vector<512x1xi32>
    %eq3A_972 = arith.constant 8192 : i32
    %eq3A_973 = vector.broadcast %eq3A_972 : i32 to vector<512x1xi32>
    %eq3A_974 = arith.cmpi eq, %select_n3A_971, %eq3A_973 : vector<512x1xi32>
    %select_n3A_975 = arith.select %eq3A_974, %select_n3A_76, %select_n3A_971 : vector<512x1xi1>, vector<512x1xi32>
    %mul3A_976 = arith.constant 8192 : i32
    %mul3A_977 = arith.muli %arg0, %mul3A_976 : i32
    %add3A_978 = vector.broadcast %mul3A_977 : i32 to vector<512x1xi32>
    %add3A_979 = arith.addi %select_n3A_975, %add3A_978 : vector<512x1xi32>
    %swap3A_980 = arith.constant 0 : index
    %swap3A_981 = arith.constant 0 : index
    %swap3A_982 = arith.constant 16 : index
    %swap3A_983 = vector.load %arg5[%swap3A_980, %swap3A_981, %swap3A_982] : memref<1x512x32xi32, #tpu.memory_space<vmem>>, vector<1x512x1xi32>
    %swap3A_984 = vector.shape_cast %swap3A_983 : vector<1x512x1xi32> to vector<512x1xi32>
    %swap3A_985 = vector.shape_cast %add3A_979 : vector<512x1xi32> to vector<1x512x1xi32>
    tpu.vector_store %arg5[%swap3A_980, %swap3A_981, %swap3A_982], %swap3A_985 {strides = array<i32>} : memref<1x512x32xi32, #tpu.memory_space<vmem>>, vector<1x512x1xi32>,
    %sub3A_986 = vector.broadcast %and3A_953 : vector<512x1xi32> to vector<512x512xi32>
    %sub3A_987 = arith.subi %select_n3A_932, %sub3A_986 : vector<512x512xi32>
    %select_n3A_988 = arith.select %eq3A_943, %sub3A_987, %select_n3A_932 : vector<512x512xi1>, vector<512x512xi32>
    %ne3A_989 = arith.constant 0 : i32
    %ne3A_990 = vector.broadcast %ne3A_989 : i32 to vector<512x512xi32>
    %ne3A_991 = arith.cmpi ne, %select_n3A_988, %ne3A_990 : vector<512x512xi32>
    %jit3A_992 = arith.constant 512 : i32
    %broadcast_in_dim3A_993 = vector.broadcast %jit3A_992 : i32 to vector<512x512xi32>
    %select_n3A_994 = arith.select %ne3A_991, %iota3A, %broadcast_in_dim3A_993 : vector<512x512xi1>, vector<512x512xi32>
    %reduce_min3A_995 = arith.constant dense<2147483647> : vector<512xi32>
    %reduce_min3A_996 = vector.multi_reduction <minsi>, %select_n3A_994, %reduce_min3A_995 [1] : vector<512x512xi32> to vector<512xi32>
    %broadcast_in_dim3A_997 = vector.shape_cast %reduce_min3A_996 : vector<512xi32> to vector<512x1xi32>
    %eq3A_998 = vector.broadcast %broadcast_in_dim3A_997 : vector<512x1xi32> to vector<512x512xi32>
    %eq3A_999 = arith.cmpi eq, %iota3A, %eq3A_998 : vector<512x512xi32>
    %jit3A_1000 = arith.constant 0 : i32
    %broadcast_in_dim3A_1001 = vector.broadcast %jit3A_1000 : i32 to vector<512x512xi32>
    %select_n3A_1002 = arith.select %eq3A_999, %select_n3A_988, %broadcast_in_dim3A_1001 : vector<512x512xi1>, vector<512x512xi32>
    %reduce_sum3A_1003 = arith.constant dense<0> : vector<512xi32>
    %reduce_sum3A_1004 = vector.multi_reduction <add>, %select_n3A_1002, %reduce_sum3A_1003 [1] : vector<512x512xi32> to vector<512xi32>
    %broadcast_in_dim3A_1005 = vector.shape_cast %reduce_sum3A_1004 : vector<512xi32> to vector<512x1xi32>
    %neg3A_1006 = arith.constant 0 : i32
    %neg3A_1007 = vector.broadcast %neg3A_1006 : i32 to vector<512x1xi32>
    %neg3A_1008 = arith.subi %neg3A_1007, %broadcast_in_dim3A_1005 : vector<512x1xi32>
    %and3A_1009 = arith.andi %broadcast_in_dim3A_1005, %neg3A_1008 : vector<512x1xi32>
    %convert_element_type3A_1010 = arith.sitofp %and3A_1009 : vector<512x1xi32> to vector<512x1xf32>
    %bitcast_convert_type3A_1011 = tpu.bitcast %convert_element_type3A_1010 : vector<512x1xf32> -> vector<512x1xi32>
    %shift_right_arithmetic3A_1012 = arith.constant 23 : i32
    %shift_right_arithmetic3A_1013 = vector.broadcast %shift_right_arithmetic3A_1012 : i32 to vector<512x1xi32>
    %shift_right_arithmetic3A_1014 = arith.shrsi %bitcast_convert_type3A_1011, %shift_right_arithmetic3A_1013 : vector<512x1xi32>
    %sub3A_1015 = arith.constant 127 : i32
    %sub3A_1016 = vector.broadcast %sub3A_1015 : i32 to vector<512x1xi32>
    %sub3A_1017 = arith.subi %shift_right_arithmetic3A_1014, %sub3A_1016 : vector<512x1xi32>
    %eq3A_1018 = arith.constant 512 : i32
    %eq3A_1019 = vector.broadcast %eq3A_1018 : i32 to vector<512x1xi32>
    %eq3A_1020 = arith.cmpi eq, %broadcast_in_dim3A_997, %eq3A_1019 : vector<512x1xi32>
    %mul3A_1021 = arith.constant 16 : i32
    %mul3A_1022 = vector.broadcast %mul3A_1021 : i32 to vector<512x1xi32>
    %mul3A_1023 = arith.muli %broadcast_in_dim3A_997, %mul3A_1022 : vector<512x1xi32>
    %add3A_1024 = arith.addi %mul3A_1023, %sub3A_1017 : vector<512x1xi32>
    %jit3A_1025 = arith.constant 8192 : i32
    %broadcast_in_dim3A_1026 = vector.broadcast %jit3A_1025 : i32 to vector<512x1xi32>
    %select_n3A_1027 = arith.select %eq3A_1020, %broadcast_in_dim3A_1026, %add3A_1024 : vector<512x1xi1>, vector<512x1xi32>
    %eq3A_1028 = arith.constant 8192 : i32
    %eq3A_1029 = vector.broadcast %eq3A_1028 : i32 to vector<512x1xi32>
    %eq3A_1030 = arith.cmpi eq, %select_n3A_1027, %eq3A_1029 : vector<512x1xi32>
    %select_n3A_1031 = arith.select %eq3A_1030, %select_n3A_76, %select_n3A_1027 : vector<512x1xi1>, vector<512x1xi32>
    %mul3A_1032 = arith.constant 8192 : i32
    %mul3A_1033 = arith.muli %arg0, %mul3A_1032 : i32
    %add3A_1034 = vector.broadcast %mul3A_1033 : i32 to vector<512x1xi32>
    %add3A_1035 = arith.addi %select_n3A_1031, %add3A_1034 : vector<512x1xi32>
    %swap3A_1036 = arith.constant 0 : index
    %swap3A_1037 = arith.constant 0 : index
    %swap3A_1038 = arith.constant 17 : index
    %swap3A_1039 = vector.load %arg5[%swap3A_1036, %swap3A_1037, %swap3A_1038] : memref<1x512x32xi32, #tpu.memory_space<vmem>>, vector<1x512x1xi32>
    %swap3A_1040 = vector.shape_cast %swap3A_1039 : vector<1x512x1xi32> to vector<512x1xi32>
    %swap3A_1041 = vector.shape_cast %add3A_1035 : vector<512x1xi32> to vector<1x512x1xi32>
    tpu.vector_store %arg5[%swap3A_1036, %swap3A_1037, %swap3A_1038], %swap3A_1041 {strides = array<i32>} : memref<1x512x32xi32, #tpu.memory_space<vmem>>, vector<1x512x1xi32>,
    %sub3A_1042 = vector.broadcast %and3A_1009 : vector<512x1xi32> to vector<512x512xi32>
    %sub3A_1043 = arith.subi %select_n3A_988, %sub3A_1042 : vector<512x512xi32>
    %select_n3A_1044 = arith.select %eq3A_999, %sub3A_1043, %select_n3A_988 : vector<512x512xi1>, vector<512x512xi32>
    %ne3A_1045 = arith.constant 0 : i32
    %ne3A_1046 = vector.broadcast %ne3A_1045 : i32 to vector<512x512xi32>
    %ne3A_1047 = arith.cmpi ne, %select_n3A_1044, %ne3A_1046 : vector<512x512xi32>
    %jit3A_1048 = arith.constant 512 : i32
    %broadcast_in_dim3A_1049 = vector.broadcast %jit3A_1048 : i32 to vector<512x512xi32>
    %select_n3A_1050 = arith.select %ne3A_1047, %iota3A, %broadcast_in_dim3A_1049 : vector<512x512xi1>, vector<512x512xi32>
    %reduce_min3A_1051 = arith.constant dense<2147483647> : vector<512xi32>
    %reduce_min3A_1052 = vector.multi_reduction <minsi>, %select_n3A_1050, %reduce_min3A_1051 [1] : vector<512x512xi32> to vector<512xi32>
    %broadcast_in_dim3A_1053 = vector.shape_cast %reduce_min3A_1052 : vector<512xi32> to vector<512x1xi32>
    %eq3A_1054 = vector.broadcast %broadcast_in_dim3A_1053 : vector<512x1xi32> to vector<512x512xi32>
    %eq3A_1055 = arith.cmpi eq, %iota3A, %eq3A_1054 : vector<512x512xi32>
    %jit3A_1056 = arith.constant 0 : i32
    %broadcast_in_dim3A_1057 = vector.broadcast %jit3A_1056 : i32 to vector<512x512xi32>
    %select_n3A_1058 = arith.select %eq3A_1055, %select_n3A_1044, %broadcast_in_dim3A_1057 : vector<512x512xi1>, vector<512x512xi32>
    %reduce_sum3A_1059 = arith.constant dense<0> : vector<512xi32>
    %reduce_sum3A_1060 = vector.multi_reduction <add>, %select_n3A_1058, %reduce_sum3A_1059 [1] : vector<512x512xi32> to vector<512xi32>
    %broadcast_in_dim3A_1061 = vector.shape_cast %reduce_sum3A_1060 : vector<512xi32> to vector<512x1xi32>
    %neg3A_1062 = arith.constant 0 : i32
    %neg3A_1063 = vector.broadcast %neg3A_1062 : i32 to vector<512x1xi32>
    %neg3A_1064 = arith.subi %neg3A_1063, %broadcast_in_dim3A_1061 : vector<512x1xi32>
    %and3A_1065 = arith.andi %broadcast_in_dim3A_1061, %neg3A_1064 : vector<512x1xi32>
    %convert_element_type3A_1066 = arith.sitofp %and3A_1065 : vector<512x1xi32> to vector<512x1xf32>
    %bitcast_convert_type3A_1067 = tpu.bitcast %convert_element_type3A_1066 : vector<512x1xf32> -> vector<512x1xi32>
    %shift_right_arithmetic3A_1068 = arith.constant 23 : i32
    %shift_right_arithmetic3A_1069 = vector.broadcast %shift_right_arithmetic3A_1068 : i32 to vector<512x1xi32>
    %shift_right_arithmetic3A_1070 = arith.shrsi %bitcast_convert_type3A_1067, %shift_right_arithmetic3A_1069 : vector<512x1xi32>
    %sub3A_1071 = arith.constant 127 : i32
    %sub3A_1072 = vector.broadcast %sub3A_1071 : i32 to vector<512x1xi32>
    %sub3A_1073 = arith.subi %shift_right_arithmetic3A_1070, %sub3A_1072 : vector<512x1xi32>
    %eq3A_1074 = arith.constant 512 : i32
    %eq3A_1075 = vector.broadcast %eq3A_1074 : i32 to vector<512x1xi32>
    %eq3A_1076 = arith.cmpi eq, %broadcast_in_dim3A_1053, %eq3A_1075 : vector<512x1xi32>
    %mul3A_1077 = arith.constant 16 : i32
    %mul3A_1078 = vector.broadcast %mul3A_1077 : i32 to vector<512x1xi32>
    %mul3A_1079 = arith.muli %broadcast_in_dim3A_1053, %mul3A_1078 : vector<512x1xi32>
    %add3A_1080 = arith.addi %mul3A_1079, %sub3A_1073 : vector<512x1xi32>
    %jit3A_1081 = arith.constant 8192 : i32
    %broadcast_in_dim3A_1082 = vector.broadcast %jit3A_1081 : i32 to vector<512x1xi32>
    %select_n3A_1083 = arith.select %eq3A_1076, %broadcast_in_dim3A_1082, %add3A_1080 : vector<512x1xi1>, vector<512x1xi32>
    %eq3A_1084 = arith.constant 8192 : i32
    %eq3A_1085 = vector.broadcast %eq3A_1084 : i32 to vector<512x1xi32>
    %eq3A_1086 = arith.cmpi eq, %select_n3A_1083, %eq3A_1085 : vector<512x1xi32>
    %select_n3A_1087 = arith.select %eq3A_1086, %select_n3A_76, %select_n3A_1083 : vector<512x1xi1>, vector<512x1xi32>
    %mul3A_1088 = arith.constant 8192 : i32
    %mul3A_1089 = arith.muli %arg0, %mul3A_1088 : i32
    %add3A_1090 = vector.broadcast %mul3A_1089 : i32 to vector<512x1xi32>
    %add3A_1091 = arith.addi %select_n3A_1087, %add3A_1090 : vector<512x1xi32>
    %swap3A_1092 = arith.constant 0 : index
    %swap3A_1093 = arith.constant 0 : index
    %swap3A_1094 = arith.constant 18 : index
    %swap3A_1095 = vector.load %arg5[%swap3A_1092, %swap3A_1093, %swap3A_1094] : memref<1x512x32xi32, #tpu.memory_space<vmem>>, vector<1x512x1xi32>
    %swap3A_1096 = vector.shape_cast %swap3A_1095 : vector<1x512x1xi32> to vector<512x1xi32>
    %swap3A_1097 = vector.shape_cast %add3A_1091 : vector<512x1xi32> to vector<1x512x1xi32>
    tpu.vector_store %arg5[%swap3A_1092, %swap3A_1093, %swap3A_1094], %swap3A_1097 {strides = array<i32>} : memref<1x512x32xi32, #tpu.memory_space<vmem>>, vector<1x512x1xi32>,
    %sub3A_1098 = vector.broadcast %and3A_1065 : vector<512x1xi32> to vector<512x512xi32>
    %sub3A_1099 = arith.subi %select_n3A_1044, %sub3A_1098 : vector<512x512xi32>
    %select_n3A_1100 = arith.select %eq3A_1055, %sub3A_1099, %select_n3A_1044 : vector<512x512xi1>, vector<512x512xi32>
    %ne3A_1101 = arith.constant 0 : i32
    %ne3A_1102 = vector.broadcast %ne3A_1101 : i32 to vector<512x512xi32>
    %ne3A_1103 = arith.cmpi ne, %select_n3A_1100, %ne3A_1102 : vector<512x512xi32>
    %jit3A_1104 = arith.constant 512 : i32
    %broadcast_in_dim3A_1105 = vector.broadcast %jit3A_1104 : i32 to vector<512x512xi32>
    %select_n3A_1106 = arith.select %ne3A_1103, %iota3A, %broadcast_in_dim3A_1105 : vector<512x512xi1>, vector<512x512xi32>
    %reduce_min3A_1107 = arith.constant dense<2147483647> : vector<512xi32>
    %reduce_min3A_1108 = vector.multi_reduction <minsi>, %select_n3A_1106, %reduce_min3A_1107 [1] : vector<512x512xi32> to vector<512xi32>
    %broadcast_in_dim3A_1109 = vector.shape_cast %reduce_min3A_1108 : vector<512xi32> to vector<512x1xi32>
    %eq3A_1110 = vector.broadcast %broadcast_in_dim3A_1109 : vector<512x1xi32> to vector<512x512xi32>
    %eq3A_1111 = arith.cmpi eq, %iota3A, %eq3A_1110 : vector<512x512xi32>
    %jit3A_1112 = arith.constant 0 : i32
    %broadcast_in_dim3A_1113 = vector.broadcast %jit3A_1112 : i32 to vector<512x512xi32>
    %select_n3A_1114 = arith.select %eq3A_1111, %select_n3A_1100, %broadcast_in_dim3A_1113 : vector<512x512xi1>, vector<512x512xi32>
    %reduce_sum3A_1115 = arith.constant dense<0> : vector<512xi32>
    %reduce_sum3A_1116 = vector.multi_reduction <add>, %select_n3A_1114, %reduce_sum3A_1115 [1] : vector<512x512xi32> to vector<512xi32>
    %broadcast_in_dim3A_1117 = vector.shape_cast %reduce_sum3A_1116 : vector<512xi32> to vector<512x1xi32>
    %neg3A_1118 = arith.constant 0 : i32
    %neg3A_1119 = vector.broadcast %neg3A_1118 : i32 to vector<512x1xi32>
    %neg3A_1120 = arith.subi %neg3A_1119, %broadcast_in_dim3A_1117 : vector<512x1xi32>
    %and3A_1121 = arith.andi %broadcast_in_dim3A_1117, %neg3A_1120 : vector<512x1xi32>
    %convert_element_type3A_1122 = arith.sitofp %and3A_1121 : vector<512x1xi32> to vector<512x1xf32>
    %bitcast_convert_type3A_1123 = tpu.bitcast %convert_element_type3A_1122 : vector<512x1xf32> -> vector<512x1xi32>
    %shift_right_arithmetic3A_1124 = arith.constant 23 : i32
    %shift_right_arithmetic3A_1125 = vector.broadcast %shift_right_arithmetic3A_1124 : i32 to vector<512x1xi32>
    %shift_right_arithmetic3A_1126 = arith.shrsi %bitcast_convert_type3A_1123, %shift_right_arithmetic3A_1125 : vector<512x1xi32>
    %sub3A_1127 = arith.constant 127 : i32
    %sub3A_1128 = vector.broadcast %sub3A_1127 : i32 to vector<512x1xi32>
    %sub3A_1129 = arith.subi %shift_right_arithmetic3A_1126, %sub3A_1128 : vector<512x1xi32>
    %eq3A_1130 = arith.constant 512 : i32
    %eq3A_1131 = vector.broadcast %eq3A_1130 : i32 to vector<512x1xi32>
    %eq3A_1132 = arith.cmpi eq, %broadcast_in_dim3A_1109, %eq3A_1131 : vector<512x1xi32>
    %mul3A_1133 = arith.constant 16 : i32
    %mul3A_1134 = vector.broadcast %mul3A_1133 : i32 to vector<512x1xi32>
    %mul3A_1135 = arith.muli %broadcast_in_dim3A_1109, %mul3A_1134 : vector<512x1xi32>
    %add3A_1136 = arith.addi %mul3A_1135, %sub3A_1129 : vector<512x1xi32>
    %jit3A_1137 = arith.constant 8192 : i32
    %broadcast_in_dim3A_1138 = vector.broadcast %jit3A_1137 : i32 to vector<512x1xi32>
    %select_n3A_1139 = arith.select %eq3A_1132, %broadcast_in_dim3A_1138, %add3A_1136 : vector<512x1xi1>, vector<512x1xi32>
    %eq3A_1140 = arith.constant 8192 : i32
    %eq3A_1141 = vector.broadcast %eq3A_1140 : i32 to vector<512x1xi32>
    %eq3A_1142 = arith.cmpi eq, %select_n3A_1139, %eq3A_1141 : vector<512x1xi32>
    %select_n3A_1143 = arith.select %eq3A_1142, %select_n3A_76, %select_n3A_1139 : vector<512x1xi1>, vector<512x1xi32>
    %mul3A_1144 = arith.constant 8192 : i32
    %mul3A_1145 = arith.muli %arg0, %mul3A_1144 : i32
    %add3A_1146 = vector.broadcast %mul3A_1145 : i32 to vector<512x1xi32>
    %add3A_1147 = arith.addi %select_n3A_1143, %add3A_1146 : vector<512x1xi32>
    %swap3A_1148 = arith.constant 0 : index
    %swap3A_1149 = arith.constant 0 : index
    %swap3A_1150 = arith.constant 19 : index
    %swap3A_1151 = vector.load %arg5[%swap3A_1148, %swap3A_1149, %swap3A_1150] : memref<1x512x32xi32, #tpu.memory_space<vmem>>, vector<1x512x1xi32>
    %swap3A_1152 = vector.shape_cast %swap3A_1151 : vector<1x512x1xi32> to vector<512x1xi32>
    %swap3A_1153 = vector.shape_cast %add3A_1147 : vector<512x1xi32> to vector<1x512x1xi32>
    tpu.vector_store %arg5[%swap3A_1148, %swap3A_1149, %swap3A_1150], %swap3A_1153 {strides = array<i32>} : memref<1x512x32xi32, #tpu.memory_space<vmem>>, vector<1x512x1xi32>,
    %sub3A_1154 = vector.broadcast %and3A_1121 : vector<512x1xi32> to vector<512x512xi32>
    %sub3A_1155 = arith.subi %select_n3A_1100, %sub3A_1154 : vector<512x512xi32>
    %select_n3A_1156 = arith.select %eq3A_1111, %sub3A_1155, %select_n3A_1100 : vector<512x512xi1>, vector<512x512xi32>
    %ne3A_1157 = arith.constant 0 : i32
    %ne3A_1158 = vector.broadcast %ne3A_1157 : i32 to vector<512x512xi32>
    %ne3A_1159 = arith.cmpi ne, %select_n3A_1156, %ne3A_1158 : vector<512x512xi32>
    %jit3A_1160 = arith.constant 512 : i32
    %broadcast_in_dim3A_1161 = vector.broadcast %jit3A_1160 : i32 to vector<512x512xi32>
    %select_n3A_1162 = arith.select %ne3A_1159, %iota3A, %broadcast_in_dim3A_1161 : vector<512x512xi1>, vector<512x512xi32>
    %reduce_min3A_1163 = arith.constant dense<2147483647> : vector<512xi32>
    %reduce_min3A_1164 = vector.multi_reduction <minsi>, %select_n3A_1162, %reduce_min3A_1163 [1] : vector<512x512xi32> to vector<512xi32>
    %broadcast_in_dim3A_1165 = vector.shape_cast %reduce_min3A_1164 : vector<512xi32> to vector<512x1xi32>
    %eq3A_1166 = vector.broadcast %broadcast_in_dim3A_1165 : vector<512x1xi32> to vector<512x512xi32>
    %eq3A_1167 = arith.cmpi eq, %iota3A, %eq3A_1166 : vector<512x512xi32>
    %jit3A_1168 = arith.constant 0 : i32
    %broadcast_in_dim3A_1169 = vector.broadcast %jit3A_1168 : i32 to vector<512x512xi32>
    %select_n3A_1170 = arith.select %eq3A_1167, %select_n3A_1156, %broadcast_in_dim3A_1169 : vector<512x512xi1>, vector<512x512xi32>
    %reduce_sum3A_1171 = arith.constant dense<0> : vector<512xi32>
    %reduce_sum3A_1172 = vector.multi_reduction <add>, %select_n3A_1170, %reduce_sum3A_1171 [1] : vector<512x512xi32> to vector<512xi32>
    %broadcast_in_dim3A_1173 = vector.shape_cast %reduce_sum3A_1172 : vector<512xi32> to vector<512x1xi32>
    %neg3A_1174 = arith.constant 0 : i32
    %neg3A_1175 = vector.broadcast %neg3A_1174 : i32 to vector<512x1xi32>
    %neg3A_1176 = arith.subi %neg3A_1175, %broadcast_in_dim3A_1173 : vector<512x1xi32>
    %and3A_1177 = arith.andi %broadcast_in_dim3A_1173, %neg3A_1176 : vector<512x1xi32>
    %convert_element_type3A_1178 = arith.sitofp %and3A_1177 : vector<512x1xi32> to vector<512x1xf32>
    %bitcast_convert_type3A_1179 = tpu.bitcast %convert_element_type3A_1178 : vector<512x1xf32> -> vector<512x1xi32>
    %shift_right_arithmetic3A_1180 = arith.constant 23 : i32
    %shift_right_arithmetic3A_1181 = vector.broadcast %shift_right_arithmetic3A_1180 : i32 to vector<512x1xi32>
    %shift_right_arithmetic3A_1182 = arith.shrsi %bitcast_convert_type3A_1179, %shift_right_arithmetic3A_1181 : vector<512x1xi32>
    %sub3A_1183 = arith.constant 127 : i32
    %sub3A_1184 = vector.broadcast %sub3A_1183 : i32 to vector<512x1xi32>
    %sub3A_1185 = arith.subi %shift_right_arithmetic3A_1182, %sub3A_1184 : vector<512x1xi32>
    %eq3A_1186 = arith.constant 512 : i32
    %eq3A_1187 = vector.broadcast %eq3A_1186 : i32 to vector<512x1xi32>
    %eq3A_1188 = arith.cmpi eq, %broadcast_in_dim3A_1165, %eq3A_1187 : vector<512x1xi32>
    %mul3A_1189 = arith.constant 16 : i32
    %mul3A_1190 = vector.broadcast %mul3A_1189 : i32 to vector<512x1xi32>
    %mul3A_1191 = arith.muli %broadcast_in_dim3A_1165, %mul3A_1190 : vector<512x1xi32>
    %add3A_1192 = arith.addi %mul3A_1191, %sub3A_1185 : vector<512x1xi32>
    %jit3A_1193 = arith.constant 8192 : i32
    %broadcast_in_dim3A_1194 = vector.broadcast %jit3A_1193 : i32 to vector<512x1xi32>
    %select_n3A_1195 = arith.select %eq3A_1188, %broadcast_in_dim3A_1194, %add3A_1192 : vector<512x1xi1>, vector<512x1xi32>
    %eq3A_1196 = arith.constant 8192 : i32
    %eq3A_1197 = vector.broadcast %eq3A_1196 : i32 to vector<512x1xi32>
    %eq3A_1198 = arith.cmpi eq, %select_n3A_1195, %eq3A_1197 : vector<512x1xi32>
    %select_n3A_1199 = arith.select %eq3A_1198, %select_n3A_76, %select_n3A_1195 : vector<512x1xi1>, vector<512x1xi32>
    %mul3A_1200 = arith.constant 8192 : i32
    %mul3A_1201 = arith.muli %arg0, %mul3A_1200 : i32
    %add3A_1202 = vector.broadcast %mul3A_1201 : i32 to vector<512x1xi32>
    %add3A_1203 = arith.addi %select_n3A_1199, %add3A_1202 : vector<512x1xi32>
    %swap3A_1204 = arith.constant 0 : index
    %swap3A_1205 = arith.constant 0 : index
    %swap3A_1206 = arith.constant 20 : index
    %swap3A_1207 = vector.load %arg5[%swap3A_1204, %swap3A_1205, %swap3A_1206] : memref<1x512x32xi32, #tpu.memory_space<vmem>>, vector<1x512x1xi32>
    %swap3A_1208 = vector.shape_cast %swap3A_1207 : vector<1x512x1xi32> to vector<512x1xi32>
    %swap3A_1209 = vector.shape_cast %add3A_1203 : vector<512x1xi32> to vector<1x512x1xi32>
    tpu.vector_store %arg5[%swap3A_1204, %swap3A_1205, %swap3A_1206], %swap3A_1209 {strides = array<i32>} : memref<1x512x32xi32, #tpu.memory_space<vmem>>, vector<1x512x1xi32>,
    %sub3A_1210 = vector.broadcast %and3A_1177 : vector<512x1xi32> to vector<512x512xi32>
    %sub3A_1211 = arith.subi %select_n3A_1156, %sub3A_1210 : vector<512x512xi32>
    %select_n3A_1212 = arith.select %eq3A_1167, %sub3A_1211, %select_n3A_1156 : vector<512x512xi1>, vector<512x512xi32>
    %ne3A_1213 = arith.constant 0 : i32
    %ne3A_1214 = vector.broadcast %ne3A_1213 : i32 to vector<512x512xi32>
    %ne3A_1215 = arith.cmpi ne, %select_n3A_1212, %ne3A_1214 : vector<512x512xi32>
    %jit3A_1216 = arith.constant 512 : i32
    %broadcast_in_dim3A_1217 = vector.broadcast %jit3A_1216 : i32 to vector<512x512xi32>
    %select_n3A_1218 = arith.select %ne3A_1215, %iota3A, %broadcast_in_dim3A_1217 : vector<512x512xi1>, vector<512x512xi32>
    %reduce_min3A_1219 = arith.constant dense<2147483647> : vector<512xi32>
    %reduce_min3A_1220 = vector.multi_reduction <minsi>, %select_n3A_1218, %reduce_min3A_1219 [1] : vector<512x512xi32> to vector<512xi32>
    %broadcast_in_dim3A_1221 = vector.shape_cast %reduce_min3A_1220 : vector<512xi32> to vector<512x1xi32>
    %eq3A_1222 = vector.broadcast %broadcast_in_dim3A_1221 : vector<512x1xi32> to vector<512x512xi32>
    %eq3A_1223 = arith.cmpi eq, %iota3A, %eq3A_1222 : vector<512x512xi32>
    %jit3A_1224 = arith.constant 0 : i32
    %broadcast_in_dim3A_1225 = vector.broadcast %jit3A_1224 : i32 to vector<512x512xi32>
    %select_n3A_1226 = arith.select %eq3A_1223, %select_n3A_1212, %broadcast_in_dim3A_1225 : vector<512x512xi1>, vector<512x512xi32>
    %reduce_sum3A_1227 = arith.constant dense<0> : vector<512xi32>
    %reduce_sum3A_1228 = vector.multi_reduction <add>, %select_n3A_1226, %reduce_sum3A_1227 [1] : vector<512x512xi32> to vector<512xi32>
    %broadcast_in_dim3A_1229 = vector.shape_cast %reduce_sum3A_1228 : vector<512xi32> to vector<512x1xi32>
    %neg3A_1230 = arith.constant 0 : i32
    %neg3A_1231 = vector.broadcast %neg3A_1230 : i32 to vector<512x1xi32>
    %neg3A_1232 = arith.subi %neg3A_1231, %broadcast_in_dim3A_1229 : vector<512x1xi32>
    %and3A_1233 = arith.andi %broadcast_in_dim3A_1229, %neg3A_1232 : vector<512x1xi32>
    %convert_element_type3A_1234 = arith.sitofp %and3A_1233 : vector<512x1xi32> to vector<512x1xf32>
    %bitcast_convert_type3A_1235 = tpu.bitcast %convert_element_type3A_1234 : vector<512x1xf32> -> vector<512x1xi32>
    %shift_right_arithmetic3A_1236 = arith.constant 23 : i32
    %shift_right_arithmetic3A_1237 = vector.broadcast %shift_right_arithmetic3A_1236 : i32 to vector<512x1xi32>
    %shift_right_arithmetic3A_1238 = arith.shrsi %bitcast_convert_type3A_1235, %shift_right_arithmetic3A_1237 : vector<512x1xi32>
    %sub3A_1239 = arith.constant 127 : i32
    %sub3A_1240 = vector.broadcast %sub3A_1239 : i32 to vector<512x1xi32>
    %sub3A_1241 = arith.subi %shift_right_arithmetic3A_1238, %sub3A_1240 : vector<512x1xi32>
    %eq3A_1242 = arith.constant 512 : i32
    %eq3A_1243 = vector.broadcast %eq3A_1242 : i32 to vector<512x1xi32>
    %eq3A_1244 = arith.cmpi eq, %broadcast_in_dim3A_1221, %eq3A_1243 : vector<512x1xi32>
    %mul3A_1245 = arith.constant 16 : i32
    %mul3A_1246 = vector.broadcast %mul3A_1245 : i32 to vector<512x1xi32>
    %mul3A_1247 = arith.muli %broadcast_in_dim3A_1221, %mul3A_1246 : vector<512x1xi32>
    %add3A_1248 = arith.addi %mul3A_1247, %sub3A_1241 : vector<512x1xi32>
    %jit3A_1249 = arith.constant 8192 : i32
    %broadcast_in_dim3A_1250 = vector.broadcast %jit3A_1249 : i32 to vector<512x1xi32>
    %select_n3A_1251 = arith.select %eq3A_1244, %broadcast_in_dim3A_1250, %add3A_1248 : vector<512x1xi1>, vector<512x1xi32>
    %eq3A_1252 = arith.constant 8192 : i32
    %eq3A_1253 = vector.broadcast %eq3A_1252 : i32 to vector<512x1xi32>
    %eq3A_1254 = arith.cmpi eq, %select_n3A_1251, %eq3A_1253 : vector<512x1xi32>
    %select_n3A_1255 = arith.select %eq3A_1254, %select_n3A_76, %select_n3A_1251 : vector<512x1xi1>, vector<512x1xi32>
    %mul3A_1256 = arith.constant 8192 : i32
    %mul3A_1257 = arith.muli %arg0, %mul3A_1256 : i32
    %add3A_1258 = vector.broadcast %mul3A_1257 : i32 to vector<512x1xi32>
    %add3A_1259 = arith.addi %select_n3A_1255, %add3A_1258 : vector<512x1xi32>
    %swap3A_1260 = arith.constant 0 : index
    %swap3A_1261 = arith.constant 0 : index
    %swap3A_1262 = arith.constant 21 : index
    %swap3A_1263 = vector.load %arg5[%swap3A_1260, %swap3A_1261, %swap3A_1262] : memref<1x512x32xi32, #tpu.memory_space<vmem>>, vector<1x512x1xi32>
    %swap3A_1264 = vector.shape_cast %swap3A_1263 : vector<1x512x1xi32> to vector<512x1xi32>
    %swap3A_1265 = vector.shape_cast %add3A_1259 : vector<512x1xi32> to vector<1x512x1xi32>
    tpu.vector_store %arg5[%swap3A_1260, %swap3A_1261, %swap3A_1262], %swap3A_1265 {strides = array<i32>} : memref<1x512x32xi32, #tpu.memory_space<vmem>>, vector<1x512x1xi32>,
    %sub3A_1266 = vector.broadcast %and3A_1233 : vector<512x1xi32> to vector<512x512xi32>
    %sub3A_1267 = arith.subi %select_n3A_1212, %sub3A_1266 : vector<512x512xi32>
    %select_n3A_1268 = arith.select %eq3A_1223, %sub3A_1267, %select_n3A_1212 : vector<512x512xi1>, vector<512x512xi32>
    %ne3A_1269 = arith.constant 0 : i32
    %ne3A_1270 = vector.broadcast %ne3A_1269 : i32 to vector<512x512xi32>
    %ne3A_1271 = arith.cmpi ne, %select_n3A_1268, %ne3A_1270 : vector<512x512xi32>
    %jit3A_1272 = arith.constant 512 : i32
    %broadcast_in_dim3A_1273 = vector.broadcast %jit3A_1272 : i32 to vector<512x512xi32>
    %select_n3A_1274 = arith.select %ne3A_1271, %iota3A, %broadcast_in_dim3A_1273 : vector<512x512xi1>, vector<512x512xi32>
    %reduce_min3A_1275 = arith.constant dense<2147483647> : vector<512xi32>
    %reduce_min3A_1276 = vector.multi_reduction <minsi>, %select_n3A_1274, %reduce_min3A_1275 [1] : vector<512x512xi32> to vector<512xi32>
    %broadcast_in_dim3A_1277 = vector.shape_cast %reduce_min3A_1276 : vector<512xi32> to vector<512x1xi32>
    %eq3A_1278 = vector.broadcast %broadcast_in_dim3A_1277 : vector<512x1xi32> to vector<512x512xi32>
    %eq3A_1279 = arith.cmpi eq, %iota3A, %eq3A_1278 : vector<512x512xi32>
    %jit3A_1280 = arith.constant 0 : i32
    %broadcast_in_dim3A_1281 = vector.broadcast %jit3A_1280 : i32 to vector<512x512xi32>
    %select_n3A_1282 = arith.select %eq3A_1279, %select_n3A_1268, %broadcast_in_dim3A_1281 : vector<512x512xi1>, vector<512x512xi32>
    %reduce_sum3A_1283 = arith.constant dense<0> : vector<512xi32>
    %reduce_sum3A_1284 = vector.multi_reduction <add>, %select_n3A_1282, %reduce_sum3A_1283 [1] : vector<512x512xi32> to vector<512xi32>
    %broadcast_in_dim3A_1285 = vector.shape_cast %reduce_sum3A_1284 : vector<512xi32> to vector<512x1xi32>
    %neg3A_1286 = arith.constant 0 : i32
    %neg3A_1287 = vector.broadcast %neg3A_1286 : i32 to vector<512x1xi32>
    %neg3A_1288 = arith.subi %neg3A_1287, %broadcast_in_dim3A_1285 : vector<512x1xi32>
    %and3A_1289 = arith.andi %broadcast_in_dim3A_1285, %neg3A_1288 : vector<512x1xi32>
    %convert_element_type3A_1290 = arith.sitofp %and3A_1289 : vector<512x1xi32> to vector<512x1xf32>
    %bitcast_convert_type3A_1291 = tpu.bitcast %convert_element_type3A_1290 : vector<512x1xf32> -> vector<512x1xi32>
    %shift_right_arithmetic3A_1292 = arith.constant 23 : i32
    %shift_right_arithmetic3A_1293 = vector.broadcast %shift_right_arithmetic3A_1292 : i32 to vector<512x1xi32>
    %shift_right_arithmetic3A_1294 = arith.shrsi %bitcast_convert_type3A_1291, %shift_right_arithmetic3A_1293 : vector<512x1xi32>
    %sub3A_1295 = arith.constant 127 : i32
    %sub3A_1296 = vector.broadcast %sub3A_1295 : i32 to vector<512x1xi32>
    %sub3A_1297 = arith.subi %shift_right_arithmetic3A_1294, %sub3A_1296 : vector<512x1xi32>
    %eq3A_1298 = arith.constant 512 : i32
    %eq3A_1299 = vector.broadcast %eq3A_1298 : i32 to vector<512x1xi32>
    %eq3A_1300 = arith.cmpi eq, %broadcast_in_dim3A_1277, %eq3A_1299 : vector<512x1xi32>
    %mul3A_1301 = arith.constant 16 : i32
    %mul3A_1302 = vector.broadcast %mul3A_1301 : i32 to vector<512x1xi32>
    %mul3A_1303 = arith.muli %broadcast_in_dim3A_1277, %mul3A_1302 : vector<512x1xi32>
    %add3A_1304 = arith.addi %mul3A_1303, %sub3A_1297 : vector<512x1xi32>
    %jit3A_1305 = arith.constant 8192 : i32
    %broadcast_in_dim3A_1306 = vector.broadcast %jit3A_1305 : i32 to vector<512x1xi32>
    %select_n3A_1307 = arith.select %eq3A_1300, %broadcast_in_dim3A_1306, %add3A_1304 : vector<512x1xi1>, vector<512x1xi32>
    %eq3A_1308 = arith.constant 8192 : i32
    %eq3A_1309 = vector.broadcast %eq3A_1308 : i32 to vector<512x1xi32>
    %eq3A_1310 = arith.cmpi eq, %select_n3A_1307, %eq3A_1309 : vector<512x1xi32>
    %select_n3A_1311 = arith.select %eq3A_1310, %select_n3A_76, %select_n3A_1307 : vector<512x1xi1>, vector<512x1xi32>
    %mul3A_1312 = arith.constant 8192 : i32
    %mul3A_1313 = arith.muli %arg0, %mul3A_1312 : i32
    %add3A_1314 = vector.broadcast %mul3A_1313 : i32 to vector<512x1xi32>
    %add3A_1315 = arith.addi %select_n3A_1311, %add3A_1314 : vector<512x1xi32>
    %swap3A_1316 = arith.constant 0 : index
    %swap3A_1317 = arith.constant 0 : index
    %swap3A_1318 = arith.constant 22 : index
    %swap3A_1319 = vector.load %arg5[%swap3A_1316, %swap3A_1317, %swap3A_1318] : memref<1x512x32xi32, #tpu.memory_space<vmem>>, vector<1x512x1xi32>
    %swap3A_1320 = vector.shape_cast %swap3A_1319 : vector<1x512x1xi32> to vector<512x1xi32>
    %swap3A_1321 = vector.shape_cast %add3A_1315 : vector<512x1xi32> to vector<1x512x1xi32>
    tpu.vector_store %arg5[%swap3A_1316, %swap3A_1317, %swap3A_1318], %swap3A_1321 {strides = array<i32>} : memref<1x512x32xi32, #tpu.memory_space<vmem>>, vector<1x512x1xi32>,
    %sub3A_1322 = vector.broadcast %and3A_1289 : vector<512x1xi32> to vector<512x512xi32>
    %sub3A_1323 = arith.subi %select_n3A_1268, %sub3A_1322 : vector<512x512xi32>
    %select_n3A_1324 = arith.select %eq3A_1279, %sub3A_1323, %select_n3A_1268 : vector<512x512xi1>, vector<512x512xi32>
    %ne3A_1325 = arith.constant 0 : i32
    %ne3A_1326 = vector.broadcast %ne3A_1325 : i32 to vector<512x512xi32>
    %ne3A_1327 = arith.cmpi ne, %select_n3A_1324, %ne3A_1326 : vector<512x512xi32>
    %jit3A_1328 = arith.constant 512 : i32
    %broadcast_in_dim3A_1329 = vector.broadcast %jit3A_1328 : i32 to vector<512x512xi32>
    %select_n3A_1330 = arith.select %ne3A_1327, %iota3A, %broadcast_in_dim3A_1329 : vector<512x512xi1>, vector<512x512xi32>
    %reduce_min3A_1331 = arith.constant dense<2147483647> : vector<512xi32>
    %reduce_min3A_1332 = vector.multi_reduction <minsi>, %select_n3A_1330, %reduce_min3A_1331 [1] : vector<512x512xi32> to vector<512xi32>
    %broadcast_in_dim3A_1333 = vector.shape_cast %reduce_min3A_1332 : vector<512xi32> to vector<512x1xi32>
    %eq3A_1334 = vector.broadcast %broadcast_in_dim3A_1333 : vector<512x1xi32> to vector<512x512xi32>
    %eq3A_1335 = arith.cmpi eq, %iota3A, %eq3A_1334 : vector<512x512xi32>
    %jit3A_1336 = arith.constant 0 : i32
    %broadcast_in_dim3A_1337 = vector.broadcast %jit3A_1336 : i32 to vector<512x512xi32>
    %select_n3A_1338 = arith.select %eq3A_1335, %select_n3A_1324, %broadcast_in_dim3A_1337 : vector<512x512xi1>, vector<512x512xi32>
    %reduce_sum3A_1339 = arith.constant dense<0> : vector<512xi32>
    %reduce_sum3A_1340 = vector.multi_reduction <add>, %select_n3A_1338, %reduce_sum3A_1339 [1] : vector<512x512xi32> to vector<512xi32>
    %broadcast_in_dim3A_1341 = vector.shape_cast %reduce_sum3A_1340 : vector<512xi32> to vector<512x1xi32>
    %neg3A_1342 = arith.constant 0 : i32
    %neg3A_1343 = vector.broadcast %neg3A_1342 : i32 to vector<512x1xi32>
    %neg3A_1344 = arith.subi %neg3A_1343, %broadcast_in_dim3A_1341 : vector<512x1xi32>
    %and3A_1345 = arith.andi %broadcast_in_dim3A_1341, %neg3A_1344 : vector<512x1xi32>
    %convert_element_type3A_1346 = arith.sitofp %and3A_1345 : vector<512x1xi32> to vector<512x1xf32>
    %bitcast_convert_type3A_1347 = tpu.bitcast %convert_element_type3A_1346 : vector<512x1xf32> -> vector<512x1xi32>
    %shift_right_arithmetic3A_1348 = arith.constant 23 : i32
    %shift_right_arithmetic3A_1349 = vector.broadcast %shift_right_arithmetic3A_1348 : i32 to vector<512x1xi32>
    %shift_right_arithmetic3A_1350 = arith.shrsi %bitcast_convert_type3A_1347, %shift_right_arithmetic3A_1349 : vector<512x1xi32>
    %sub3A_1351 = arith.constant 127 : i32
    %sub3A_1352 = vector.broadcast %sub3A_1351 : i32 to vector<512x1xi32>
    %sub3A_1353 = arith.subi %shift_right_arithmetic3A_1350, %sub3A_1352 : vector<512x1xi32>
    %eq3A_1354 = arith.constant 512 : i32
    %eq3A_1355 = vector.broadcast %eq3A_1354 : i32 to vector<512x1xi32>
    %eq3A_1356 = arith.cmpi eq, %broadcast_in_dim3A_1333, %eq3A_1355 : vector<512x1xi32>
    %mul3A_1357 = arith.constant 16 : i32
    %mul3A_1358 = vector.broadcast %mul3A_1357 : i32 to vector<512x1xi32>
    %mul3A_1359 = arith.muli %broadcast_in_dim3A_1333, %mul3A_1358 : vector<512x1xi32>
    %add3A_1360 = arith.addi %mul3A_1359, %sub3A_1353 : vector<512x1xi32>
    %jit3A_1361 = arith.constant 8192 : i32
    %broadcast_in_dim3A_1362 = vector.broadcast %jit3A_1361 : i32 to vector<512x1xi32>
    %select_n3A_1363 = arith.select %eq3A_1356, %broadcast_in_dim3A_1362, %add3A_1360 : vector<512x1xi1>, vector<512x1xi32>
    %eq3A_1364 = arith.constant 8192 : i32
    %eq3A_1365 = vector.broadcast %eq3A_1364 : i32 to vector<512x1xi32>
    %eq3A_1366 = arith.cmpi eq, %select_n3A_1363, %eq3A_1365 : vector<512x1xi32>
    %select_n3A_1367 = arith.select %eq3A_1366, %select_n3A_76, %select_n3A_1363 : vector<512x1xi1>, vector<512x1xi32>
    %mul3A_1368 = arith.constant 8192 : i32
    %mul3A_1369 = arith.muli %arg0, %mul3A_1368 : i32
    %add3A_1370 = vector.broadcast %mul3A_1369 : i32 to vector<512x1xi32>
    %add3A_1371 = arith.addi %select_n3A_1367, %add3A_1370 : vector<512x1xi32>
    %swap3A_1372 = arith.constant 0 : index
    %swap3A_1373 = arith.constant 0 : index
    %swap3A_1374 = arith.constant 23 : index
    %swap3A_1375 = vector.load %arg5[%swap3A_1372, %swap3A_1373, %swap3A_1374] : memref<1x512x32xi32, #tpu.memory_space<vmem>>, vector<1x512x1xi32>
    %swap3A_1376 = vector.shape_cast %swap3A_1375 : vector<1x512x1xi32> to vector<512x1xi32>
    %swap3A_1377 = vector.shape_cast %add3A_1371 : vector<512x1xi32> to vector<1x512x1xi32>
    tpu.vector_store %arg5[%swap3A_1372, %swap3A_1373, %swap3A_1374], %swap3A_1377 {strides = array<i32>} : memref<1x512x32xi32, #tpu.memory_space<vmem>>, vector<1x512x1xi32>,
    %sub3A_1378 = vector.broadcast %and3A_1345 : vector<512x1xi32> to vector<512x512xi32>
    %sub3A_1379 = arith.subi %select_n3A_1324, %sub3A_1378 : vector<512x512xi32>
    %select_n3A_1380 = arith.select %eq3A_1335, %sub3A_1379, %select_n3A_1324 : vector<512x512xi1>, vector<512x512xi32>
    %ne3A_1381 = arith.constant 0 : i32
    %ne3A_1382 = vector.broadcast %ne3A_1381 : i32 to vector<512x512xi32>
    %ne3A_1383 = arith.cmpi ne, %select_n3A_1380, %ne3A_1382 : vector<512x512xi32>
    %jit3A_1384 = arith.constant 512 : i32
    %broadcast_in_dim3A_1385 = vector.broadcast %jit3A_1384 : i32 to vector<512x512xi32>
    %select_n3A_1386 = arith.select %ne3A_1383, %iota3A, %broadcast_in_dim3A_1385 : vector<512x512xi1>, vector<512x512xi32>
    %reduce_min3A_1387 = arith.constant dense<2147483647> : vector<512xi32>
    %reduce_min3A_1388 = vector.multi_reduction <minsi>, %select_n3A_1386, %reduce_min3A_1387 [1] : vector<512x512xi32> to vector<512xi32>
    %broadcast_in_dim3A_1389 = vector.shape_cast %reduce_min3A_1388 : vector<512xi32> to vector<512x1xi32>
    %eq3A_1390 = vector.broadcast %broadcast_in_dim3A_1389 : vector<512x1xi32> to vector<512x512xi32>
    %eq3A_1391 = arith.cmpi eq, %iota3A, %eq3A_1390 : vector<512x512xi32>
    %jit3A_1392 = arith.constant 0 : i32
    %broadcast_in_dim3A_1393 = vector.broadcast %jit3A_1392 : i32 to vector<512x512xi32>
    %select_n3A_1394 = arith.select %eq3A_1391, %select_n3A_1380, %broadcast_in_dim3A_1393 : vector<512x512xi1>, vector<512x512xi32>
    %reduce_sum3A_1395 = arith.constant dense<0> : vector<512xi32>
    %reduce_sum3A_1396 = vector.multi_reduction <add>, %select_n3A_1394, %reduce_sum3A_1395 [1] : vector<512x512xi32> to vector<512xi32>
    %broadcast_in_dim3A_1397 = vector.shape_cast %reduce_sum3A_1396 : vector<512xi32> to vector<512x1xi32>
    %neg3A_1398 = arith.constant 0 : i32
    %neg3A_1399 = vector.broadcast %neg3A_1398 : i32 to vector<512x1xi32>
    %neg3A_1400 = arith.subi %neg3A_1399, %broadcast_in_dim3A_1397 : vector<512x1xi32>
    %and3A_1401 = arith.andi %broadcast_in_dim3A_1397, %neg3A_1400 : vector<512x1xi32>
    %convert_element_type3A_1402 = arith.sitofp %and3A_1401 : vector<512x1xi32> to vector<512x1xf32>
    %bitcast_convert_type3A_1403 = tpu.bitcast %convert_element_type3A_1402 : vector<512x1xf32> -> vector<512x1xi32>
    %shift_right_arithmetic3A_1404 = arith.constant 23 : i32
    %shift_right_arithmetic3A_1405 = vector.broadcast %shift_right_arithmetic3A_1404 : i32 to vector<512x1xi32>
    %shift_right_arithmetic3A_1406 = arith.shrsi %bitcast_convert_type3A_1403, %shift_right_arithmetic3A_1405 : vector<512x1xi32>
    %sub3A_1407 = arith.constant 127 : i32
    %sub3A_1408 = vector.broadcast %sub3A_1407 : i32 to vector<512x1xi32>
    %sub3A_1409 = arith.subi %shift_right_arithmetic3A_1406, %sub3A_1408 : vector<512x1xi32>
    %eq3A_1410 = arith.constant 512 : i32
    %eq3A_1411 = vector.broadcast %eq3A_1410 : i32 to vector<512x1xi32>
    %eq3A_1412 = arith.cmpi eq, %broadcast_in_dim3A_1389, %eq3A_1411 : vector<512x1xi32>
    %mul3A_1413 = arith.constant 16 : i32
    %mul3A_1414 = vector.broadcast %mul3A_1413 : i32 to vector<512x1xi32>
    %mul3A_1415 = arith.muli %broadcast_in_dim3A_1389, %mul3A_1414 : vector<512x1xi32>
    %add3A_1416 = arith.addi %mul3A_1415, %sub3A_1409 : vector<512x1xi32>
    %jit3A_1417 = arith.constant 8192 : i32
    %broadcast_in_dim3A_1418 = vector.broadcast %jit3A_1417 : i32 to vector<512x1xi32>
    %select_n3A_1419 = arith.select %eq3A_1412, %broadcast_in_dim3A_1418, %add3A_1416 : vector<512x1xi1>, vector<512x1xi32>
    %eq3A_1420 = arith.constant 8192 : i32
    %eq3A_1421 = vector.broadcast %eq3A_1420 : i32 to vector<512x1xi32>
    %eq3A_1422 = arith.cmpi eq, %select_n3A_1419, %eq3A_1421 : vector<512x1xi32>
    %select_n3A_1423 = arith.select %eq3A_1422, %select_n3A_76, %select_n3A_1419 : vector<512x1xi1>, vector<512x1xi32>
    %mul3A_1424 = arith.constant 8192 : i32
    %mul3A_1425 = arith.muli %arg0, %mul3A_1424 : i32
    %add3A_1426 = vector.broadcast %mul3A_1425 : i32 to vector<512x1xi32>
    %add3A_1427 = arith.addi %select_n3A_1423, %add3A_1426 : vector<512x1xi32>
    %swap3A_1428 = arith.constant 0 : index
    %swap3A_1429 = arith.constant 0 : index
    %swap3A_1430 = arith.constant 24 : index
    %swap3A_1431 = vector.load %arg5[%swap3A_1428, %swap3A_1429, %swap3A_1430] : memref<1x512x32xi32, #tpu.memory_space<vmem>>, vector<1x512x1xi32>
    %swap3A_1432 = vector.shape_cast %swap3A_1431 : vector<1x512x1xi32> to vector<512x1xi32>
    %swap3A_1433 = vector.shape_cast %add3A_1427 : vector<512x1xi32> to vector<1x512x1xi32>
    tpu.vector_store %arg5[%swap3A_1428, %swap3A_1429, %swap3A_1430], %swap3A_1433 {strides = array<i32>} : memref<1x512x32xi32, #tpu.memory_space<vmem>>, vector<1x512x1xi32>,
    %sub3A_1434 = vector.broadcast %and3A_1401 : vector<512x1xi32> to vector<512x512xi32>
    %sub3A_1435 = arith.subi %select_n3A_1380, %sub3A_1434 : vector<512x512xi32>
    %select_n3A_1436 = arith.select %eq3A_1391, %sub3A_1435, %select_n3A_1380 : vector<512x512xi1>, vector<512x512xi32>
    %ne3A_1437 = arith.constant 0 : i32
    %ne3A_1438 = vector.broadcast %ne3A_1437 : i32 to vector<512x512xi32>
    %ne3A_1439 = arith.cmpi ne, %select_n3A_1436, %ne3A_1438 : vector<512x512xi32>
    %jit3A_1440 = arith.constant 512 : i32
    %broadcast_in_dim3A_1441 = vector.broadcast %jit3A_1440 : i32 to vector<512x512xi32>
    %select_n3A_1442 = arith.select %ne3A_1439, %iota3A, %broadcast_in_dim3A_1441 : vector<512x512xi1>, vector<512x512xi32>
    %reduce_min3A_1443 = arith.constant dense<2147483647> : vector<512xi32>
    %reduce_min3A_1444 = vector.multi_reduction <minsi>, %select_n3A_1442, %reduce_min3A_1443 [1] : vector<512x512xi32> to vector<512xi32>
    %broadcast_in_dim3A_1445 = vector.shape_cast %reduce_min3A_1444 : vector<512xi32> to vector<512x1xi32>
    %eq3A_1446 = vector.broadcast %broadcast_in_dim3A_1445 : vector<512x1xi32> to vector<512x512xi32>
    %eq3A_1447 = arith.cmpi eq, %iota3A, %eq3A_1446 : vector<512x512xi32>
    %jit3A_1448 = arith.constant 0 : i32
    %broadcast_in_dim3A_1449 = vector.broadcast %jit3A_1448 : i32 to vector<512x512xi32>
    %select_n3A_1450 = arith.select %eq3A_1447, %select_n3A_1436, %broadcast_in_dim3A_1449 : vector<512x512xi1>, vector<512x512xi32>
    %reduce_sum3A_1451 = arith.constant dense<0> : vector<512xi32>
    %reduce_sum3A_1452 = vector.multi_reduction <add>, %select_n3A_1450, %reduce_sum3A_1451 [1] : vector<512x512xi32> to vector<512xi32>
    %broadcast_in_dim3A_1453 = vector.shape_cast %reduce_sum3A_1452 : vector<512xi32> to vector<512x1xi32>
    %neg3A_1454 = arith.constant 0 : i32
    %neg3A_1455 = vector.broadcast %neg3A_1454 : i32 to vector<512x1xi32>
    %neg3A_1456 = arith.subi %neg3A_1455, %broadcast_in_dim3A_1453 : vector<512x1xi32>
    %and3A_1457 = arith.andi %broadcast_in_dim3A_1453, %neg3A_1456 : vector<512x1xi32>
    %convert_element_type3A_1458 = arith.sitofp %and3A_1457 : vector<512x1xi32> to vector<512x1xf32>
    %bitcast_convert_type3A_1459 = tpu.bitcast %convert_element_type3A_1458 : vector<512x1xf32> -> vector<512x1xi32>
    %shift_right_arithmetic3A_1460 = arith.constant 23 : i32
    %shift_right_arithmetic3A_1461 = vector.broadcast %shift_right_arithmetic3A_1460 : i32 to vector<512x1xi32>
    %shift_right_arithmetic3A_1462 = arith.shrsi %bitcast_convert_type3A_1459, %shift_right_arithmetic3A_1461 : vector<512x1xi32>
    %sub3A_1463 = arith.constant 127 : i32
    %sub3A_1464 = vector.broadcast %sub3A_1463 : i32 to vector<512x1xi32>
    %sub3A_1465 = arith.subi %shift_right_arithmetic3A_1462, %sub3A_1464 : vector<512x1xi32>
    %eq3A_1466 = arith.constant 512 : i32
    %eq3A_1467 = vector.broadcast %eq3A_1466 : i32 to vector<512x1xi32>
    %eq3A_1468 = arith.cmpi eq, %broadcast_in_dim3A_1445, %eq3A_1467 : vector<512x1xi32>
    %mul3A_1469 = arith.constant 16 : i32
    %mul3A_1470 = vector.broadcast %mul3A_1469 : i32 to vector<512x1xi32>
    %mul3A_1471 = arith.muli %broadcast_in_dim3A_1445, %mul3A_1470 : vector<512x1xi32>
    %add3A_1472 = arith.addi %mul3A_1471, %sub3A_1465 : vector<512x1xi32>
    %jit3A_1473 = arith.constant 8192 : i32
    %broadcast_in_dim3A_1474 = vector.broadcast %jit3A_1473 : i32 to vector<512x1xi32>
    %select_n3A_1475 = arith.select %eq3A_1468, %broadcast_in_dim3A_1474, %add3A_1472 : vector<512x1xi1>, vector<512x1xi32>
    %eq3A_1476 = arith.constant 8192 : i32
    %eq3A_1477 = vector.broadcast %eq3A_1476 : i32 to vector<512x1xi32>
    %eq3A_1478 = arith.cmpi eq, %select_n3A_1475, %eq3A_1477 : vector<512x1xi32>
    %select_n3A_1479 = arith.select %eq3A_1478, %select_n3A_76, %select_n3A_1475 : vector<512x1xi1>, vector<512x1xi32>
    %mul3A_1480 = arith.constant 8192 : i32
    %mul3A_1481 = arith.muli %arg0, %mul3A_1480 : i32
    %add3A_1482 = vector.broadcast %mul3A_1481 : i32 to vector<512x1xi32>
    %add3A_1483 = arith.addi %select_n3A_1479, %add3A_1482 : vector<512x1xi32>
    %swap3A_1484 = arith.constant 0 : index
    %swap3A_1485 = arith.constant 0 : index
    %swap3A_1486 = arith.constant 25 : index
    %swap3A_1487 = vector.load %arg5[%swap3A_1484, %swap3A_1485, %swap3A_1486] : memref<1x512x32xi32, #tpu.memory_space<vmem>>, vector<1x512x1xi32>
    %swap3A_1488 = vector.shape_cast %swap3A_1487 : vector<1x512x1xi32> to vector<512x1xi32>
    %swap3A_1489 = vector.shape_cast %add3A_1483 : vector<512x1xi32> to vector<1x512x1xi32>
    tpu.vector_store %arg5[%swap3A_1484, %swap3A_1485, %swap3A_1486], %swap3A_1489 {strides = array<i32>} : memref<1x512x32xi32, #tpu.memory_space<vmem>>, vector<1x512x1xi32>,
    %sub3A_1490 = vector.broadcast %and3A_1457 : vector<512x1xi32> to vector<512x512xi32>
    %sub3A_1491 = arith.subi %select_n3A_1436, %sub3A_1490 : vector<512x512xi32>
    %select_n3A_1492 = arith.select %eq3A_1447, %sub3A_1491, %select_n3A_1436 : vector<512x512xi1>, vector<512x512xi32>
    %ne3A_1493 = arith.constant 0 : i32
    %ne3A_1494 = vector.broadcast %ne3A_1493 : i32 to vector<512x512xi32>
    %ne3A_1495 = arith.cmpi ne, %select_n3A_1492, %ne3A_1494 : vector<512x512xi32>
    %jit3A_1496 = arith.constant 512 : i32
    %broadcast_in_dim3A_1497 = vector.broadcast %jit3A_1496 : i32 to vector<512x512xi32>
    %select_n3A_1498 = arith.select %ne3A_1495, %iota3A, %broadcast_in_dim3A_1497 : vector<512x512xi1>, vector<512x512xi32>
    %reduce_min3A_1499 = arith.constant dense<2147483647> : vector<512xi32>
    %reduce_min3A_1500 = vector.multi_reduction <minsi>, %select_n3A_1498, %reduce_min3A_1499 [1] : vector<512x512xi32> to vector<512xi32>
    %broadcast_in_dim3A_1501 = vector.shape_cast %reduce_min3A_1500 : vector<512xi32> to vector<512x1xi32>
    %eq3A_1502 = vector.broadcast %broadcast_in_dim3A_1501 : vector<512x1xi32> to vector<512x512xi32>
    %eq3A_1503 = arith.cmpi eq, %iota3A, %eq3A_1502 : vector<512x512xi32>
    %jit3A_1504 = arith.constant 0 : i32
    %broadcast_in_dim3A_1505 = vector.broadcast %jit3A_1504 : i32 to vector<512x512xi32>
    %select_n3A_1506 = arith.select %eq3A_1503, %select_n3A_1492, %broadcast_in_dim3A_1505 : vector<512x512xi1>, vector<512x512xi32>
    %reduce_sum3A_1507 = arith.constant dense<0> : vector<512xi32>
    %reduce_sum3A_1508 = vector.multi_reduction <add>, %select_n3A_1506, %reduce_sum3A_1507 [1] : vector<512x512xi32> to vector<512xi32>
    %broadcast_in_dim3A_1509 = vector.shape_cast %reduce_sum3A_1508 : vector<512xi32> to vector<512x1xi32>
    %neg3A_1510 = arith.constant 0 : i32
    %neg3A_1511 = vector.broadcast %neg3A_1510 : i32 to vector<512x1xi32>
    %neg3A_1512 = arith.subi %neg3A_1511, %broadcast_in_dim3A_1509 : vector<512x1xi32>
    %and3A_1513 = arith.andi %broadcast_in_dim3A_1509, %neg3A_1512 : vector<512x1xi32>
    %convert_element_type3A_1514 = arith.sitofp %and3A_1513 : vector<512x1xi32> to vector<512x1xf32>
    %bitcast_convert_type3A_1515 = tpu.bitcast %convert_element_type3A_1514 : vector<512x1xf32> -> vector<512x1xi32>
    %shift_right_arithmetic3A_1516 = arith.constant 23 : i32
    %shift_right_arithmetic3A_1517 = vector.broadcast %shift_right_arithmetic3A_1516 : i32 to vector<512x1xi32>
    %shift_right_arithmetic3A_1518 = arith.shrsi %bitcast_convert_type3A_1515, %shift_right_arithmetic3A_1517 : vector<512x1xi32>
    %sub3A_1519 = arith.constant 127 : i32
    %sub3A_1520 = vector.broadcast %sub3A_1519 : i32 to vector<512x1xi32>
    %sub3A_1521 = arith.subi %shift_right_arithmetic3A_1518, %sub3A_1520 : vector<512x1xi32>
    %eq3A_1522 = arith.constant 512 : i32
    %eq3A_1523 = vector.broadcast %eq3A_1522 : i32 to vector<512x1xi32>
    %eq3A_1524 = arith.cmpi eq, %broadcast_in_dim3A_1501, %eq3A_1523 : vector<512x1xi32>
    %mul3A_1525 = arith.constant 16 : i32
    %mul3A_1526 = vector.broadcast %mul3A_1525 : i32 to vector<512x1xi32>
    %mul3A_1527 = arith.muli %broadcast_in_dim3A_1501, %mul3A_1526 : vector<512x1xi32>
    %add3A_1528 = arith.addi %mul3A_1527, %sub3A_1521 : vector<512x1xi32>
    %jit3A_1529 = arith.constant 8192 : i32
    %broadcast_in_dim3A_1530 = vector.broadcast %jit3A_1529 : i32 to vector<512x1xi32>
    %select_n3A_1531 = arith.select %eq3A_1524, %broadcast_in_dim3A_1530, %add3A_1528 : vector<512x1xi1>, vector<512x1xi32>
    %eq3A_1532 = arith.constant 8192 : i32
    %eq3A_1533 = vector.broadcast %eq3A_1532 : i32 to vector<512x1xi32>
    %eq3A_1534 = arith.cmpi eq, %select_n3A_1531, %eq3A_1533 : vector<512x1xi32>
    %select_n3A_1535 = arith.select %eq3A_1534, %select_n3A_76, %select_n3A_1531 : vector<512x1xi1>, vector<512x1xi32>
    %mul3A_1536 = arith.constant 8192 : i32
    %mul3A_1537 = arith.muli %arg0, %mul3A_1536 : i32
    %add3A_1538 = vector.broadcast %mul3A_1537 : i32 to vector<512x1xi32>
    %add3A_1539 = arith.addi %select_n3A_1535, %add3A_1538 : vector<512x1xi32>
    %swap3A_1540 = arith.constant 0 : index
    %swap3A_1541 = arith.constant 0 : index
    %swap3A_1542 = arith.constant 26 : index
    %swap3A_1543 = vector.load %arg5[%swap3A_1540, %swap3A_1541, %swap3A_1542] : memref<1x512x32xi32, #tpu.memory_space<vmem>>, vector<1x512x1xi32>
    %swap3A_1544 = vector.shape_cast %swap3A_1543 : vector<1x512x1xi32> to vector<512x1xi32>
    %swap3A_1545 = vector.shape_cast %add3A_1539 : vector<512x1xi32> to vector<1x512x1xi32>
    tpu.vector_store %arg5[%swap3A_1540, %swap3A_1541, %swap3A_1542], %swap3A_1545 {strides = array<i32>} : memref<1x512x32xi32, #tpu.memory_space<vmem>>, vector<1x512x1xi32>,
    %sub3A_1546 = vector.broadcast %and3A_1513 : vector<512x1xi32> to vector<512x512xi32>
    %sub3A_1547 = arith.subi %select_n3A_1492, %sub3A_1546 : vector<512x512xi32>
    %select_n3A_1548 = arith.select %eq3A_1503, %sub3A_1547, %select_n3A_1492 : vector<512x512xi1>, vector<512x512xi32>
    %ne3A_1549 = arith.constant 0 : i32
    %ne3A_1550 = vector.broadcast %ne3A_1549 : i32 to vector<512x512xi32>
    %ne3A_1551 = arith.cmpi ne, %select_n3A_1548, %ne3A_1550 : vector<512x512xi32>
    %jit3A_1552 = arith.constant 512 : i32
    %broadcast_in_dim3A_1553 = vector.broadcast %jit3A_1552 : i32 to vector<512x512xi32>
    %select_n3A_1554 = arith.select %ne3A_1551, %iota3A, %broadcast_in_dim3A_1553 : vector<512x512xi1>, vector<512x512xi32>
    %reduce_min3A_1555 = arith.constant dense<2147483647> : vector<512xi32>
    %reduce_min3A_1556 = vector.multi_reduction <minsi>, %select_n3A_1554, %reduce_min3A_1555 [1] : vector<512x512xi32> to vector<512xi32>
    %broadcast_in_dim3A_1557 = vector.shape_cast %reduce_min3A_1556 : vector<512xi32> to vector<512x1xi32>
    %eq3A_1558 = vector.broadcast %broadcast_in_dim3A_1557 : vector<512x1xi32> to vector<512x512xi32>
    %eq3A_1559 = arith.cmpi eq, %iota3A, %eq3A_1558 : vector<512x512xi32>
    %jit3A_1560 = arith.constant 0 : i32
    %broadcast_in_dim3A_1561 = vector.broadcast %jit3A_1560 : i32 to vector<512x512xi32>
    %select_n3A_1562 = arith.select %eq3A_1559, %select_n3A_1548, %broadcast_in_dim3A_1561 : vector<512x512xi1>, vector<512x512xi32>
    %reduce_sum3A_1563 = arith.constant dense<0> : vector<512xi32>
    %reduce_sum3A_1564 = vector.multi_reduction <add>, %select_n3A_1562, %reduce_sum3A_1563 [1] : vector<512x512xi32> to vector<512xi32>
    %broadcast_in_dim3A_1565 = vector.shape_cast %reduce_sum3A_1564 : vector<512xi32> to vector<512x1xi32>
    %neg3A_1566 = arith.constant 0 : i32
    %neg3A_1567 = vector.broadcast %neg3A_1566 : i32 to vector<512x1xi32>
    %neg3A_1568 = arith.subi %neg3A_1567, %broadcast_in_dim3A_1565 : vector<512x1xi32>
    %and3A_1569 = arith.andi %broadcast_in_dim3A_1565, %neg3A_1568 : vector<512x1xi32>
    %convert_element_type3A_1570 = arith.sitofp %and3A_1569 : vector<512x1xi32> to vector<512x1xf32>
    %bitcast_convert_type3A_1571 = tpu.bitcast %convert_element_type3A_1570 : vector<512x1xf32> -> vector<512x1xi32>
    %shift_right_arithmetic3A_1572 = arith.constant 23 : i32
    %shift_right_arithmetic3A_1573 = vector.broadcast %shift_right_arithmetic3A_1572 : i32 to vector<512x1xi32>
    %shift_right_arithmetic3A_1574 = arith.shrsi %bitcast_convert_type3A_1571, %shift_right_arithmetic3A_1573 : vector<512x1xi32>
    %sub3A_1575 = arith.constant 127 : i32
    %sub3A_1576 = vector.broadcast %sub3A_1575 : i32 to vector<512x1xi32>
    %sub3A_1577 = arith.subi %shift_right_arithmetic3A_1574, %sub3A_1576 : vector<512x1xi32>
    %eq3A_1578 = arith.constant 512 : i32
    %eq3A_1579 = vector.broadcast %eq3A_1578 : i32 to vector<512x1xi32>
    %eq3A_1580 = arith.cmpi eq, %broadcast_in_dim3A_1557, %eq3A_1579 : vector<512x1xi32>
    %mul3A_1581 = arith.constant 16 : i32
    %mul3A_1582 = vector.broadcast %mul3A_1581 : i32 to vector<512x1xi32>
    %mul3A_1583 = arith.muli %broadcast_in_dim3A_1557, %mul3A_1582 : vector<512x1xi32>
    %add3A_1584 = arith.addi %mul3A_1583, %sub3A_1577 : vector<512x1xi32>
    %jit3A_1585 = arith.constant 8192 : i32
    %broadcast_in_dim3A_1586 = vector.broadcast %jit3A_1585 : i32 to vector<512x1xi32>
    %select_n3A_1587 = arith.select %eq3A_1580, %broadcast_in_dim3A_1586, %add3A_1584 : vector<512x1xi1>, vector<512x1xi32>
    %eq3A_1588 = arith.constant 8192 : i32
    %eq3A_1589 = vector.broadcast %eq3A_1588 : i32 to vector<512x1xi32>
    %eq3A_1590 = arith.cmpi eq, %select_n3A_1587, %eq3A_1589 : vector<512x1xi32>
    %select_n3A_1591 = arith.select %eq3A_1590, %select_n3A_76, %select_n3A_1587 : vector<512x1xi1>, vector<512x1xi32>
    %mul3A_1592 = arith.constant 8192 : i32
    %mul3A_1593 = arith.muli %arg0, %mul3A_1592 : i32
    %add3A_1594 = vector.broadcast %mul3A_1593 : i32 to vector<512x1xi32>
    %add3A_1595 = arith.addi %select_n3A_1591, %add3A_1594 : vector<512x1xi32>
    %swap3A_1596 = arith.constant 0 : index
    %swap3A_1597 = arith.constant 0 : index
    %swap3A_1598 = arith.constant 27 : index
    %swap3A_1599 = vector.load %arg5[%swap3A_1596, %swap3A_1597, %swap3A_1598] : memref<1x512x32xi32, #tpu.memory_space<vmem>>, vector<1x512x1xi32>
    %swap3A_1600 = vector.shape_cast %swap3A_1599 : vector<1x512x1xi32> to vector<512x1xi32>
    %swap3A_1601 = vector.shape_cast %add3A_1595 : vector<512x1xi32> to vector<1x512x1xi32>
    tpu.vector_store %arg5[%swap3A_1596, %swap3A_1597, %swap3A_1598], %swap3A_1601 {strides = array<i32>} : memref<1x512x32xi32, #tpu.memory_space<vmem>>, vector<1x512x1xi32>,
    %sub3A_1602 = vector.broadcast %and3A_1569 : vector<512x1xi32> to vector<512x512xi32>
    %sub3A_1603 = arith.subi %select_n3A_1548, %sub3A_1602 : vector<512x512xi32>
    %select_n3A_1604 = arith.select %eq3A_1559, %sub3A_1603, %select_n3A_1548 : vector<512x512xi1>, vector<512x512xi32>
    %ne3A_1605 = arith.constant 0 : i32
    %ne3A_1606 = vector.broadcast %ne3A_1605 : i32 to vector<512x512xi32>
    %ne3A_1607 = arith.cmpi ne, %select_n3A_1604, %ne3A_1606 : vector<512x512xi32>
    %jit3A_1608 = arith.constant 512 : i32
    %broadcast_in_dim3A_1609 = vector.broadcast %jit3A_1608 : i32 to vector<512x512xi32>
    %select_n3A_1610 = arith.select %ne3A_1607, %iota3A, %broadcast_in_dim3A_1609 : vector<512x512xi1>, vector<512x512xi32>
    %reduce_min3A_1611 = arith.constant dense<2147483647> : vector<512xi32>
    %reduce_min3A_1612 = vector.multi_reduction <minsi>, %select_n3A_1610, %reduce_min3A_1611 [1] : vector<512x512xi32> to vector<512xi32>
    %broadcast_in_dim3A_1613 = vector.shape_cast %reduce_min3A_1612 : vector<512xi32> to vector<512x1xi32>
    %eq3A_1614 = vector.broadcast %broadcast_in_dim3A_1613 : vector<512x1xi32> to vector<512x512xi32>
    %eq3A_1615 = arith.cmpi eq, %iota3A, %eq3A_1614 : vector<512x512xi32>
    %jit3A_1616 = arith.constant 0 : i32
    %broadcast_in_dim3A_1617 = vector.broadcast %jit3A_1616 : i32 to vector<512x512xi32>
    %select_n3A_1618 = arith.select %eq3A_1615, %select_n3A_1604, %broadcast_in_dim3A_1617 : vector<512x512xi1>, vector<512x512xi32>
    %reduce_sum3A_1619 = arith.constant dense<0> : vector<512xi32>
    %reduce_sum3A_1620 = vector.multi_reduction <add>, %select_n3A_1618, %reduce_sum3A_1619 [1] : vector<512x512xi32> to vector<512xi32>
    %broadcast_in_dim3A_1621 = vector.shape_cast %reduce_sum3A_1620 : vector<512xi32> to vector<512x1xi32>
    %neg3A_1622 = arith.constant 0 : i32
    %neg3A_1623 = vector.broadcast %neg3A_1622 : i32 to vector<512x1xi32>
    %neg3A_1624 = arith.subi %neg3A_1623, %broadcast_in_dim3A_1621 : vector<512x1xi32>
    %and3A_1625 = arith.andi %broadcast_in_dim3A_1621, %neg3A_1624 : vector<512x1xi32>
    %convert_element_type3A_1626 = arith.sitofp %and3A_1625 : vector<512x1xi32> to vector<512x1xf32>
    %bitcast_convert_type3A_1627 = tpu.bitcast %convert_element_type3A_1626 : vector<512x1xf32> -> vector<512x1xi32>
    %shift_right_arithmetic3A_1628 = arith.constant 23 : i32
    %shift_right_arithmetic3A_1629 = vector.broadcast %shift_right_arithmetic3A_1628 : i32 to vector<512x1xi32>
    %shift_right_arithmetic3A_1630 = arith.shrsi %bitcast_convert_type3A_1627, %shift_right_arithmetic3A_1629 : vector<512x1xi32>
    %sub3A_1631 = arith.constant 127 : i32
    %sub3A_1632 = vector.broadcast %sub3A_1631 : i32 to vector<512x1xi32>
    %sub3A_1633 = arith.subi %shift_right_arithmetic3A_1630, %sub3A_1632 : vector<512x1xi32>
    %eq3A_1634 = arith.constant 512 : i32
    %eq3A_1635 = vector.broadcast %eq3A_1634 : i32 to vector<512x1xi32>
    %eq3A_1636 = arith.cmpi eq, %broadcast_in_dim3A_1613, %eq3A_1635 : vector<512x1xi32>
    %mul3A_1637 = arith.constant 16 : i32
    %mul3A_1638 = vector.broadcast %mul3A_1637 : i32 to vector<512x1xi32>
    %mul3A_1639 = arith.muli %broadcast_in_dim3A_1613, %mul3A_1638 : vector<512x1xi32>
    %add3A_1640 = arith.addi %mul3A_1639, %sub3A_1633 : vector<512x1xi32>
    %jit3A_1641 = arith.constant 8192 : i32
    %broadcast_in_dim3A_1642 = vector.broadcast %jit3A_1641 : i32 to vector<512x1xi32>
    %select_n3A_1643 = arith.select %eq3A_1636, %broadcast_in_dim3A_1642, %add3A_1640 : vector<512x1xi1>, vector<512x1xi32>
    %eq3A_1644 = arith.constant 8192 : i32
    %eq3A_1645 = vector.broadcast %eq3A_1644 : i32 to vector<512x1xi32>
    %eq3A_1646 = arith.cmpi eq, %select_n3A_1643, %eq3A_1645 : vector<512x1xi32>
    %select_n3A_1647 = arith.select %eq3A_1646, %select_n3A_76, %select_n3A_1643 : vector<512x1xi1>, vector<512x1xi32>
    %mul3A_1648 = arith.constant 8192 : i32
    %mul3A_1649 = arith.muli %arg0, %mul3A_1648 : i32
    %add3A_1650 = vector.broadcast %mul3A_1649 : i32 to vector<512x1xi32>
    %add3A_1651 = arith.addi %select_n3A_1647, %add3A_1650 : vector<512x1xi32>
    %swap3A_1652 = arith.constant 0 : index
    %swap3A_1653 = arith.constant 0 : index
    %swap3A_1654 = arith.constant 28 : index
    %swap3A_1655 = vector.load %arg5[%swap3A_1652, %swap3A_1653, %swap3A_1654] : memref<1x512x32xi32, #tpu.memory_space<vmem>>, vector<1x512x1xi32>
    %swap3A_1656 = vector.shape_cast %swap3A_1655 : vector<1x512x1xi32> to vector<512x1xi32>
    %swap3A_1657 = vector.shape_cast %add3A_1651 : vector<512x1xi32> to vector<1x512x1xi32>
    tpu.vector_store %arg5[%swap3A_1652, %swap3A_1653, %swap3A_1654], %swap3A_1657 {strides = array<i32>} : memref<1x512x32xi32, #tpu.memory_space<vmem>>, vector<1x512x1xi32>,
    %sub3A_1658 = vector.broadcast %and3A_1625 : vector<512x1xi32> to vector<512x512xi32>
    %sub3A_1659 = arith.subi %select_n3A_1604, %sub3A_1658 : vector<512x512xi32>
    %select_n3A_1660 = arith.select %eq3A_1615, %sub3A_1659, %select_n3A_1604 : vector<512x512xi1>, vector<512x512xi32>
    %ne3A_1661 = arith.constant 0 : i32
    %ne3A_1662 = vector.broadcast %ne3A_1661 : i32 to vector<512x512xi32>
    %ne3A_1663 = arith.cmpi ne, %select_n3A_1660, %ne3A_1662 : vector<512x512xi32>
    %jit3A_1664 = arith.constant 512 : i32
    %broadcast_in_dim3A_1665 = vector.broadcast %jit3A_1664 : i32 to vector<512x512xi32>
    %select_n3A_1666 = arith.select %ne3A_1663, %iota3A, %broadcast_in_dim3A_1665 : vector<512x512xi1>, vector<512x512xi32>
    %reduce_min3A_1667 = arith.constant dense<2147483647> : vector<512xi32>
    %reduce_min3A_1668 = vector.multi_reduction <minsi>, %select_n3A_1666, %reduce_min3A_1667 [1] : vector<512x512xi32> to vector<512xi32>
    %broadcast_in_dim3A_1669 = vector.shape_cast %reduce_min3A_1668 : vector<512xi32> to vector<512x1xi32>
    %eq3A_1670 = vector.broadcast %broadcast_in_dim3A_1669 : vector<512x1xi32> to vector<512x512xi32>
    %eq3A_1671 = arith.cmpi eq, %iota3A, %eq3A_1670 : vector<512x512xi32>
    %jit3A_1672 = arith.constant 0 : i32
    %broadcast_in_dim3A_1673 = vector.broadcast %jit3A_1672 : i32 to vector<512x512xi32>
    %select_n3A_1674 = arith.select %eq3A_1671, %select_n3A_1660, %broadcast_in_dim3A_1673 : vector<512x512xi1>, vector<512x512xi32>
    %reduce_sum3A_1675 = arith.constant dense<0> : vector<512xi32>
    %reduce_sum3A_1676 = vector.multi_reduction <add>, %select_n3A_1674, %reduce_sum3A_1675 [1] : vector<512x512xi32> to vector<512xi32>
    %broadcast_in_dim3A_1677 = vector.shape_cast %reduce_sum3A_1676 : vector<512xi32> to vector<512x1xi32>
    %neg3A_1678 = arith.constant 0 : i32
    %neg3A_1679 = vector.broadcast %neg3A_1678 : i32 to vector<512x1xi32>
    %neg3A_1680 = arith.subi %neg3A_1679, %broadcast_in_dim3A_1677 : vector<512x1xi32>
    %and3A_1681 = arith.andi %broadcast_in_dim3A_1677, %neg3A_1680 : vector<512x1xi32>
    %convert_element_type3A_1682 = arith.sitofp %and3A_1681 : vector<512x1xi32> to vector<512x1xf32>
    %bitcast_convert_type3A_1683 = tpu.bitcast %convert_element_type3A_1682 : vector<512x1xf32> -> vector<512x1xi32>
    %shift_right_arithmetic3A_1684 = arith.constant 23 : i32
    %shift_right_arithmetic3A_1685 = vector.broadcast %shift_right_arithmetic3A_1684 : i32 to vector<512x1xi32>
    %shift_right_arithmetic3A_1686 = arith.shrsi %bitcast_convert_type3A_1683, %shift_right_arithmetic3A_1685 : vector<512x1xi32>
    %sub3A_1687 = arith.constant 127 : i32
    %sub3A_1688 = vector.broadcast %sub3A_1687 : i32 to vector<512x1xi32>
    %sub3A_1689 = arith.subi %shift_right_arithmetic3A_1686, %sub3A_1688 : vector<512x1xi32>
    %eq3A_1690 = arith.constant 512 : i32
    %eq3A_1691 = vector.broadcast %eq3A_1690 : i32 to vector<512x1xi32>
    %eq3A_1692 = arith.cmpi eq, %broadcast_in_dim3A_1669, %eq3A_1691 : vector<512x1xi32>
    %mul3A_1693 = arith.constant 16 : i32
    %mul3A_1694 = vector.broadcast %mul3A_1693 : i32 to vector<512x1xi32>
    %mul3A_1695 = arith.muli %broadcast_in_dim3A_1669, %mul3A_1694 : vector<512x1xi32>
    %add3A_1696 = arith.addi %mul3A_1695, %sub3A_1689 : vector<512x1xi32>
    %jit3A_1697 = arith.constant 8192 : i32
    %broadcast_in_dim3A_1698 = vector.broadcast %jit3A_1697 : i32 to vector<512x1xi32>
    %select_n3A_1699 = arith.select %eq3A_1692, %broadcast_in_dim3A_1698, %add3A_1696 : vector<512x1xi1>, vector<512x1xi32>
    %eq3A_1700 = arith.constant 8192 : i32
    %eq3A_1701 = vector.broadcast %eq3A_1700 : i32 to vector<512x1xi32>
    %eq3A_1702 = arith.cmpi eq, %select_n3A_1699, %eq3A_1701 : vector<512x1xi32>
    %select_n3A_1703 = arith.select %eq3A_1702, %select_n3A_76, %select_n3A_1699 : vector<512x1xi1>, vector<512x1xi32>
    %mul3A_1704 = arith.constant 8192 : i32
    %mul3A_1705 = arith.muli %arg0, %mul3A_1704 : i32
    %add3A_1706 = vector.broadcast %mul3A_1705 : i32 to vector<512x1xi32>
    %add3A_1707 = arith.addi %select_n3A_1703, %add3A_1706 : vector<512x1xi32>
    %swap3A_1708 = arith.constant 0 : index
    %swap3A_1709 = arith.constant 0 : index
    %swap3A_1710 = arith.constant 29 : index
    %swap3A_1711 = vector.load %arg5[%swap3A_1708, %swap3A_1709, %swap3A_1710] : memref<1x512x32xi32, #tpu.memory_space<vmem>>, vector<1x512x1xi32>
    %swap3A_1712 = vector.shape_cast %swap3A_1711 : vector<1x512x1xi32> to vector<512x1xi32>
    %swap3A_1713 = vector.shape_cast %add3A_1707 : vector<512x1xi32> to vector<1x512x1xi32>
    tpu.vector_store %arg5[%swap3A_1708, %swap3A_1709, %swap3A_1710], %swap3A_1713 {strides = array<i32>} : memref<1x512x32xi32, #tpu.memory_space<vmem>>, vector<1x512x1xi32>,
    %sub3A_1714 = vector.broadcast %and3A_1681 : vector<512x1xi32> to vector<512x512xi32>
    %sub3A_1715 = arith.subi %select_n3A_1660, %sub3A_1714 : vector<512x512xi32>
    %select_n3A_1716 = arith.select %eq3A_1671, %sub3A_1715, %select_n3A_1660 : vector<512x512xi1>, vector<512x512xi32>
    %ne3A_1717 = arith.constant 0 : i32
    %ne3A_1718 = vector.broadcast %ne3A_1717 : i32 to vector<512x512xi32>
    %ne3A_1719 = arith.cmpi ne, %select_n3A_1716, %ne3A_1718 : vector<512x512xi32>
    %jit3A_1720 = arith.constant 512 : i32
    %broadcast_in_dim3A_1721 = vector.broadcast %jit3A_1720 : i32 to vector<512x512xi32>
    %select_n3A_1722 = arith.select %ne3A_1719, %iota3A, %broadcast_in_dim3A_1721 : vector<512x512xi1>, vector<512x512xi32>
    %reduce_min3A_1723 = arith.constant dense<2147483647> : vector<512xi32>
    %reduce_min3A_1724 = vector.multi_reduction <minsi>, %select_n3A_1722, %reduce_min3A_1723 [1] : vector<512x512xi32> to vector<512xi32>
    %broadcast_in_dim3A_1725 = vector.shape_cast %reduce_min3A_1724 : vector<512xi32> to vector<512x1xi32>
    %eq3A_1726 = vector.broadcast %broadcast_in_dim3A_1725 : vector<512x1xi32> to vector<512x512xi32>
    %eq3A_1727 = arith.cmpi eq, %iota3A, %eq3A_1726 : vector<512x512xi32>
    %jit3A_1728 = arith.constant 0 : i32
    %broadcast_in_dim3A_1729 = vector.broadcast %jit3A_1728 : i32 to vector<512x512xi32>
    %select_n3A_1730 = arith.select %eq3A_1727, %select_n3A_1716, %broadcast_in_dim3A_1729 : vector<512x512xi1>, vector<512x512xi32>
    %reduce_sum3A_1731 = arith.constant dense<0> : vector<512xi32>
    %reduce_sum3A_1732 = vector.multi_reduction <add>, %select_n3A_1730, %reduce_sum3A_1731 [1] : vector<512x512xi32> to vector<512xi32>
    %broadcast_in_dim3A_1733 = vector.shape_cast %reduce_sum3A_1732 : vector<512xi32> to vector<512x1xi32>
    %neg3A_1734 = arith.constant 0 : i32
    %neg3A_1735 = vector.broadcast %neg3A_1734 : i32 to vector<512x1xi32>
    %neg3A_1736 = arith.subi %neg3A_1735, %broadcast_in_dim3A_1733 : vector<512x1xi32>
    %and3A_1737 = arith.andi %broadcast_in_dim3A_1733, %neg3A_1736 : vector<512x1xi32>
    %convert_element_type3A_1738 = arith.sitofp %and3A_1737 : vector<512x1xi32> to vector<512x1xf32>
    %bitcast_convert_type3A_1739 = tpu.bitcast %convert_element_type3A_1738 : vector<512x1xf32> -> vector<512x1xi32>
    %shift_right_arithmetic3A_1740 = arith.constant 23 : i32
    %shift_right_arithmetic3A_1741 = vector.broadcast %shift_right_arithmetic3A_1740 : i32 to vector<512x1xi32>
    %shift_right_arithmetic3A_1742 = arith.shrsi %bitcast_convert_type3A_1739, %shift_right_arithmetic3A_1741 : vector<512x1xi32>
    %sub3A_1743 = arith.constant 127 : i32
    %sub3A_1744 = vector.broadcast %sub3A_1743 : i32 to vector<512x1xi32>
    %sub3A_1745 = arith.subi %shift_right_arithmetic3A_1742, %sub3A_1744 : vector<512x1xi32>
    %eq3A_1746 = arith.constant 512 : i32
    %eq3A_1747 = vector.broadcast %eq3A_1746 : i32 to vector<512x1xi32>
    %eq3A_1748 = arith.cmpi eq, %broadcast_in_dim3A_1725, %eq3A_1747 : vector<512x1xi32>
    %mul3A_1749 = arith.constant 16 : i32
    %mul3A_1750 = vector.broadcast %mul3A_1749 : i32 to vector<512x1xi32>
    %mul3A_1751 = arith.muli %broadcast_in_dim3A_1725, %mul3A_1750 : vector<512x1xi32>
    %add3A_1752 = arith.addi %mul3A_1751, %sub3A_1745 : vector<512x1xi32>
    %jit3A_1753 = arith.constant 8192 : i32
    %broadcast_in_dim3A_1754 = vector.broadcast %jit3A_1753 : i32 to vector<512x1xi32>
    %select_n3A_1755 = arith.select %eq3A_1748, %broadcast_in_dim3A_1754, %add3A_1752 : vector<512x1xi1>, vector<512x1xi32>
    %eq3A_1756 = arith.constant 8192 : i32
    %eq3A_1757 = vector.broadcast %eq3A_1756 : i32 to vector<512x1xi32>
    %eq3A_1758 = arith.cmpi eq, %select_n3A_1755, %eq3A_1757 : vector<512x1xi32>
    %select_n3A_1759 = arith.select %eq3A_1758, %select_n3A_76, %select_n3A_1755 : vector<512x1xi1>, vector<512x1xi32>
    %mul3A_1760 = arith.constant 8192 : i32
    %mul3A_1761 = arith.muli %arg0, %mul3A_1760 : i32
    %add3A_1762 = vector.broadcast %mul3A_1761 : i32 to vector<512x1xi32>
    %add3A_1763 = arith.addi %select_n3A_1759, %add3A_1762 : vector<512x1xi32>
    %swap3A_1764 = arith.constant 0 : index
    %swap3A_1765 = arith.constant 0 : index
    %swap3A_1766 = arith.constant 30 : index
    %swap3A_1767 = vector.load %arg5[%swap3A_1764, %swap3A_1765, %swap3A_1766] : memref<1x512x32xi32, #tpu.memory_space<vmem>>, vector<1x512x1xi32>
    %swap3A_1768 = vector.shape_cast %swap3A_1767 : vector<1x512x1xi32> to vector<512x1xi32>
    %swap3A_1769 = vector.shape_cast %add3A_1763 : vector<512x1xi32> to vector<1x512x1xi32>
    tpu.vector_store %arg5[%swap3A_1764, %swap3A_1765, %swap3A_1766], %swap3A_1769 {strides = array<i32>} : memref<1x512x32xi32, #tpu.memory_space<vmem>>, vector<1x512x1xi32>,
    %sub3A_1770 = vector.broadcast %and3A_1737 : vector<512x1xi32> to vector<512x512xi32>
    %sub3A_1771 = arith.subi %select_n3A_1716, %sub3A_1770 : vector<512x512xi32>
    %select_n3A_1772 = arith.select %eq3A_1727, %sub3A_1771, %select_n3A_1716 : vector<512x512xi1>, vector<512x512xi32>
    %ne3A_1773 = arith.constant 0 : i32
    %ne3A_1774 = vector.broadcast %ne3A_1773 : i32 to vector<512x512xi32>
    %ne3A_1775 = arith.cmpi ne, %select_n3A_1772, %ne3A_1774 : vector<512x512xi32>
    %jit3A_1776 = arith.constant 512 : i32
    %broadcast_in_dim3A_1777 = vector.broadcast %jit3A_1776 : i32 to vector<512x512xi32>
    %select_n3A_1778 = arith.select %ne3A_1775, %iota3A, %broadcast_in_dim3A_1777 : vector<512x512xi1>, vector<512x512xi32>
    %reduce_min3A_1779 = arith.constant dense<2147483647> : vector<512xi32>
    %reduce_min3A_1780 = vector.multi_reduction <minsi>, %select_n3A_1778, %reduce_min3A_1779 [1] : vector<512x512xi32> to vector<512xi32>
    %broadcast_in_dim3A_1781 = vector.shape_cast %reduce_min3A_1780 : vector<512xi32> to vector<512x1xi32>
    %eq3A_1782 = vector.broadcast %broadcast_in_dim3A_1781 : vector<512x1xi32> to vector<512x512xi32>
    %eq3A_1783 = arith.cmpi eq, %iota3A, %eq3A_1782 : vector<512x512xi32>
    %jit3A_1784 = arith.constant 0 : i32
    %broadcast_in_dim3A_1785 = vector.broadcast %jit3A_1784 : i32 to vector<512x512xi32>
    %select_n3A_1786 = arith.select %eq3A_1783, %select_n3A_1772, %broadcast_in_dim3A_1785 : vector<512x512xi1>, vector<512x512xi32>
    %reduce_sum3A_1787 = arith.constant dense<0> : vector<512xi32>
    %reduce_sum3A_1788 = vector.multi_reduction <add>, %select_n3A_1786, %reduce_sum3A_1787 [1] : vector<512x512xi32> to vector<512xi32>
    %broadcast_in_dim3A_1789 = vector.shape_cast %reduce_sum3A_1788 : vector<512xi32> to vector<512x1xi32>
    %neg3A_1790 = arith.constant 0 : i32
    %neg3A_1791 = vector.broadcast %neg3A_1790 : i32 to vector<512x1xi32>
    %neg3A_1792 = arith.subi %neg3A_1791, %broadcast_in_dim3A_1789 : vector<512x1xi32>
    %and3A_1793 = arith.andi %broadcast_in_dim3A_1789, %neg3A_1792 : vector<512x1xi32>
    %convert_element_type3A_1794 = arith.sitofp %and3A_1793 : vector<512x1xi32> to vector<512x1xf32>
    %bitcast_convert_type3A_1795 = tpu.bitcast %convert_element_type3A_1794 : vector<512x1xf32> -> vector<512x1xi32>
    %shift_right_arithmetic3A_1796 = arith.constant 23 : i32
    %shift_right_arithmetic3A_1797 = vector.broadcast %shift_right_arithmetic3A_1796 : i32 to vector<512x1xi32>
    %shift_right_arithmetic3A_1798 = arith.shrsi %bitcast_convert_type3A_1795, %shift_right_arithmetic3A_1797 : vector<512x1xi32>
    %sub3A_1799 = arith.constant 127 : i32
    %sub3A_1800 = vector.broadcast %sub3A_1799 : i32 to vector<512x1xi32>
    %sub3A_1801 = arith.subi %shift_right_arithmetic3A_1798, %sub3A_1800 : vector<512x1xi32>
    %eq3A_1802 = arith.constant 512 : i32
    %eq3A_1803 = vector.broadcast %eq3A_1802 : i32 to vector<512x1xi32>
    %eq3A_1804 = arith.cmpi eq, %broadcast_in_dim3A_1781, %eq3A_1803 : vector<512x1xi32>
    %mul3A_1805 = arith.constant 16 : i32
    %mul3A_1806 = vector.broadcast %mul3A_1805 : i32 to vector<512x1xi32>
    %mul3A_1807 = arith.muli %broadcast_in_dim3A_1781, %mul3A_1806 : vector<512x1xi32>
    %add3A_1808 = arith.addi %mul3A_1807, %sub3A_1801 : vector<512x1xi32>
    %jit3A_1809 = arith.constant 8192 : i32
    %broadcast_in_dim3A_1810 = vector.broadcast %jit3A_1809 : i32 to vector<512x1xi32>
    %select_n3A_1811 = arith.select %eq3A_1804, %broadcast_in_dim3A_1810, %add3A_1808 : vector<512x1xi1>, vector<512x1xi32>
    %eq3A_1812 = arith.constant 8192 : i32
    %eq3A_1813 = vector.broadcast %eq3A_1812 : i32 to vector<512x1xi32>
    %eq3A_1814 = arith.cmpi eq, %select_n3A_1811, %eq3A_1813 : vector<512x1xi32>
    %select_n3A_1815 = arith.select %eq3A_1814, %select_n3A_76, %select_n3A_1811 : vector<512x1xi1>, vector<512x1xi32>
    %mul3A_1816 = arith.constant 8192 : i32
    %mul3A_1817 = arith.muli %arg0, %mul3A_1816 : i32
    %add3A_1818 = vector.broadcast %mul3A_1817 : i32 to vector<512x1xi32>
    %add3A_1819 = arith.addi %select_n3A_1815, %add3A_1818 : vector<512x1xi32>
    %swap3A_1820 = arith.constant 0 : index
    %swap3A_1821 = arith.constant 0 : index
    %swap3A_1822 = arith.constant 31 : index
    %swap3A_1823 = vector.load %arg5[%swap3A_1820, %swap3A_1821, %swap3A_1822] : memref<1x512x32xi32, #tpu.memory_space<vmem>>, vector<1x512x1xi32>
    %swap3A_1824 = vector.shape_cast %swap3A_1823 : vector<1x512x1xi32> to vector<512x1xi32>
    %swap3A_1825 = vector.shape_cast %add3A_1819 : vector<512x1xi32> to vector<1x512x1xi32>
    tpu.vector_store %arg5[%swap3A_1820, %swap3A_1821, %swap3A_1822], %swap3A_1825 {strides = array<i32>} : memref<1x512x32xi32, #tpu.memory_space<vmem>>, vector<1x512x1xi32>,
    return
  }
  func.func @transform_0(%arg0: i32, %arg1: i32) -> (i32, i32, i32) {
    %c0_i32 = arith.constant 0 : i32
    %c0_i32_0 = arith.constant 0 : i32
    %c0_i32_1 = arith.constant 0 : i32
    return %arg0, %c0_i32, %c0_i32_0 : i32, i32, i32
  }
  func.func @transform_1(%arg0: i32, %arg1: i32) -> (i32, i32, i32) {
    %c0_i32 = arith.constant 0 : i32
    %c0_i32_0 = arith.constant 0 : i32
    return %arg0, %arg1, %c0_i32 : i32, i32, i32
  }
  func.func @transform_2(%arg0: i32, %arg1: i32) -> (i32, i32) {
    %c0_i32 = arith.constant 0 : i32
    %c0_i32_0 = arith.constant 0 : i32
    %c0_i32_1 = arith.constant 0 : i32
    return %c0_i32, %c0_i32_0 : i32, i32
  }
  func.func @transform_3(%arg0: i32, %arg1: i32) -> (i32, i32, i32) {
    %c0_i32 = arith.constant 0 : i32
    %c0_i32_0 = arith.constant 0 : i32
    return %arg0, %arg1, %c0_i32 : i32, i32, i32
  }
}

module attributes {stable_mosaic.version = 14 : i64} {
  func.func @_center_body(%arg0: i32, %arg1: memref<512x32x16xf32, #tpu.memory_space<vmem>>, %arg2: memref<512x1x3xf32, #tpu.memory_space<vmem>>, %arg3: memref<512x32x3xf32, #tpu.memory_space<vmem>>) attributes {dimension_semantics = [#tpu.dimension_semantics<arbitrary>], iteration_bounds = array<i64: 8>, scalar_prefetch = 0 : i64, scratch_operands = 0 : i64, tpu.core_type = #tpu.core_type<tc>, window_params = [{transform_indices = @transform_0, window_bounds = array<i64: 512, 32, 16>}, {transform_indices = @transform_1, window_bounds = array<i64: 512, 1, 3>}, {transform_indices = @transform_2, window_bounds = array<i64: 512, 32, 3>}]} {
    %get3A = arith.constant 0 : index
    %get3A_0 = arith.constant 0 : index
    %get3A_1 = arith.constant 0 : index
    %get3A_2 = vector.load %arg1[%get3A, %get3A_0, %get3A_1] : memref<512x32x16xf32, #tpu.memory_space<vmem>>, vector<512x32x3xf32>
    %get3A_3 = arith.constant 0 : index
    %get3A_4 = arith.constant 0 : index
    %get3A_5 = arith.constant 0 : index
    %get3A_6 = vector.load %arg2[%get3A_3, %get3A_4, %get3A_5] : memref<512x1x3xf32, #tpu.memory_space<vmem>>, vector<512x1x3xf32>
    %sub3A = vector.broadcast %get3A_6 : vector<512x1x3xf32> to vector<512x32x3xf32>
    %sub3A_7 = arith.subf %get3A_2, %sub3A : vector<512x32x3xf32>
    %swap3A = arith.constant 0 : index
    %swap3A_8 = arith.constant 0 : index
    %swap3A_9 = arith.constant 0 : index
    %swap3A_10 = vector.load %arg3[%swap3A, %swap3A_8, %swap3A_9] : memref<512x32x3xf32, #tpu.memory_space<vmem>>, vector<512x32x3xf32>
    tpu.vector_store %arg3[%swap3A, %swap3A_8, %swap3A_9], %sub3A_7 {strides = array<i32>} : memref<512x32x3xf32, #tpu.memory_space<vmem>>, vector<512x32x3xf32>,
    return
  }
  func.func @transform_0(%arg0: i32) -> (i32, i32, i32) {
    %c0_i32 = arith.constant 0 : i32
    %c0_i32_0 = arith.constant 0 : i32
    %c0_i32_1 = arith.constant 0 : i32
    return %arg0, %c0_i32, %c0_i32_0 : i32, i32, i32
  }
  func.func @transform_1(%arg0: i32) -> (i32, i32, i32) {
    %c0_i32 = arith.constant 0 : i32
    %c0_i32_0 = arith.constant 0 : i32
    %c0_i32_1 = arith.constant 0 : i32
    return %arg0, %c0_i32, %c0_i32_0 : i32, i32, i32
  }
  func.func @transform_2(%arg0: i32) -> (i32, i32, i32) {
    %c0_i32 = arith.constant 0 : i32
    %c0_i32_0 = arith.constant 0 : i32
    %c0_i32_1 = arith.constant 0 : i32
    return %arg0, %c0_i32, %c0_i32_0 : i32, i32, i32
  }
}

</mosaic_0001>

<sc_bundles>
// kernel: kernel.6.cloned.1.call-start
scs
__scs_entry_jumppad:
0x0: {  	(pc) =	sbr.rel $0x88, $3  }
0x1: {  	(tag) =	ssettag $0x0;
	lr =	simm.s32 $0x1  }
0x2: {  	[smem:$0x3F9F] =	sst lr;
	_ =	strace $0xD0000000  }
0x3: {  	_ = 	snop  }
0x4: {  	_ = 	snop  }
0x5: {  	_ = 	snop  }
0x6: {  	_ = 	snop  }
0x7: {  	_ = 	snop  }
__scs_overlays_trampoline_lowered:
0x8: {  	[smem:$0x3FAE] =	sst s0  }
0x9: {  	[smem:$0x3FAF] =	sst s1  }
0xa: {  	[smem:$0x3FB0] =	sst s2  }
0xb: {  	[smem:$0x3FB1] =	sst s3  }
0xc: {  	[smem:$0x3FB2] =	sst s4  }
0xd: {  	[smem:$0x3FB3] =	sst s5  }
0xe: {  	[smem:$0x3FB4] =	sst s6  }
0xf: {  	[smem:$0x3FB5] =	sst s7  }
0x10: {  	[smem:$0x3FB6] =	sst s8  }
0x11: {  	[smem:$0x3FB7] =	sst s9;
	s0 =	simm.s32 @!p0 $0x0  }
0x12: {  	s1 =	sld [smem:$0x3F9D];
	s0 =	simm.s32 @p0 $0x1  }
0x13: {  	[smem:$0x3FB8] =	sst s0;
	s0 =	simm.s32 @!p1 $0x0  }
0x14: {  	s2 =	sld [smem:$0x3F9C];
	s0 =	simm.s32 @p1 $0x1  }
0x15: {  	[smem:$0x3FB9] =	sst s0;
	s0 =	simm.s32 @!p2 $0x0  }
0x16: {  	s3 =	sld [smem:$0x3FDB];
	s0 =	simm.s32 @p2 $0x1  }
0x17: {  	s4 =	simm.s32 $0x1BF5;
	[smem:$0x3FBB] =	sst s0  }
0x18: {  	s0 =	sld [smem:$0x3F9E];
	_ =	swait.ge [sflag:s4], $0x0  }
0x19: {  	s7 =	sld [smem:$0x3F9F]  }
0x1a: {  	s8 =	sadd.s32 $0xFFFFE003, lr  }
0x1b: {  	s9 =	sadd.s32 $0xFFFFFEF7, lr;
	s5 =	simm.s32 $0xFFFFFFFF;
	p2 =	slt.u32 s8, $0xFFFFF086  }
0x1c: {  	p1 =	slt.u32 s9, $0xF7A;
	s5 =	simm.s32 @!p2 $0x0  }
0x1d: {  	s5 =	simm.s32 @p1 $0x1;
	p0 =	seq.s32 s7, s2  }
0x1e: {  	s7 =	smul.u32 @!p0 $0xF7A, s2;
	p2 =	seq.s32 @!p0 s5, $0x0  }
0x1f: {  	s9 =	smul.u32 $0xF7A, s1;
	s8 =	simm.s32 @!p0 $0x1BF5;
	p2 =	por !p2, p0  }
0x20: {  	[sflag:s8] =	ssyncset.s32 @!p0 $0xFFFFF086;
	s6 =	sadd.s32 @!p0 s3, s7;
	s7 =	simm.s32 @!p0 $0x108  }
0x21: {  	s3 =	sadd.s32 s3, s9;
	s6 =	sadd.s32 @!p0 $0x88, s6;
	s7 =	simm.s32 @p2 $0x1082  }
0x22: {  	[simem:s7], [sflag:s8] =	dma.local @!p0 [hbm:s6], $0xF7A  }
0x23: {  	s9 =	sor.u32 $0xD0000000, s2;
	s6 =	simm.s32 $0x108;
	_ =	swait.ge @!p0 [sflag:s8], $0x0  }
0x24: {  	s3 =	sadd.s32 $0x88, s3;
	s6 =	simm.s32 @!p1 $0x1082;
	[sflag:s4] =	ssyncset.s32 $0xFFFFF086  }
0x25: {  	[simem:s6], [sflag:s4] =	dma.local [hbm:s3], $0xF7A  }
0x26: {  	[smem:$0x3F9F] =	sst s1;
	(tag) =	ssettag s2;
	_ =	strace s9  }
0x27: {  	s1 =	sld [smem:$0x3FAF]  }
0x28: {  	s2 =	sld [smem:$0x3FB0]  }
0x29: {  	s4 =	sld [smem:$0x3FB2]  }
0x2a: {  	p0 =	seq.s32 s5, $0x0;
	s5 =	sld [smem:$0x3FB3]  }
0x2b: {  	s6 =	sld [smem:$0x3FB4]  }
0x2c: {  	s7 =	sld [smem:$0x3FB5]  }
0x2d: {  	s3 =	simm.s32 $0x108;
	s8 =	sld [smem:$0x3FB6]  }
0x2e: {  	s3 =	simm.s32 @!p0 $0x1082;
	s9 =	sld [smem:$0x3FB7]  }
0x2f: {  	lr =	sadd.s32 s0, s3;
	s0 =	sld [smem:$0x3FAE]  }
0x30: {  	s3 =	sld [smem:$0x3FB1]  }
0x31: {  	[smem:$0x3FBA] =	sst s10  }
0x32: {  	s10 =	sld [smem:$0x3FB8];
	_ =	sdelay $0x3  }
0x33: {  	p0 =	seq.s32 s10, $0x1;
	s10 =	sld [smem:$0x3FBA];
	_ =	sdelay $0x3  }
0x34: {  	[smem:$0x3FBA] =	sst s10  }
0x35: {  	s10 =	sld [smem:$0x3FB9];
	_ =	sdelay $0x3  }
0x36: {  	p1 =	seq.s32 s10, $0x1;
	s10 =	sld [smem:$0x3FBA];
	_ =	sdelay $0x3  }
0x37: {  	[smem:$0x3FBA] =	sst s10  }
0x38: {  	s10 =	sld [smem:$0x3FBB]  }
0x39: {  	_ = 	snop;
	(pc) =	sbr.ind lr, $3  }
0x3a: {  	_ = 	snop  }
0x3b: {  	_ = 	snop  }
0x3c: {  	p2 =	seq.s32 s10, $0x1;
	s10 =	sld [smem:$0x3FBA]  }
0x3d: {  	_ =	shalt  }
0x3e: {  	_ =	shalt  }
0x3f: {  	_ =	shalt  }
0x40: {  	_ =	shalt  }
0x41: {  	_ =	shalt  }
0x42: {  	_ =	shalt  }
0x43: {  	_ =	shalt  }
0x44: {  	_ =	shalt  }
0x45: {  	_ =	shalt  }
0x46: {  	_ =	shalt  }
0x47: {  	_ =	shalt  }
0x48: {  	_ =	shalt  }
0x49: {  	_ =	shalt  }
0x4a: {  	_ =	shalt  }
0x4b: {  	_ =	shalt  }
0x4c: {  	_ =	shalt  }
0x4d: {  	_ =	shalt  }
0x4e: {  	_ =	shalt  }
0x4f: {  	_ =	shalt  }
0x50: {  	_ =	shalt  }
0x51: {  	_ =	shalt  }
0x52: {  	_ =	shalt  }
0x53: {  	_ =	shalt  }
0x54: {  	_ =	shalt  }
0x55: {  	_ =	shalt  }
0x56: {  	_ =	shalt  }
0x57: {  	_ =	shalt  }
0x58: {  	_ =	shalt  }
0x59: {  	_ =	shalt  }
0x5a: {  	_ =	shalt  }
0x5b: {  	_ =	shalt  }
0x5c: {  	_ =	shalt  }
0x5d: {  	_ =	shalt  }
0x5e: {  	_ =	shalt  }
0x5f: {  	_ =	shalt  }
0x60: {  	_ =	shalt  }
0x61: {  	_ =	shalt  }
0x62: {  	_ =	shalt  }
0x63: {  	_ =	shalt  }
0x64: {  	_ =	shalt  }
0x65: {  	_ =	shalt  }
0x66: {  	_ =	shalt  }
0x67: {  	_ =	shalt  }
0x68: {  	_ =	shalt  }
0x69: {  	_ =	shalt  }
0x6a: {  	_ =	shalt  }
0x6b: {  	_ =	shalt  }
0x6c: {  	_ =	shalt  }
0x6d: {  	_ =	shalt  }
0x6e: {  	_ =	shalt  }
0x6f: {  	_ =	shalt  }
0x70: {  	_ =	shalt  }
0x71: {  	_ =	shalt  }
0x72: {  	_ =	shalt  }
0x73: {  	_ =	shalt  }
0x74: {  	_ =	shalt  }
0x75: {  	_ =	shalt  }
0x76: {  	_ =	shalt  }
0x77: {  	_ =	shalt  }
0x78: {  	_ =	shalt  }
0x79: {  	_ =	shalt  }
0x7a: {  	_ =	shalt  }
0x7b: {  	_ =	shalt  }
0x7c: {  	_ =	shalt  }
0x7d: {  	_ =	shalt  }
0x7e: {  	_ =	shalt  }
0x7f: {  	_ =	shalt  }
0x80: {  	_ =	shalt  }
0x81: {  	_ =	shalt  }
0x82: {  	_ =	shalt  }
0x83: {  	_ =	shalt  }
0x84: {  	_ =	shalt  }
0x85: {  	_ =	shalt  }
0x86: {  	_ =	shalt  }
0x87: {  	_ =	shalt  }
.Lfunc_end0:
.L_simem_size_0:
called_computation.1_lowered:
.L_overlay_start_0:
0x88: {  	s2 =	sld [smem:$0x3FD9]  }
0x89: {  	s3 =	sld [smem:$0x3FFE];
	_ =	sdelay $0x1  }
0x8a: {  	s1 =	srdreg.scid  }
0x8b: {  	s0 =	sand.u32 $0x1, s1  }
0x8c: {  	s14 =	sshll.u32 s0, $0xA;
	s2 =	sadd.s32 s3, s2  }
0x8d: {  	s2 =	sadd.s32 s2, s14  }
0x8e: {  	[smem:$0x3FC6] =	sst s2  }
0x8f: {  	_ = 	snop  }
0x90: {  	s2 =	sld [smem:$0x3FD0];
	_ =	sdelay $0x2  }
0x91: {  	s15 =	simm.s32 $0xA;
	s4 =	simm.s32 $0x10  }
0x92: {  	[smem:s4], [sflag:s15] =	dma.local [hbm:s2], $0x1  }
0x93: {  	_ =	swait.eq [sflag:s15], $0x1  }
0x94: {  	[sflag:s15] =	ssyncset.done $0x0  }
0x95: {  	s16 =	sld [smem:$0x11];
	[sflag:s15] =	ssyncadd.s32 $0xFFFFFFFF  }
0x96: {  	s17 =	sld [smem:$0x12];
	(tm) =	ssettm $0x1  }
0x97: {  	s18 =	sld [smem:$0x3FFB];
	_ =	sdelay $0x3  }
0x98: {  	_ =	strace s18  }
0x99: {  	s4 =	sld [smem:$0x3FFC];
	_ =	sdelay $0x3  }
0x9a: {  	_ =	strace s4  }
0x9b: {  	s4 =	sld [smem:$0x3FFD];
	_ =	sdelay $0x3  }
0x9c: {  	_ =	strace s4  }
0x9d: {  	_ =	strace $0x8FFFFFFF  }
0x9e: {  	s19 =	sld [smem:$0x3FDB];
	_ =	sdelay $0x1  }
0x9f: {  	s5 =	simm.s32 $_scs_section_size  }
0xa0: {  	s6 =	simm.s32 $_size__tile_overlayer_lowered;
	s7 =	simm.s32 $_tile_overlayer_lowered  }
0xa1: {  	s22 =	simm.s32 $0x1BFF;
	s21 =	sshll.u32 s7, $0x1;
	s4 =	sadd.s32 s5, s19  }
0xa2: {  	s8 =	simm.s32 $0x0;
	s20 =	sshll.u32 s6, $0x1;
	s6 =	sadd.s32 s21, s4  }
0xa3: {  	[timem:s8], [sflag:s22] =	dma.local [hbm:s6], s20  }
0xa4: {  	_ =	swait.ge [sflag:s22], s20  }
0xa5: {  	s5 =	ssub.s32 $0x0, s20;
	[sflag:s22] =	ssyncset.done $0x0  }
0xa6: {  	[sflag:s22] =	ssyncadd.s32 s5;
	_ =	sdelay $0x1  }
0xa7: {  	s23 =	simm.s32 $0x1B8B  }
0xa8: {  	_ =	swait.ge [sflag:s23], $0x1  }
0xa9: {  	[sflag:s23] =	ssyncset.done $0x0  }
0xaa: {  	s25 =	simm.s32 $0x1B8E;
	s24 =	sld [smem:$0x3FFE];
	[sflag:s23] =	ssyncadd.s32 $0xFFFFFFFF  }
0xab: {  	s26 =	simm.s32 $execute0_lowered;
	[smem:$0x3FD2] =	sst s25  }
0xac: {  	s6 =	sshll.u32 s26, $0x1;
	_ =	strace $0x80000046;
	[dreg:$0x1] =	wrdreg $0xFFFFFFFF  }
0xad: {  	s28 =	simm.s32 $_size_execute0_lowered;
	s4 =	sadd.s32 s4, s6;
	[dreg:$0x0] =	wrdreg $0x0  }
0xae: {  	s6 =	sshll.u32 s28, $0x1;
	[dreg:$0x2] =	wrdreg s4  }
0xaf: {  	[dreg:$0x3] =	wrdreg s6  }
0xb0: {  	[dreg:$0x4] =	wrdreg $0xC0  }
0xb1: {  	_ =	task [dreg:s8], $0x5FFFF  }
0xb2: {  	[dreg:$0x1] =	wrdreg $0xFFFFFFFF  }
0xb3: {  	[dreg:$0x0] =	wrdreg $0x60  }
0xb4: {  	[dreg:$0x2] =	wrdreg s24  }
0xb5: {  	[dreg:$0x3] =	wrdreg s16  }
0xb6: {  	[dreg:$0x4] =	wrdreg s17  }
0xb7: {  	[dreg:$0x5] =	wrdreg $0x9  }
0xb8: {  	_ =	task.clear_ibuf [dreg:s8], $0x6FFFF;
	_ =	strace $0x90000046  }
0xb9: {  	s29 =	simm.s32 $0x9;
	_ =	strace $0x80000048  }
0xba: {  	_ =	swait.ge [sflag:s29], $0x1  }
0xbb: {  	[sflag:s29] =	ssyncadd.s32 $0xFFFFFFFF  }
0xbc: {  	_ =	strace $0x90000048  }
0xbd: {  	_ =	sfence  }
0xbe: {  	s30 =	sld [smem:$0x0];
	_ =	sdelay $0x2  }
0xbf: {  	s31 =	sshll.u32 s1, $0xD;
	s1 =	sshrl.u32 s1, $0x2  }
0xc0: {  	s3 =	sand.u32 $0x4000, s31;
	s1 =	sadd.s32 s1, s30  }
0xc1: {  	s0 =	sor.u32 s3, s0;
	s1 =	sshll.u32 s1, $0x11  }
0xc2: {  	s0 =	sor.u32 s1, s0  }
0xc3: {  	s0 =	sadd.s32 $0x8F2B, s0  }
0xc4: {  	[sflag:s0] =	ssyncadd.remote.s32 $0x1  }
0xc5: {  	_ =	sfence.sel $0xFFFF  }
0xc6: {  	[dreg:$0x0] =	wrdreg $0xFFFFFFFF;
	(pc) =	sbr.abs _section_cstart, $3  }
0xc7: {  	[dreg:$0x1] =	wrdreg $0xFFFFFFFF  }
0xc8: {  	_ =	task.clear_ibuf [dreg:s8], $0x2FFFF;
	_ =	strace $0x9FFFFFFF  }
0xc9: {  	(tm) =	ssettm $0x7FFFFFFF  }
tec
execute0_lowered:
.L_overlay_start_1:
0x0: {  	(tag) =	ssettag $0x1  }
0x1: {  	s12 =	rddreg [dreg:$0x0];
	s1 =	srdreg.scid  }
0x2: {  	s19 =	rddreg [dreg:$0x1];
	s0 =	stileid.u32;
	s21 =	sand.u32 $0x1, s1  }
0x3: {  	s20 =	rddreg [dreg:$0x2];
	s3 =	sshll.u32 s0, $0xD;
	s4 =	sshll.u32 s21, $0xC  }
0x4: {  	s2 =	simm.s32 $0x0;
	s1 =	rddreg [dreg:$0x3];
	s22 =	sor.u32 s4, s3  }
0x5: {  	[smem:$0x7FF] =	sst s2;
	s3 =	sshrl.u32 s22, $0x3  }
0x6: {  	_ =	strace $0x80000047;
	s4 =	sadd.s32 s19, s3;
	s3 =	simm.s32 $0x3  }
0x7: {  	[tilespmem:s2], [sflag:$0x3] =	stream.linear.gather [hbm4b:s4+s2], $0x400, $0x38;
	[tilespmem:$0x14400] =	vst v63  }
0x8: {  	_ =	swait.ge [sflag:s3], $0x400  }
0x9: {  	[sflag:s3] =	ssyncset.done $0x0  }
0xa: {  	s6 =	simm.s32 $0x400;
	s5 =	sadd.s32 $0x103600, s12;
	[sflag:s3] =	ssyncadd.s32 $0xFFFFFC00  }
0xb: {  	[tilespmem:s6], [sflag:$0x1] =	stream.indirect.gather [hbm4b:s5+s6], $0x40, s2, s6, $0xb8;
	[tilespmem:$0x14400] =	vst v63  }
0xc: {  	s8 =	simm.s32 $0x10400;
	s9 =	simm.s32 $0x1;
	s7 =	sadd.s32 $0x3000, s12  }
0xd: {  	[tilespmem:s8], [sflag:$0x2] =	stream.indirect.gather [hbm4b:s7+s6], $0x10, s2, s6, $0xb8;
	[tilespmem:$0x14400] =	vst v63  }
0xe: {  	_ =	swait.ge [sflag:s9], $0x10000  }
0xf: {  	[sflag:s9] =	ssyncset.done $0x0  }
0x10: {  	s10 =	simm.s32 $0x2;
	[sflag:s9] =	ssyncadd.s32 $0xFFFF0000  }
0x11: {  	_ =	swait.ge [sflag:s10], $0x4000  }
0x12: {  	s11 =	sshll.u32 s22, $0x3;
	[sflag:s10] =	ssyncset.done $0x0  }
0x13: {  	s11 =	sadd.s32 s20, s11;
	[sflag:s10] =	ssyncadd.s32 $0xFFFFC000  }
0x14: {  	[hbm4b:s11+s2] =	stream.linear.scatter [tilespmem:s6], [sflag:$0x3], $0x10000, $0x38;
	[tilespmem:$0x14400] =	vst v63  }
0x15: {  	_ =	swait.ge [sflag:s3], $0x10000  }
0x16: {  	s23 =	sadd.s32 $0x23000, s12;
	s26 =	sshll.u32 s22, $0x1;
	[sflag:s3] =	ssyncset.done $0x0  }
0x17: {  	s12 =	sadd.s32 s23, s26;
	[sflag:s3] =	ssyncadd.s32 $0xFFFF0000  }
0x18: {  	[hbm4b:s12+s2] =	stream.linear.scatter [tilespmem:s8], [sflag:$0x3], $0x4000, $0x38;
	[tilespmem:$0x14400] =	vst v63  }
0x19: {  	s15 =	sor.u32 $0x400, s22;
	_ =	swait.ge [sflag:s3], $0x4000  }
0x1a: {  	s13 =	sshrl.u32 s15, $0x3;
	[sflag:s3] =	ssyncset.done $0x0  }
0x1b: {  	s13 =	sadd.s32 s19, s13;
	[sflag:s3] =	ssyncadd.s32 $0xFFFFC000  }
0x1c: {  	[tilespmem:s2], [sflag:$0x3] =	stream.linear.gather [hbm4b:s13+s2], $0x400, $0x38;
	[tilespmem:$0x14400] =	vst v63  }
0x1d: {  	_ =	swait.ge [sflag:s3], $0x400  }
0x1e: {  	[sflag:s3] =	ssyncset.done $0x0  }
0x1f: {  	[sflag:s3] =	ssyncadd.s32 $0xFFFFFC00  }
0x20: {  	[tilespmem:s6], [sflag:$0x1] =	stream.indirect.gather [hbm4b:s5+s6], $0x40, s2, s6, $0xb8;
	[tilespmem:$0x14400] =	vst v63  }
0x21: {  	_ = 	snop  }
0x22: {  	[tilespmem:s8], [sflag:$0x2] =	stream.indirect.gather [hbm4b:s7+s6], $0x10, s2, s6, $0xb8;
	[tilespmem:$0x14400] =	vst v63  }
0x23: {  	_ =	swait.ge [sflag:s9], $0x10000  }
0x24: {  	[sflag:s9] =	ssyncset.done $0x0  }
0x25: {  	[sflag:s9] =	ssyncadd.s32 $0xFFFF0000  }
0x26: {  	_ =	swait.ge [sflag:s10], $0x4000  }
0x27: {  	s14 =	sshll.u32 s15, $0x3;
	[sflag:s10] =	ssyncset.done $0x0  }
0x28: {  	s14 =	sadd.s32 s20, s14;
	[sflag:s10] =	ssyncadd.s32 $0xFFFFC000  }
0x29: {  	[hbm4b:s14+s2] =	stream.linear.scatter [tilespmem:s6], [sflag:$0x3], $0x10000, $0x38;
	[tilespmem:$0x14400] =	vst v63  }
0x2a: {  	_ =	swait.ge [sflag:s3], $0x10000  }
0x2b: {  	s15 =	sshll.u32 s15, $0x1;
	[sflag:s3] =	ssyncset.done $0x0  }
0x2c: {  	s15 =	sadd.s32 s23, s15;
	[sflag:s3] =	ssyncadd.s32 $0xFFFF0000  }
0x2d: {  	[hbm4b:s15+s2] =	stream.linear.scatter [tilespmem:s8], [sflag:$0x3], $0x4000, $0x38;
	[tilespmem:$0x14400] =	vst v63  }
0x2e: {  	s18 =	sor.u32 $0x800, s22;
	_ =	swait.ge [sflag:s3], $0x4000  }
0x2f: {  	s16 =	sshrl.u32 s18, $0x3;
	[sflag:s3] =	ssyncset.done $0x0  }
0x30: {  	s16 =	sadd.s32 s19, s16;
	[sflag:s3] =	ssyncadd.s32 $0xFFFFC000  }
0x31: {  	[tilespmem:s2], [sflag:$0x3] =	stream.linear.gather [hbm4b:s16+s2], $0x400, $0x38;
	[tilespmem:$0x14400] =	vst v63  }
0x32: {  	_ =	swait.ge [sflag:s3], $0x400  }
0x33: {  	[sflag:s3] =	ssyncset.done $0x0  }
0x34: {  	[sflag:s3] =	ssyncadd.s32 $0xFFFFFC00  }
0x35: {  	[tilespmem:s6], [sflag:$0x1] =	stream.indirect.gather [hbm4b:s5+s6], $0x40, s2, s6, $0xb8;
	[tilespmem:$0x14400] =	vst v63  }
0x36: {  	_ = 	snop  }
0x37: {  	[tilespmem:s8], [sflag:$0x2] =	stream.indirect.gather [hbm4b:s7+s6], $0x10, s2, s6, $0xb8;
	[tilespmem:$0x14400] =	vst v63  }
0x38: {  	_ =	swait.ge [sflag:s9], $0x10000  }
0x39: {  	[sflag:s9] =	ssyncset.done $0x0  }
0x3a: {  	[sflag:s9] =	ssyncadd.s32 $0xFFFF0000  }
0x3b: {  	_ =	swait.ge [sflag:s10], $0x4000  }
0x3c: {  	s17 =	sshll.u32 s18, $0x3;
	[sflag:s10] =	ssyncset.done $0x0  }
0x3d: {  	s17 =	sadd.s32 s20, s17;
	[sflag:s10] =	ssyncadd.s32 $0xFFFFC000  }
0x3e: {  	[hbm4b:s17+s2] =	stream.linear.scatter [tilespmem:s6], [sflag:$0x3], $0x10000, $0x38;
	[tilespmem:$0x14400] =	vst v63  }
0x3f: {  	_ =	swait.ge [sflag:s3], $0x10000  }
0x40: {  	s18 =	sshll.u32 s18, $0x1;
	[sflag:s3] =	ssyncset.done $0x0  }
0x41: {  	s18 =	sadd.s32 s23, s18;
	[sflag:s3] =	ssyncadd.s32 $0xFFFF0000  }
0x42: {  	[hbm4b:s18+s2] =	stream.linear.scatter [tilespmem:s8], [sflag:$0x3], $0x4000, $0x38;
	[tilespmem:$0x14400] =	vst v63  }
0x43: {  	s22 =	sor.u32 $0xC00, s22;
	_ =	swait.ge [sflag:s3], $0x4000  }
0x44: {  	s24 =	sshrl.u32 s22, $0x3;
	[sflag:s3] =	ssyncset.done $0x0  }
0x45: {  	s19 =	sadd.s32 s19, s24;
	[sflag:s3] =	ssyncadd.s32 $0xFFFFC000  }
0x46: {  	[tilespmem:s2], [sflag:$0x3] =	stream.linear.gather [hbm4b:s19+s2], $0x400, $0x38;
	[tilespmem:$0x14400] =	vst v63  }
0x47: {  	_ =	swait.ge [sflag:s3], $0x400  }
0x48: {  	[sflag:s3] =	ssyncset.done $0x0  }
0x49: {  	[sflag:s3] =	ssyncadd.s32 $0xFFFFFC00  }
0x4a: {  	[tilespmem:s6], [sflag:$0x1] =	stream.indirect.gather [hbm4b:s5+s6], $0x40, s2, s6, $0xb8;
	[tilespmem:$0x14400] =	vst v63  }
0x4b: {  	_ = 	snop  }
0x4c: {  	[tilespmem:s8], [sflag:$0x2] =	stream.indirect.gather [hbm4b:s7+s6], $0x10, s2, s6, $0xb8;
	[tilespmem:$0x14400] =	vst v63  }
0x4d: {  	_ =	swait.ge [sflag:s9], $0x10000  }
0x4e: {  	[sflag:s9] =	ssyncset.done $0x0  }
0x4f: {  	s21 =	ssub.s32 $0x2, s21;
	[sflag:s9] =	ssyncadd.s32 $0xFFFF0000  }
0x50: {  	s29 =	sshrl.u32 s21, $0x1;
	_ =	swait.ge [sflag:s10], $0x4000  }
0x51: {  	s28 =	sshll.u32 s22, $0x3;
	s24 =	ssub.s32 s21, s29;
	[sflag:s10] =	ssyncset.done $0x0  }
0x52: {  	s20 =	sadd.s32 s20, s28;
	s31 =	smax.u32 s24, $0x1;
	[sflag:s10] =	ssyncadd.s32 $0xFFFFC000  }
0x53: {  	[hbm4b:s20+s2] =	stream.linear.scatter [tilespmem:s6], [sflag:$0x3], $0x10000, $0x38;
	[tilespmem:$0x14400] =	vst v63  }
0x54: {  	p0 =	sne.s32 s31, $0x1;
	_ =	swait.ge [sflag:s3], $0x10000  }
.Ltmp0:
0x55: {  	s30 =	sshll.u32 s22, $0x1;
	[sflag:s3] =	ssyncset.done $0x0;
	(pc) =	sbr.rel @!p0 .LBB2_2-.Ltmp0, $4  }
0x56: {  	s21 =	sadd.s32 s23, s30;
	[sflag:s3] =	ssyncadd.s32 $0xFFFF0000  }
0x57: {  	[hbm4b:s21+s2] =	stream.linear.scatter [tilespmem:s8], [sflag:$0x3], $0x4000, $0x38;
	[tilespmem:$0x14400] =	vst v63  }
0x58: {  	_ =	swait.ge [sflag:s3], $0x4000  }
0x59: {  	s22 =	sadd.s32 $0xFFFFFFFF, s31;
	[sflag:s3] =	ssyncset.done $0x0  }
.LBB2_1:
0x5a: {  	p0 =	sne.s32 s22, $0x1;
	s22 =	sadd.s32 $0xFFFFFFFF, s22;
	[sflag:s3] =	ssyncadd.s32 $0xFFFFC000  }
0x5b: {  	[tilespmem:s2], [sflag:$0x3] =	stream.linear.gather [hbm4b:s4+s2], $0x400, $0x38;
	[tilespmem:$0x14400] =	vst v63  }
0x5c: {  	_ =	swait.ge [sflag:s3], $0x400  }
0x5d: {  	[sflag:s3] =	ssyncset.done $0x0  }
0x5e: {  	[sflag:s3] =	ssyncadd.s32 $0xFFFFFC00  }
0x5f: {  	[tilespmem:s6], [sflag:$0x1] =	stream.indirect.gather [hbm4b:s5+s6], $0x40, s2, s6, $0xb8;
	[tilespmem:$0x14400] =	vst v63  }
0x60: {  	_ = 	snop  }
0x61: {  	[tilespmem:s8], [sflag:$0x2] =	stream.indirect.gather [hbm4b:s7+s6], $0x10, s2, s6, $0xb8;
	[tilespmem:$0x14400] =	vst v63  }
0x62: {  	_ =	swait.ge [sflag:s9], $0x10000  }
0x63: {  	[sflag:s9] =	ssyncset.done $0x0  }
0x64: {  	[sflag:s9] =	ssyncadd.s32 $0xFFFF0000  }
0x65: {  	_ =	swait.ge [sflag:s10], $0x4000  }
0x66: {  	[sflag:s10] =	ssyncset.done $0x0  }
0x67: {  	[sflag:s10] =	ssyncadd.s32 $0xFFFFC000  }
0x68: {  	[hbm4b:s11+s2] =	stream.linear.scatter [tilespmem:s6], [sflag:$0x3], $0x10000, $0x38;
	[tilespmem:$0x14400] =	vst v63  }
0x69: {  	_ =	swait.ge [sflag:s3], $0x10000  }
0x6a: {  	[sflag:s3] =	ssyncset.done $0x0  }
0x6b: {  	[sflag:s3] =	ssyncadd.s32 $0xFFFF0000  }
0x6c: {  	[hbm4b:s12+s2] =	stream.linear.scatter [tilespmem:s8], [sflag:$0x3], $0x4000, $0x38;
	[tilespmem:$0x14400] =	vst v63  }
0x6d: {  	_ =	swait.ge [sflag:s3], $0x4000  }
0x6e: {  	[sflag:s3] =	ssyncset.done $0x0  }
0x6f: {  	[sflag:s3] =	ssyncadd.s32 $0xFFFFC000  }
0x70: {  	[tilespmem:s2], [sflag:$0x3] =	stream.linear.gather [hbm4b:s13+s2], $0x400, $0x38;
	[tilespmem:$0x14400] =	vst v63  }
0x71: {  	_ =	swait.ge [sflag:s3], $0x400  }
0x72: {  	[sflag:s3] =	ssyncset.done $0x0  }
0x73: {  	[sflag:s3] =	ssyncadd.s32 $0xFFFFFC00  }
0x74: {  	[tilespmem:s6], [sflag:$0x1] =	stream.indirect.gather [hbm4b:s5+s6], $0x40, s2, s6, $0xb8;
	[tilespmem:$0x14400] =	vst v63  }
0x75: {  	_ = 	snop  }
0x76: {  	[tilespmem:s8], [sflag:$0x2] =	stream.indirect.gather [hbm4b:s7+s6], $0x10, s2, s6, $0xb8;
	[tilespmem:$0x14400] =	vst v63  }
0x77: {  	_ =	swait.ge [sflag:s9], $0x10000  }
0x78: {  	[sflag:s9] =	ssyncset.done $0x0  }
0x79: {  	[sflag:s9] =	ssyncadd.s32 $0xFFFF0000  }
0x7a: {  	_ =	swait.ge [sflag:s10], $0x4000  }
0x7b: {  	[sflag:s10] =	ssyncset.done $0x0  }
0x7c: {  	[sflag:s10] =	ssyncadd.s32 $0xFFFFC000  }
0x7d: {  	[hbm4b:s14+s2] =	stream.linear.scatter [tilespmem:s6], [sflag:$0x3], $0x10000, $0x38;
	[tilespmem:$0x14400] =	vst v63  }
0x7e: {  	_ =	swait.ge [sflag:s3], $0x10000  }
0x7f: {  	[sflag:s3] =	ssyncset.done $0x0  }
0x80: {  	[sflag:s3] =	ssyncadd.s32 $0xFFFF0000  }
0x81: {  	[hbm4b:s15+s2] =	stream.linear.scatter [tilespmem:s8], [sflag:$0x3], $0x4000, $0x38;
	[tilespmem:$0x14400] =	vst v63  }
0x82: {  	_ =	swait.ge [sflag:s3], $0x4000  }
0x83: {  	[sflag:s3] =	ssyncset.done $0x0  }
0x84: {  	[sflag:s3] =	ssyncadd.s32 $0xFFFFC000  }
0x85: {  	[tilespmem:s2], [sflag:$0x3] =	stream.linear.gather [hbm4b:s16+s2], $0x400, $0x38;
	[tilespmem:$0x14400] =	vst v63  }
0x86: {  	_ =	swait.ge [sflag:s3], $0x400  }
0x87: {  	[sflag:s3] =	ssyncset.done $0x0  }
0x88: {  	[sflag:s3] =	ssyncadd.s32 $0xFFFFFC00  }
0x89: {  	[tilespmem:s6], [sflag:$0x1] =	stream.indirect.gather [hbm4b:s5+s6], $0x40, s2, s6, $0xb8;
	[tilespmem:$0x14400] =	vst v63  }
0x8a: {  	_ = 	snop  }
0x8b: {  	[tilespmem:s8], [sflag:$0x2] =	stream.indirect.gather [hbm4b:s7+s6], $0x10, s2, s6, $0xb8;
	[tilespmem:$0x14400] =	vst v63  }
0x8c: {  	_ =	swait.ge [sflag:s9], $0x10000  }
0x8d: {  	[sflag:s9] =	ssyncset.done $0x0  }
0x8e: {  	[sflag:s9] =	ssyncadd.s32 $0xFFFF0000  }
0x8f: {  	_ =	swait.ge [sflag:s10], $0x4000  }
0x90: {  	[sflag:s10] =	ssyncset.done $0x0  }
0x91: {  	[sflag:s10] =	ssyncadd.s32 $0xFFFFC000  }
0x92: {  	[hbm4b:s17+s2] =	stream.linear.scatter [tilespmem:s6], [sflag:$0x3], $0x10000, $0x38;
	[tilespmem:$0x14400] =	vst v63  }
0x93: {  	_ =	swait.ge [sflag:s3], $0x10000  }
0x94: {  	[sflag:s3] =	ssyncset.done $0x0  }
0x95: {  	[sflag:s3] =	ssyncadd.s32 $0xFFFF0000  }
0x96: {  	[hbm4b:s18+s2] =	stream.linear.scatter [tilespmem:s8], [sflag:$0x3], $0x4000, $0x38;
	[tilespmem:$0x14400] =	vst v63  }
0x97: {  	_ =	swait.ge [sflag:s3], $0x4000  }
0x98: {  	[sflag:s3] =	ssyncset.done $0x0  }
0x99: {  	[sflag:s3] =	ssyncadd.s32 $0xFFFFC000  }
0x9a: {  	[tilespmem:s2], [sflag:$0x3] =	stream.linear.gather [hbm4b:s19+s2], $0x400, $0x38;
	[tilespmem:$0x14400] =	vst v63  }
0x9b: {  	_ =	swait.ge [sflag:s3], $0x400  }
0x9c: {  	[sflag:s3] =	ssyncset.done $0x0  }
0x9d: {  	[sflag:s3] =	ssyncadd.s32 $0xFFFFFC00  }
0x9e: {  	[tilespmem:s6], [sflag:$0x1] =	stream.indirect.gather [hbm4b:s5+s6], $0x40, s2, s6, $0xb8;
	[tilespmem:$0x14400] =	vst v63  }
0x9f: {  	_ = 	snop  }
0xa0: {  	[tilespmem:s8], [sflag:$0x2] =	stream.indirect.gather [hbm4b:s7+s6], $0x10, s2, s6, $0xb8;
	[tilespmem:$0x14400] =	vst v63  }
0xa1: {  	_ =	swait.ge [sflag:s9], $0x10000  }
0xa2: {  	[sflag:s9] =	ssyncset.done $0x0  }
0xa3: {  	[sflag:s9] =	ssyncadd.s32 $0xFFFF0000  }
0xa4: {  	_ =	swait.ge [sflag:s10], $0x4000  }
0xa5: {  	[sflag:s10] =	ssyncset.done $0x0  }
0xa6: {  	[sflag:s10] =	ssyncadd.s32 $0xFFFFC000  }
0xa7: {  	[hbm4b:s20+s2] =	stream.linear.scatter [tilespmem:s6], [sflag:$0x3], $0x10000, $0x38;
	[tilespmem:$0x14400] =	vst v63  }
0xa8: {  	_ =	swait.ge [sflag:s3], $0x10000  }
.Ltmp1:
0xa9: {  	[sflag:s3] =	ssyncset.done $0x0;
	(pc) =	sbr.rel @p0 .LBB2_1-.Ltmp1, $4  }
0xaa: {  	[sflag:s3] =	ssyncadd.s32 $0xFFFF0000  }
0xab: {  	[hbm4b:s21+s2] =	stream.linear.scatter [tilespmem:s8], [sflag:$0x3], $0x4000, $0x38;
	[tilespmem:$0x14400] =	vst v63  }
0xac: {  	_ =	swait.ge [sflag:s3], $0x4000  }
0xad: {  	[sflag:s3] =	ssyncset.done $0x0  }
.LBB2_2:
0xae: {  	[sflag:s3] =	ssyncadd.s32 $0xFFFFC000  }
0xaf: {  	_ =	sfence.sel $0x180000  }
0xb0: {  	[bflag:$0x0] =	sbarrier.arrive $0xFFFF  }
0xb1: {  	p0 =	sne.s32 s0, $0x0;
	_ =	strace $0x90000047  }
0xb2: {  	s0 =	sadd.s32 @!p0 $0x100000, s1;
	[bflag:$0x2] =	sbarrier.arrive $0xFFFF  }
0xb3: {  	[sflag:s0] =	ssyncadd.tile.s32 @!p0 $0x1;
	_ =	shalt  }
.Lfunc_end2:
_tile_overlayer_lowered:
.L_overlay_start_2:
0xb4: {  	(tag) =	ssettag $0x2  }
0xb5: {  	s0 =	rddreg [dreg:$0x0];
	s2 =	stileid.u32  }
0xb6: {  	s1 =	rddreg [dreg:$0x1];
	p0 =	sne.s32 s2, $0x0  }
0xb7: {  	s3 =	rddreg [dreg:$0x2];
	[bflag:$0x3] =	sbarrier.arrive $0xFFFF;
	s2 =	simm.s32 @!p0 $0x1C03  }
0xb8: {  	[timem:s3], [sflag:s2] =	dma.local @!p0 [hbm:s0], s1  }
0xb9: {  	s0 =	simm.s32 @!p0 $0x3  }
0xba: {  	_ =	swait.ge @!p0 [sflag:s0], s1  }
0xbb: {  	s1 =	ssub.s32 @!p0 $0x0, s1;
	[sflag:s0] =	ssyncset.done @!p0 $0x0  }
0xbc: {  	[sflag:s0] =	ssyncadd.s32 @!p0 s1  }
0xbd: {  	[bflag:$0x3] =	sbarrier.arrive $0xFFFF  }
0xbe: {  	_ =	shalt  }

// kernel: sparse-core-data-format-call.cloned.1.call-start
scs
called_computation_lowered:
.L_overlay_start_0:
0x0: {  	s2 =	sld [smem:$0x3FD9]  }
0x1: {  	s3 =	sld [smem:$0x3FFE];
	_ =	sdelay $0x1  }
0x2: {  	s1 =	srdreg.scid  }
0x3: {  	s0 =	sand.u32 $0x1, s1  }
0x4: {  	s15 =	sshll.u32 s0, $0xA;
	s2 =	sadd.s32 s3, s2  }
0x5: {  	s2 =	sadd.s32 s2, s15  }
0x6: {  	[smem:$0x3FC6] =	sst s2  }
0x7: {  	_ = 	snop  }
0x8: {  	s2 =	sld [smem:$0x3FD0];
	_ =	sdelay $0x2  }
0x9: {  	s16 =	simm.s32 $0xA;
	s4 =	simm.s32 $0x10  }
0xa: {  	[smem:s4], [sflag:s16] =	dma.local [hbm:s2], $0x1  }
0xb: {  	_ =	swait.eq [sflag:s16], $0x1  }
0xc: {  	[sflag:s16] =	ssyncset.done $0x0  }
0xd: {  	[sflag:s16] =	ssyncadd.s32 $0xFFFFFFFF  }
0xe: {  	s17 =	sld [smem:$0x12];
	(tm) =	ssettm $0x1  }
0xf: {  	s18 =	sld [smem:$0x3FFB];
	_ =	sdelay $0x3  }
0x10: {  	_ =	strace s18  }
0x11: {  	s3 =	sld [smem:$0x3FFC];
	_ =	sdelay $0x3  }
0x12: {  	_ =	strace s3  }
0x13: {  	s3 =	sld [smem:$0x3FFD];
	_ =	sdelay $0x3  }
0x14: {  	_ =	strace s3  }
0x15: {  	_ =	strace $0x8FFFFFFF  }
0x16: {  	s19 =	sld [smem:$0x3FDB];
	_ =	sdelay $0x1  }
0x17: {  	s20 =	simm.s32 $_scs_section_size  }
0x18: {  	s5 =	simm.s32 $_size__tile_overlayer_lowered;
	s6 =	simm.s32 $_tile_overlayer_lowered  }
0x19: {  	s23 =	simm.s32 $0x1BFF;
	s22 =	sshll.u32 s6, $0x1;
	s3 =	sadd.s32 s20, s19  }
0x1a: {  	s7 =	simm.s32 $0x0;
	s21 =	sshll.u32 s5, $0x1;
	s5 =	sadd.s32 s22, s3  }
0x1b: {  	[timem:s7], [sflag:s23] =	dma.local [hbm:s5], s21  }
0x1c: {  	_ =	swait.ge [sflag:s23], s21  }
0x1d: {  	s4 =	ssub.s32 $0x0, s21;
	[sflag:s23] =	ssyncset.done $0x0  }
0x1e: {  	[sflag:s23] =	ssyncadd.s32 s4;
	_ =	sdelay $0x1  }
0x1f: {  	s24 =	simm.s32 $0x1B8B  }
0x20: {  	_ =	swait.ge [sflag:s24], $0x1  }
0x21: {  	[sflag:s24] =	ssyncset.done $0x0  }
0x22: {  	s26 =	simm.s32 $0x1B8E;
	s25 =	sld [smem:$0x3FFE];
	[sflag:s24] =	ssyncadd.s32 $0xFFFFFFFF  }
0x23: {  	s27 =	simm.s32 $execute0_lowered;
	[smem:$0x3FD2] =	sst s26  }
0x24: {  	s5 =	sshll.u32 s27, $0x1;
	_ =	strace $0x80000049;
	[dreg:$0x1] =	wrdreg $0xFFFFFFFF  }
0x25: {  	s28 =	simm.s32 $_size_execute0_lowered;
	s3 =	sadd.s32 s3, s5;
	[dreg:$0x0] =	wrdreg $0x0  }
0x26: {  	s5 =	sshll.u32 s28, $0x1;
	[dreg:$0x2] =	wrdreg s3  }
0x27: {  	[dreg:$0x3] =	wrdreg s5  }
0x28: {  	[dreg:$0x4] =	wrdreg $0xC0  }
0x29: {  	_ =	task [dreg:s7], $0x5FFFF  }
0x2a: {  	[dreg:$0x1] =	wrdreg $0xFFFFFFFF  }
0x2b: {  	[dreg:$0x0] =	wrdreg $0x60  }
0x2c: {  	[dreg:$0x2] =	wrdreg s25  }
0x2d: {  	[dreg:$0x3] =	wrdreg s17  }
0x2e: {  	[dreg:$0x4] =	wrdreg $0x9  }
0x2f: {  	_ =	task.clear_ibuf [dreg:s7], $0x5FFFF;
	_ =	strace $0x90000049  }
0x30: {  	s29 =	simm.s32 $0x9;
	_ =	strace $0x8000004B  }
0x31: {  	_ =	swait.ge [sflag:s29], $0x1  }
0x32: {  	[sflag:s29] =	ssyncadd.s32 $0xFFFFFFFF  }
0x33: {  	_ =	strace $0x9000004B  }
0x34: {  	_ =	sfence  }
0x35: {  	s30 =	sld [smem:$0x0];
	_ =	sdelay $0x2  }
0x36: {  	s31 =	sshll.u32 s1, $0xD;
	s1 =	sshrl.u32 s1, $0x2  }
0x37: {  	s3 =	sand.u32 $0x4000, s31;
	s1 =	sadd.s32 s1, s30  }
0x38: {  	s0 =	sor.u32 s3, s0;
	s1 =	sshll.u32 s1, $0x11  }
0x39: {  	s0 =	sor.u32 s1, s0  }
0x3a: {  	s0 =	sadd.s32 $0x8F2B, s0  }
0x3b: {  	[sflag:s0] =	ssyncadd.remote.s32 $0x1  }
0x3c: {  	_ =	sfence.sel $0xFFFF  }
0x3d: {  	[dreg:$0x0] =	wrdreg $0xFFFFFFFF;
	(pc) =	sbr.abs _section_cstart, $3  }
0x3e: {  	[dreg:$0x1] =	wrdreg $0xFFFFFFFF  }
0x3f: {  	_ =	task.clear_ibuf [dreg:s7], $0x2FFFF;
	_ =	strace $0x9FFFFFFF  }
0x40: {  	(tm) =	ssettm $0x7FFFFFFF  }
0x41: {  	_ =	shalt  }
tec
execute0_lowered:
.L_overlay_start_1:
0x0: {  	(tag) =	ssettag $0x1  }
0x1: {  	s0 =	stileid.u32;
	s4 =	rddreg [dreg:$0x0]  }
0x2: {  	s1 =	srdreg.scid;
	s3 =	rddreg [dreg:$0x1];
	s7 =	simm.s32 $0x1  }
0x3: {  	s31 =	simm.s32 $0x2;
	s2 =	sshll.u32 s0, $0x4;
	s1 =	sshll.u32 s1, $0x8  }
0x4: {  	s15 =	simm.s32 $0x0;
	s9 =	simm.s32 $0x1000;
	s1 =	sor.u32 s2, s1  }
0x5: {  	s14 =	simm.s32 $0x0;
	s16 =	simm.s32 $0x0;
	s2 =	sand.u32 $0x180, s1  }
0x6: {  	s10 =	simm.s32 $0x0;
	s13 =	simm.s32 $0x0;
	s5 =	ssub.s32 $0x200, s2  }
0x7: {  	s4 =	sadd.s32 $0x103600, s4;
	s1 =	rddreg [dreg:$0x2];
	s6 =	sand.u32 $0x180, s5  }
.Ltmp0:
0x8: {  	_ =	strace $0x8000004A;
	p0 =	sne.s32 s6, $0x0;
	(pc) =	sbr.rel .LBB1_1-.Ltmp0, $4  }
0x9: {  	s11 =	smov.u32 s2;
	s8 =	sshrl.u32 s5, $0x9;
	s7 =	simm.s32 @!p0 $0x0  }
0xa: {  	s5 =	sand.u32 $0x7, s0;
	s6 =	simm.s32 $0x1;
	s7 =	sadd.s32 s7, s8  }
0xb: {  	s12 =	smov.u32 s5;
	[sflag:s6] =	ssyncpa.u1 $0x0;
	s7 =	sshll.u32 s7, $0x5  }
0xc: {  	p0 =	por $0x0, $0x0;
	[sflag:s31] =	ssyncpa.u1 $0x0;
	s8 =	sor.u32 $0x1, s7  }
.LBB1_4:
0xd: {  	s16 =	sshll.u32 s16, $0x11  }
0xe: {  	s19 =	sand.u32 $0xF80, s14;
	s15 =	sshll.u32 s15, $0xC;
	s16 =	sadd.s32 s3, s16  }
0xf: {  	[tilespmem:s18+$0x810 ss:$0x81] =	vst.msk $0xffff, v2;
	s20 =	sshrl.u32 s14, $0x3;
	s30 =	sand.u32 $0x7, s14;
	s16 =	sadd.s32 s19, s16  }
0x10: {  	[tilespmem:s18+$0x1020 ss:$0x81] =	vst.msk $0xffff, v0;
	s31 =	sand.u32 $0xF, s20;
	s14 =	sshll.u32 s30, $0x12;
	s15 =	sadd.s32 s15, s16  }
0x11: {  	[tilespmem:s18+$0x0 ss:$0x81] =	vst.msk $0xffff, v1;
	s14 =	sor.u32 $0x400, s14;
	s15 =	sadd.s32 s31, s15  }
0x12: {  	[hbm4b:s15+s14] =	stream.strided.scatter [tilespmem:s17], [sflag:$0x2], $0x2000, s9, s14, $0x20;
	[tilespmem:$0x8080] =	vst v63  }
.LBB1_5:
0x13: {  	s17 =	sadd.s32 $0x1, s10  }
0x14: {  	s14 =	sadd.s32 $0x200, s11;
	s18 =	smov.u32 s11;
	p2 =	sgt.s32 s17, $0x1F  }
0x15: {  	s18 =	smov.u32 @p2 s14  }
0x16: {  	s20 =	smov.u32 s12;
	s14 =	sadd.s32 $0x8, s12;
	p3 =	sgt.s32 s18, $0x1FF  }
0x17: {  	s20 =	smov.u32 @p3 s14  }
0x18: {  	s17 =	simm.s32 @p2 $0x0;
	p2 =	sgt.s32 s20, $0x7  }
0x19: {  	p1 =	slt.u32 s13, $0x2;
	s20 =	smov.u32 @p2 s5;
	p2 =	sne.s32 s13, s8  }
.Ltmp1:
0x1a: {  	s19 =	simm.s32 @!p1 $0x2;
	(pc) =	sbr.rel @!p2 .LBB1_6-.Ltmp1, $4  }
0x1b: {  	s15 =	smov.u32 s10;
	s16 =	smov.u32 s12;
	_ =	swait.ge @!p1 [sflag:s19], $0x2000  }
0x1c: {  	p0 =	por !p0, !p0;
	[sflag:s19] =	ssyncset.done @!p1 $0x0;
	s10 =	smov.u32 s17  }
0x1d: {  	s18 =	smov.u32 @p3 s2;
	s14 =	smov.u32 s11;
	[sflag:s19] =	ssyncadd.s32 @!p1 $0xFFFFE000  }
0x1e: {  	s11 =	smov.u32 s18;
	s13 =	sadd.s32 $0x1, s13;
	s12 =	smov.u32 s20  }
.LBB1_1:
0x1f: {  	p1 =	sge.u32 s13, s7;
	s31 =	sadd.s32 $0xFFFFFFFF, s13  }
0x20: {  	s17 =	sxor.u32 @!p1 $0xFFFFFFFF, s13;
	s18 =	sshll.u32 @!p1 s12, $0x12;
	s19 =	sshll.u32 @!p1 s11, $0x9  }
0x21: {  	s20 =	sshll.u32 @!p1 s10, $0x4;
	s17 =	sshll.u32 @!p1 s17, $0xD;
	s18 =	sadd.s32 @!p1 s4, s18  }
0x22: {  	s20 =	sand.u32 @!p1 $0x1F0, s20;
	s17 =	sand.u32 @!p1 $0x2000, s17;
	s18 =	sadd.s32 @!p1 s19, s18  }
0x23: {  	s19 =	simm.s32 @!p1 $0x40;
	s18 =	sadd.s32 @!p1 s20, s18;
	s20 =	simm.s32 @!p1 $0x1000  }
0x24: {  	[tilespmem:s17], [sflag:$0x1] =	stream.strided.gather @!p1 [hbm4b:s18+s19], $0x2000, s20, s19, $0x38;
	[tilespmem:$0x8080] =	vst v63  }
0x25: {  	p1 =	sge.u32 s31, s7  }
.Ltmp2:
0x26: {  	_ = 	snop;
	(pc) =	sbr.rel @p1 .LBB1_5-.Ltmp2, $1  }
0x27: {  	_ =	sdelay $0x3  }
0x28: {  	s17 =	simm.s32 $0x1  }
0x29: {  	_ =	swait.ge [sflag:s6], $0x2000;
	s17 =	simm.s32 @!p0 $0x0  }
0x2a: {  	[sflag:s6] =	ssyncset.done $0x0;
	s18 =	sshll.u32 s17, $0xD  }
0x2b: {  	[sflag:s6] =	ssyncadd.s32 $0xFFFFE000;
	s21 =	sor.u32 $0x20, s18  }
0x2c: {  	s17 =	smul.u32 $0x8100, s17;
	v3 =	vld [tilespmem:s21+$0x10]  }
0x2d: {  	s30 =	sand.u32 $0x1, s13;
	v2 =	vld [tilespmem:s21+$0xFFFFFFF0]  }
0x2e: {  	s18 =	smul.u32 $0x8100, s30;
	s17 =	sshrl.u32 s17, $0x2;
	v0 =	vld [tilespmem:s21+$0x0]  }
0x2f: {  	v1 =	vld [tilespmem:s21+$0xFFFFFFE0];
	s19 =	sor.u32 $0x4000, s17  }
0x30: {  	s31 =	sshrl.u32 s18, $0x2;
	s18 =	sadd.s32 $0x0, s19  }
0x31: {  	s20 =	simm.s32 $0x4;
	s21 =	sadd.s32 $0x40, s21;
	s17 =	sor.u32 $0x4000, s31;
	[tilespmem:s18+$0x1830 ss:$0x81] =	vst.msk $0xffff, v3  }
.LBB1_3:
0x32: {  	v3 =	vld [tilespmem:s21+$0x10];
	p1 =	sne.s32 s20, $0x1FC;
	[tilespmem:s18+$0x810 ss:$0x81] =	vst.msk $0xffff, v2;
	s22 =	smov.u32 s20;
	s20 =	sadd.s32 $0x4, s20  }
.Ltmp3:
0x33: {  	v2 =	vld [tilespmem:s21+$0xFFFFFFF0];
	[tilespmem:s18+$0x1020 ss:$0x81] =	vst.msk $0xffff, v0;
	(pc) =	sbr.rel @p1 .LBB1_3-.Ltmp3, $4  }
0x34: {  	v0 =	vld [tilespmem:s21+$0x0];
	[tilespmem:s18+$0x0 ss:$0x81] =	vst.msk $0xffff, v1  }
0x35: {  	s18 =	sshra.s32 s22, $0x2;
	v1 =	vld [tilespmem:s21+$0xFFFFFFE0]  }
0x36: {  	s18 =	sadd.s32 s18, s19  }
0x37: {  	s21 =	sadd.s32 $0x40, s21;
	[tilespmem:s18+$0x1830 ss:$0x81] =	vst.msk $0xffff, v3  }
.Ltmp4:
0x38: {  	_ = 	snop;
	(pc) =	sbr.rel .LBB1_4-.Ltmp4, $1  }
0x39: {  	_ =	sdelay $0x3  }
.LBB1_6:
0x3a: {  	_ =	sfence.sel $0x180000  }
0x3b: {  	s2 =	simm.s32 $0x1;
	[bflag:$0x0] =	sbarrier.arrive $0xFFFF  }
0x3c: {  	s31 =	simm.s32 $0x2;
	[sflag:s2] =	ssyncpa.u1 $0x1  }
0x3d: {  	[sflag:s31] =	ssyncpa.u1 $0x1  }
0x3e: {  	p0 =	sne.s32 s0, $0x0;
	_ =	strace $0x9000004A  }
0x3f: {  	s0 =	sadd.s32 @!p0 $0x100000, s1;
	[bflag:$0x2] =	sbarrier.arrive $0xFFFF  }
0x40: {  	[sflag:s0] =	ssyncadd.tile.s32 @!p0 $0x1;
	_ =	shalt  }
.Lfunc_end1:
_tile_overlayer_lowered:
.L_overlay_start_2:
0x41: {  	(tag) =	ssettag $0x2  }
0x42: {  	s0 =	rddreg [dreg:$0x0];
	s2 =	stileid.u32  }
0x43: {  	s1 =	rddreg [dreg:$0x1];
	p0 =	sne.s32 s2, $0x0  }
0x44: {  	s3 =	rddreg [dreg:$0x2];
	[bflag:$0x3] =	sbarrier.arrive $0xFFFF;
	s2 =	simm.s32 @!p0 $0x1C01  }
0x45: {  	[timem:s3], [sflag:s2] =	dma.local @!p0 [hbm:s0], s1  }
0x46: {  	s0 =	simm.s32 @!p0 $0x1  }
0x47: {  	_ =	swait.ge @!p0 [sflag:s0], s1  }
0x48: {  	s1 =	ssub.s32 @!p0 $0x0, s1;
	[sflag:s0] =	ssyncset.done @!p0 $0x0  }
0x49: {  	[sflag:s0] =	ssyncadd.s32 @!p0 s1  }
0x4a: {  	[bflag:$0x3] =	sbarrier.arrive $0xFFFF  }
0x4b: {  	_ =	shalt  }

</sc_bundles>
